<compile_context>
chip_gen: v7x
topology: tpu7x:2x2x1
jax: 0.10.2.dev20260603
libtpu: 0.0.44.dev20260713+nightly
codegen_flags: <defaults>
</compile_context>

<pallas_src>
import functools

import jax
import jax.numpy as jnp
from jax import lax
from jax.experimental import pallas as pl
from jax.experimental.pallas import tpu as pltpu
from jax.experimental.pallas import tpu_sc as plsc

EMBED_DIM = 32
VOCAB_ROWS = 1000000
BATCH, SEQ = 16384, 50
B_TOTAL = BATCH * SEQ

_info = plsc.get_sparse_core_info()
_NC, _NS = _info.num_cores, _info.num_subcores
_NW = _NC * _NS
_B_PER_W = B_TOTAL // _NW
_CHUNK = 1600
_NCHUNK = _B_PER_W // _CHUNK

_mesh = plsc.VectorSubcoreMesh(core_axis_name="c", subcore_axis_name="s")


@functools.partial(
    pl.kernel,
    mesh=_mesh,
    out_type=jax.ShapeDtypeStruct((B_TOTAL, EMBED_DIM), jnp.float32),
    scratch_types=[
        pltpu.VMEM((2, _CHUNK), jnp.int32),
        pltpu.VMEM((2, _CHUNK, EMBED_DIM), jnp.float32),
        pltpu.SemaphoreType.DMA,
        pltpu.SemaphoreType.DMA,
    ],
    compiler_params=pltpu.CompilerParams(use_tc_tiling_on_sc=False),
)
def _gather(table_hbm, idx_hbm, out_hbm, idx_v, rows_v, sem0, sem1):
    wid = lax.axis_index("s") * _NC + lax.axis_index("c")
    base = wid * _B_PER_W
    sems = (sem0, sem1)

    def load_and_fire(g):
        b = g % 2
        pltpu.sync_copy(idx_hbm.at[pl.ds(base + g * _CHUNK, _CHUNK)], idx_v.at[b])
        return pltpu.async_copy(table_hbm.at[idx_v.at[b]], rows_v.at[b], sems[b])

    copies = [None] * _NCHUNK
    copies[0] = load_and_fire(0)
    for g in range(_NCHUNK):
        if g + 1 < _NCHUNK:
            copies[g + 1] = load_and_fire(g + 1)
        copies[g].wait()
        pltpu.sync_copy(rows_v.at[g % 2],
                        out_hbm.at[pl.ds(base + g * _CHUNK, _CHUNK)])


def kernel(x, embed_weight):
    t2 = jax.lax.optimization_barrier(jnp.reshape(embed_weight, (250000, 128)))
    t_lin = jnp.reshape(t2, (VOCAB_ROWS, EMBED_DIM))
    idx = x.reshape(-1).astype(jnp.int32)
    out = _gather(t_lin, idx)
    o2 = jax.lax.optimization_barrier(jnp.reshape(out, (B_TOTAL // 4, 128)))
    return jnp.reshape(o2, (BATCH, SEQ, EMBED_DIM))

# --- scband reference (transcript-rebuilt; emitter-appended) ---
"""Pipeline reference for scband-skip-gram-84920093376950 (READ-ONLY COPY).

The authoritative reference and input builder live on the scoring server;
editing this copy changes nothing except your own understanding.
"""

import jax, jax.numpy as jnp
import numpy as np

VOCAB = 1000000
EMBED_DIM = 32

def setup_inputs(seed: int = 0) -> dict:
    key = jax.random.key(seed)
    k1, k2 = jax.random.split(key)
    x = jax.random.randint(k1, (16384, 50), 0, VOCAB, dtype=jnp.int64 if jax.config.jax_enable_x64 else jnp.int32)
    # Xavier normal init: std = sqrt(2 / (fan_in + fan_out))
    std = np.sqrt(2.0 / (VOCAB + EMBED_DIM))
    embed_weight = jax.random.normal(k2, (VOCAB, EMBED_DIM), dtype=jnp.float32) * std
    return {"x": x, "embed_weight": embed_weight}

def reference(x, embed_weight):
    # F.embedding(x, self.embed.weight) -> gather rows
    return jnp.take(embed_weight, x, axis=0)

if __name__ == "__main__":
    import jax
    _d = setup_inputs()
    print(jax.jit(kernel)(*tuple(_d.values())))

</pallas_src>

<mosaic_0001>
#map = affine_map<(d0, d1) -> (0, 0)>
#map1 = affine_map<(d0, d1) -> (0)>
module attributes {stable_mosaic.version = 14 : i64} {
  func.func @_gather(%arg0: i32, %arg1: i32, %arg2: memref<1000000x32xf32, #tpu.memory_space<hbm>>, %arg3: memref<819200xi32, #tpu.memory_space<hbm>>, %arg4: memref<819200x32xf32, #tpu.memory_space<hbm>>, %arg5: memref<2x1600xi32, #tpu.memory_space<vmem>>, %arg6: memref<2x1600x32xf32, #tpu.memory_space<vmem>>, %arg7: memref<!tpu.dma_semaphore, #tpu.memory_space<semaphore_mem>>, %arg8: memref<!tpu.dma_semaphore, #tpu.memory_space<semaphore_mem>>) attributes {dimension_semantics = [#tpu.dimension_semantics<core_parallel>, #tpu.dimension_semantics<subcore_parallel>], iteration_bounds = array<i64: 2, 16>, scalar_prefetch = 0 : i64, scratch_operands = 4 : i64, tpu.core_type = #tpu.core_type<sc_vector_subcore>, window_params = [{transform_indices = #map}, {transform_indices = #map1}, {transform_indices = #map}]} {
    %mul3A = arith.constant 2 : i32
    %mul3A_0 = arith.muli %arg1, %mul3A : i32
    %add3A = arith.addi %mul3A_0, %arg0 : i32
    %mul3A_1 = arith.constant 25600 : i32
    %mul3A_2 = arith.muli %add3A, %mul3A_1 : i32
    %add3A_3 = arith.constant 0 : i32
    %add3A_4 = arith.addi %mul3A_2, %add3A_3 : i32
    %run_scoped3A = arith.constant 0 : i32
    "tpu.region"() ({
      %run_scoped3A_480 = tpu.sem_alloc : memref<!tpu.dma_semaphore, #tpu.memory_space<semaphore_mem>>
      %dma_start3A_481 = arith.constant 0 : i32
      %dma_start3A_482 = tpu.memref_slice %arg5[%run_scoped3A, %dma_start3A_481] : memref<2x1600xi32, #tpu.memory_space<vmem>> -> memref<1x1600xi32, #tpu.memory_space<vmem>>
      %dma_start3A_483 = tpu.memref_squeeze %dma_start3A_482 : memref<1x1600xi32, #tpu.memory_space<vmem>> -> memref<1600xi32, #tpu.memory_space<vmem>>
      %dma_start3A_484 = tpu.memref_slice %arg3[%add3A_4] : memref<819200xi32, #tpu.memory_space<hbm>> -> memref<1600xi32, #tpu.memory_space<hbm>>
      %dma_start3A_485 = arith.constant 0 : i32
      %dma_start3A_486 = tpu.memref_slice %arg5[%run_scoped3A, %dma_start3A_485] : memref<2x1600xi32, #tpu.memory_space<vmem>> -> memref<1x1600xi32, #tpu.memory_space<vmem>>
      %dma_start3A_487 = tpu.memref_squeeze %dma_start3A_486 : memref<1x1600xi32, #tpu.memory_space<vmem>> -> memref<1600xi32, #tpu.memory_space<vmem>>
      %dma_start3A_488 = tpu.memref_slice %arg3[%add3A_4] : memref<819200xi32, #tpu.memory_space<hbm>> -> memref<1600xi32, #tpu.memory_space<hbm>>
      tpu.enqueue_dma source(%dma_start3A_488 : memref<1600xi32, #tpu.memory_space<hbm>>) target(%dma_start3A_487 : memref<1600xi32, #tpu.memory_space<vmem>>) target_semaphore(%run_scoped3A_480 : memref<!tpu.dma_semaphore, #tpu.memory_space<semaphore_mem>>)
      %dma_wait3A_489 = arith.constant 0 : i32
      %dma_wait3A_490 = tpu.memref_slice %arg5[%run_scoped3A, %dma_wait3A_489] : memref<2x1600xi32, #tpu.memory_space<vmem>> -> memref<1x1600xi32, #tpu.memory_space<vmem>>
      %dma_wait3A_491 = tpu.memref_squeeze %dma_wait3A_490 : memref<1x1600xi32, #tpu.memory_space<vmem>> -> memref<1600xi32, #tpu.memory_space<vmem>>
      %dma_wait3A_492 = tpu.memref_slice %arg3[%add3A_4] : memref<819200xi32, #tpu.memory_space<hbm>> -> memref<1600xi32, #tpu.memory_space<hbm>>
      %dma_wait3A_493 = arith.constant 0 : i32
      %dma_wait3A_494 = tpu.memref_slice %arg5[%run_scoped3A, %dma_wait3A_493] : memref<2x1600xi32, #tpu.memory_space<vmem>> -> memref<1x1600xi32, #tpu.memory_space<vmem>>
      %dma_wait3A_495 = tpu.memref_squeeze %dma_wait3A_494 : memref<1x1600xi32, #tpu.memory_space<vmem>> -> memref<1600xi32, #tpu.memory_space<vmem>>
      %dma_wait3A_496 = tpu.memref_slice %arg3[%add3A_4] : memref<819200xi32, #tpu.memory_space<hbm>> -> memref<1600xi32, #tpu.memory_space<hbm>>
      tpu.wait_dma2 semaphore(%run_scoped3A_480 : memref<!tpu.dma_semaphore, #tpu.memory_space<semaphore_mem>>) src(%dma_wait3A_496 : memref<1600xi32, #tpu.memory_space<hbm>>) dst(%dma_wait3A_495 : memref<1600xi32, #tpu.memory_space<vmem>>)
      tpu.yield
    }) : () -> ()
    %dma_start3A = arith.constant 0 : i32
    %dma_start3A_5 = arith.constant 0 : i32
    %dma_start3A_6 = arith.constant 0 : i32
    %dma_start3A_7 = arith.constant 0 : i32
    %dma_start3A_8 = tpu.memref_slice %arg6[%dma_start3A_5, %dma_start3A_6, %dma_start3A_7] : memref<2x1600x32xf32, #tpu.memory_space<vmem>> -> memref<1x1600x32xf32, #tpu.memory_space<vmem>>
    %dma_start3A_9 = tpu.memref_squeeze %dma_start3A_8 : memref<1x1600x32xf32, #tpu.memory_space<vmem>> -> memref<1600x32xf32, #tpu.memory_space<vmem>>
    %dma_start3A_10 = arith.constant 0 : i32
    %dma_start3A_11 = tpu.memref_slice %arg5[%dma_start3A, %dma_start3A_10] : memref<2x1600xi32, #tpu.memory_space<vmem>> -> memref<1x1600xi32, #tpu.memory_space<vmem>>
    %dma_start3A_12 = tpu.memref_squeeze %dma_start3A_11 : memref<1x1600xi32, #tpu.memory_space<vmem>> -> memref<1600xi32, #tpu.memory_space<vmem>>
    %dma_start3A_13 = arith.constant 0 : i32
    %dma_start3A_14 = arith.constant 0 : i32
    %dma_start3A_15 = tpu.memref_slice %arg2[%dma_start3A_13, %dma_start3A_14] : memref<1000000x32xf32, #tpu.memory_space<hbm>> -> memref<1000000x32xf32, #tpu.memory_space<hbm>>
    tpu.enqueue_indirect_dma source(%dma_start3A_15 : memref<1000000x32xf32, #tpu.memory_space<hbm>>) target(%dma_start3A_9 : memref<1600x32xf32, #tpu.memory_space<vmem>>) offsets(%dma_start3A_12 : memref<1600xi32, #tpu.memory_space<vmem>>) semaphore(%arg7 : memref<!tpu.dma_semaphore, #tpu.memory_space<semaphore_mem>>)
    %add3A_16 = arith.constant 1600 : i32
    %add3A_17 = arith.addi %mul3A_2, %add3A_16 : i32
    %run_scoped3A_18 = arith.constant 1 : i32
    "tpu.region"() ({
      %run_scoped3A_480 = tpu.sem_alloc : memref<!tpu.dma_semaphore, #tpu.memory_space<semaphore_mem>>
      %dma_start3A_481 = arith.constant 0 : i32
      %dma_start3A_482 = tpu.memref_slice %arg5[%run_scoped3A_18, %dma_start3A_481] : memref<2x1600xi32, #tpu.memory_space<vmem>> -> memref<1x1600xi32, #tpu.memory_space<vmem>>
      %dma_start3A_483 = tpu.memref_squeeze %dma_start3A_482 : memref<1x1600xi32, #tpu.memory_space<vmem>> -> memref<1600xi32, #tpu.memory_space<vmem>>
      %dma_start3A_484 = tpu.memref_slice %arg3[%add3A_17] : memref<819200xi32, #tpu.memory_space<hbm>> -> memref<1600xi32, #tpu.memory_space<hbm>>
      %dma_start3A_485 = arith.constant 0 : i32
      %dma_start3A_486 = tpu.memref_slice %arg5[%run_scoped3A_18, %dma_start3A_485] : memref<2x1600xi32, #tpu.memory_space<vmem>> -> memref<1x1600xi32, #tpu.memory_space<vmem>>
      %dma_start3A_487 = tpu.memref_squeeze %dma_start3A_486 : memref<1x1600xi32, #tpu.memory_space<vmem>> -> memref<1600xi32, #tpu.memory_space<vmem>>
      %dma_start3A_488 = tpu.memref_slice %arg3[%add3A_17] : memref<819200xi32, #tpu.memory_space<hbm>> -> memref<1600xi32, #tpu.memory_space<hbm>>
      tpu.enqueue_dma source(%dma_start3A_488 : memref<1600xi32, #tpu.memory_space<hbm>>) target(%dma_start3A_487 : memref<1600xi32, #tpu.memory_space<vmem>>) target_semaphore(%run_scoped3A_480 : memref<!tpu.dma_semaphore, #tpu.memory_space<semaphore_mem>>)
      %dma_wait3A_489 = arith.constant 0 : i32
      %dma_wait3A_490 = tpu.memref_slice %arg5[%run_scoped3A_18, %dma_wait3A_489] : memref<2x1600xi32, #tpu.memory_space<vmem>> -> memref<1x1600xi32, #tpu.memory_space<vmem>>
      %dma_wait3A_491 = tpu.memref_squeeze %dma_wait3A_490 : memref<1x1600xi32, #tpu.memory_space<vmem>> -> memref<1600xi32, #tpu.memory_space<vmem>>
      %dma_wait3A_492 = tpu.memref_slice %arg3[%add3A_17] : memref<819200xi32, #tpu.memory_space<hbm>> -> memref<1600xi32, #tpu.memory_space<hbm>>
      %dma_wait3A_493 = arith.constant 0 : i32
      %dma_wait3A_494 = tpu.memref_slice %arg5[%run_scoped3A_18, %dma_wait3A_493] : memref<2x1600xi32, #tpu.memory_space<vmem>> -> memref<1x1600xi32, #tpu.memory_space<vmem>>
      %dma_wait3A_495 = tpu.memref_squeeze %dma_wait3A_494 : memref<1x1600xi32, #tpu.memory_space<vmem>> -> memref<1600xi32, #tpu.memory_space<vmem>>
      %dma_wait3A_496 = tpu.memref_slice %arg3[%add3A_17] : memref<819200xi32, #tpu.memory_space<hbm>> -> memref<1600xi32, #tpu.memory_space<hbm>>
      tpu.wait_dma2 semaphore(%run_scoped3A_480 : memref<!tpu.dma_semaphore, #tpu.memory_space<semaphore_mem>>) src(%dma_wait3A_496 : memref<1600xi32, #tpu.memory_space<hbm>>) dst(%dma_wait3A_495 : memref<1600xi32, #tpu.memory_space<vmem>>)
      tpu.yield
    }) : () -> ()
    %dma_start3A_19 = arith.constant 1 : i32
    %dma_start3A_20 = arith.constant 1 : i32
    %dma_start3A_21 = arith.constant 0 : i32
    %dma_start3A_22 = arith.constant 0 : i32
    %dma_start3A_23 = tpu.memref_slice %arg6[%dma_start3A_20, %dma_start3A_21, %dma_start3A_22] : memref<2x1600x32xf32, #tpu.memory_space<vmem>> -> memref<1x1600x32xf32, #tpu.memory_space<vmem>>
    %dma_start3A_24 = tpu.memref_squeeze %dma_start3A_23 : memref<1x1600x32xf32, #tpu.memory_space<vmem>> -> memref<1600x32xf32, #tpu.memory_space<vmem>>
    %dma_start3A_25 = arith.constant 0 : i32
    %dma_start3A_26 = tpu.memref_slice %arg5[%dma_start3A_19, %dma_start3A_25] : memref<2x1600xi32, #tpu.memory_space<vmem>> -> memref<1x1600xi32, #tpu.memory_space<vmem>>
    %dma_start3A_27 = tpu.memref_squeeze %dma_start3A_26 : memref<1x1600xi32, #tpu.memory_space<vmem>> -> memref<1600xi32, #tpu.memory_space<vmem>>
    %dma_start3A_28 = arith.constant 0 : i32
    %dma_start3A_29 = arith.constant 0 : i32
    %dma_start3A_30 = tpu.memref_slice %arg2[%dma_start3A_28, %dma_start3A_29] : memref<1000000x32xf32, #tpu.memory_space<hbm>> -> memref<1000000x32xf32, #tpu.memory_space<hbm>>
    tpu.enqueue_indirect_dma source(%dma_start3A_30 : memref<1000000x32xf32, #tpu.memory_space<hbm>>) target(%dma_start3A_24 : memref<1600x32xf32, #tpu.memory_space<vmem>>) offsets(%dma_start3A_27 : memref<1600xi32, #tpu.memory_space<vmem>>) semaphore(%arg8 : memref<!tpu.dma_semaphore, #tpu.memory_space<semaphore_mem>>)
    %dma_wait3A = arith.constant 0 : i32
    %dma_wait3A_31 = arith.constant 0 : i32
    %dma_wait3A_32 = arith.constant 0 : i32
    %dma_wait3A_33 = arith.constant 0 : i32
    %dma_wait3A_34 = tpu.memref_slice %arg6[%dma_wait3A_31, %dma_wait3A_32, %dma_wait3A_33] : memref<2x1600x32xf32, #tpu.memory_space<vmem>> -> memref<1x1600x32xf32, #tpu.memory_space<vmem>>
    %dma_wait3A_35 = tpu.memref_squeeze %dma_wait3A_34 : memref<1x1600x32xf32, #tpu.memory_space<vmem>> -> memref<1600x32xf32, #tpu.memory_space<vmem>>
    %dma_wait3A_36 = arith.constant 0 : i32
    %dma_wait3A_37 = tpu.memref_slice %arg5[%dma_wait3A, %dma_wait3A_36] : memref<2x1600xi32, #tpu.memory_space<vmem>> -> memref<1x1600xi32, #tpu.memory_space<vmem>>
    %dma_wait3A_38 = tpu.memref_squeeze %dma_wait3A_37 : memref<1x1600xi32, #tpu.memory_space<vmem>> -> memref<1600xi32, #tpu.memory_space<vmem>>
    %dma_wait3A_39 = arith.constant 0 : i32
    %dma_wait3A_40 = arith.constant 0 : i32
    %dma_wait3A_41 = tpu.memref_slice %arg2[%dma_wait3A_39, %dma_wait3A_40] : memref<1000000x32xf32, #tpu.memory_space<hbm>> -> memref<1000000x32xf32, #tpu.memory_space<hbm>>
    tpu.wait_indirect_dma semaphore(%arg7 : memref<!tpu.dma_semaphore, #tpu.memory_space<semaphore_mem>>) src(%dma_wait3A_41 : memref<1000000x32xf32, #tpu.memory_space<hbm>>) dst(%dma_wait3A_35 : memref<1600x32xf32, #tpu.memory_space<vmem>>)
    %add3A_42 = arith.constant 0 : i32
    %add3A_43 = arith.addi %mul3A_2, %add3A_42 : i32
    %run_scoped3A_44 = arith.constant 0 : i32
    "tpu.region"() ({
      %run_scoped3A_480 = tpu.sem_alloc : memref<!tpu.dma_semaphore, #tpu.memory_space<semaphore_mem>>
      %dma_start3A_481 = arith.constant 0 : i32
      %dma_start3A_482 = arith.constant 0 : i32
      %dma_start3A_483 = tpu.memref_slice %arg6[%run_scoped3A_44, %dma_start3A_481, %dma_start3A_482] : memref<2x1600x32xf32, #tpu.memory_space<vmem>> -> memref<1x1600x32xf32, #tpu.memory_space<vmem>>
      %dma_start3A_484 = tpu.memref_squeeze %dma_start3A_483 : memref<1x1600x32xf32, #tpu.memory_space<vmem>> -> memref<1600x32xf32, #tpu.memory_space<vmem>>
      %dma_start3A_485 = arith.constant 0 : i32
      %dma_start3A_486 = tpu.memref_slice %arg4[%add3A_43, %dma_start3A_485] : memref<819200x32xf32, #tpu.memory_space<hbm>> -> memref<1600x32xf32, #tpu.memory_space<hbm>>
      %dma_start3A_487 = arith.constant 0 : i32
      %dma_start3A_488 = tpu.memref_slice %arg4[%add3A_43, %dma_start3A_487] : memref<819200x32xf32, #tpu.memory_space<hbm>> -> memref<1600x32xf32, #tpu.memory_space<hbm>>
      %dma_start3A_489 = arith.constant 0 : i32
      %dma_start3A_490 = arith.constant 0 : i32
      %dma_start3A_491 = tpu.memref_slice %arg6[%run_scoped3A_44, %dma_start3A_489, %dma_start3A_490] : memref<2x1600x32xf32, #tpu.memory_space<vmem>> -> memref<1x1600x32xf32, #tpu.memory_space<vmem>>
      %dma_start3A_492 = tpu.memref_squeeze %dma_start3A_491 : memref<1x1600x32xf32, #tpu.memory_space<vmem>> -> memref<1600x32xf32, #tpu.memory_space<vmem>>
      tpu.enqueue_dma source(%dma_start3A_492 : memref<1600x32xf32, #tpu.memory_space<vmem>>) target(%dma_start3A_488 : memref<1600x32xf32, #tpu.memory_space<hbm>>) target_semaphore(%run_scoped3A_480 : memref<!tpu.dma_semaphore, #tpu.memory_space<semaphore_mem>>)
      %dma_wait3A_493 = arith.constant 0 : i32
      %dma_wait3A_494 = arith.constant 0 : i32
      %dma_wait3A_495 = tpu.memref_slice %arg6[%run_scoped3A_44, %dma_wait3A_493, %dma_wait3A_494] : memref<2x1600x32xf32, #tpu.memory_space<vmem>> -> memref<1x1600x32xf32, #tpu.memory_space<vmem>>
      %dma_wait3A_496 = tpu.memref_squeeze %dma_wait3A_495 : memref<1x1600x32xf32, #tpu.memory_space<vmem>> -> memref<1600x32xf32, #tpu.memory_space<vmem>>
      %dma_wait3A_497 = arith.constant 0 : i32
      %dma_wait3A_498 = tpu.memref_slice %arg4[%add3A_43, %dma_wait3A_497] : memref<819200x32xf32, #tpu.memory_space<hbm>> -> memref<1600x32xf32, #tpu.memory_space<hbm>>
      %dma_wait3A_499 = arith.constant 0 : i32
      %dma_wait3A_500 = tpu.memref_slice %arg4[%add3A_43, %dma_wait3A_499] : memref<819200x32xf32, #tpu.memory_space<hbm>> -> memref<1600x32xf32, #tpu.memory_space<hbm>>
      %dma_wait3A_501 = arith.constant 0 : i32
      %dma_wait3A_502 = arith.constant 0 : i32
      %dma_wait3A_503 = tpu.memref_slice %arg6[%run_scoped3A_44, %dma_wait3A_501, %dma_wait3A_502] : memref<2x1600x32xf32, #tpu.memory_space<vmem>> -> memref<1x1600x32xf32, #tpu.memory_space<vmem>>
      %dma_wait3A_504 = tpu.memref_squeeze %dma_wait3A_503 : memref<1x1600x32xf32, #tpu.memory_space<vmem>> -> memref<1600x32xf32, #tpu.memory_space<vmem>>
      tpu.wait_dma2 semaphore(%run_scoped3A_480 : memref<!tpu.dma_semaphore, #tpu.memory_space<semaphore_mem>>) src(%dma_wait3A_504 : memref<1600x32xf32, #tpu.memory_space<vmem>>) dst(%dma_wait3A_500 : memref<1600x32xf32, #tpu.memory_space<hbm>>)
      tpu.yield
    }) : () -> ()
    %add3A_45 = arith.constant 3200 : i32
    %add3A_46 = arith.addi %mul3A_2, %add3A_45 : i32
    %run_scoped3A_47 = arith.constant 0 : i32
    "tpu.region"() ({
      %run_scoped3A_480 = tpu.sem_alloc : memref<!tpu.dma_semaphore, #tpu.memory_space<semaphore_mem>>
      %dma_start3A_481 = arith.constant 0 : i32
      %dma_start3A_482 = tpu.memref_slice %arg5[%run_scoped3A_47, %dma_start3A_481] : memref<2x1600xi32, #tpu.memory_space<vmem>> -> memref<1x1600xi32, #tpu.memory_space<vmem>>
      %dma_start3A_483 = tpu.memref_squeeze %dma_start3A_482 : memref<1x1600xi32, #tpu.memory_space<vmem>> -> memref<1600xi32, #tpu.memory_space<vmem>>
      %dma_start3A_484 = tpu.memref_slice %arg3[%add3A_46] : memref<819200xi32, #tpu.memory_space<hbm>> -> memref<1600xi32, #tpu.memory_space<hbm>>
      %dma_start3A_485 = arith.constant 0 : i32
      %dma_start3A_486 = tpu.memref_slice %arg5[%run_scoped3A_47, %dma_start3A_485] : memref<2x1600xi32, #tpu.memory_space<vmem>> -> memref<1x1600xi32, #tpu.memory_space<vmem>>
      %dma_start3A_487 = tpu.memref_squeeze %dma_start3A_486 : memref<1x1600xi32, #tpu.memory_space<vmem>> -> memref<1600xi32, #tpu.memory_space<vmem>>
      %dma_start3A_488 = tpu.memref_slice %arg3[%add3A_46] : memref<819200xi32, #tpu.memory_space<hbm>> -> memref<1600xi32, #tpu.memory_space<hbm>>
      tpu.enqueue_dma source(%dma_start3A_488 : memref<1600xi32, #tpu.memory_space<hbm>>) target(%dma_start3A_487 : memref<1600xi32, #tpu.memory_space<vmem>>) target_semaphore(%run_scoped3A_480 : memref<!tpu.dma_semaphore, #tpu.memory_space<semaphore_mem>>)
      %dma_wait3A_489 = arith.constant 0 : i32
      %dma_wait3A_490 = tpu.memref_slice %arg5[%run_scoped3A_47, %dma_wait3A_489] : memref<2x1600xi32, #tpu.memory_space<vmem>> -> memref<1x1600xi32, #tpu.memory_space<vmem>>
      %dma_wait3A_491 = tpu.memref_squeeze %dma_wait3A_490 : memref<1x1600xi32, #tpu.memory_space<vmem>> -> memref<1600xi32, #tpu.memory_space<vmem>>
      %dma_wait3A_492 = tpu.memref_slice %arg3[%add3A_46] : memref<819200xi32, #tpu.memory_space<hbm>> -> memref<1600xi32, #tpu.memory_space<hbm>>
      %dma_wait3A_493 = arith.constant 0 : i32
      %dma_wait3A_494 = tpu.memref_slice %arg5[%run_scoped3A_47, %dma_wait3A_493] : memref<2x1600xi32, #tpu.memory_space<vmem>> -> memref<1x1600xi32, #tpu.memory_space<vmem>>
      %dma_wait3A_495 = tpu.memref_squeeze %dma_wait3A_494 : memref<1x1600xi32, #tpu.memory_space<vmem>> -> memref<1600xi32, #tpu.memory_space<vmem>>
      %dma_wait3A_496 = tpu.memref_slice %arg3[%add3A_46] : memref<819200xi32, #tpu.memory_space<hbm>> -> memref<1600xi32, #tpu.memory_space<hbm>>
      tpu.wait_dma2 semaphore(%run_scoped3A_480 : memref<!tpu.dma_semaphore, #tpu.memory_space<semaphore_mem>>) src(%dma_wait3A_496 : memref<1600xi32, #tpu.memory_space<hbm>>) dst(%dma_wait3A_495 : memref<1600xi32, #tpu.memory_space<vmem>>)
      tpu.yield
    }) : () -> ()
    %dma_start3A_48 = arith.constant 0 : i32
    %dma_start3A_49 = arith.constant 0 : i32
    %dma_start3A_50 = arith.constant 0 : i32
    %dma_start3A_51 = arith.constant 0 : i32
    %dma_start3A_52 = tpu.memref_slice %arg6[%dma_start3A_49, %dma_start3A_50, %dma_start3A_51] : memref<2x1600x32xf32, #tpu.memory_space<vmem>> -> memref<1x1600x32xf32, #tpu.memory_space<vmem>>
    %dma_start3A_53 = tpu.memref_squeeze %dma_start3A_52 : memref<1x1600x32xf32, #tpu.memory_space<vmem>> -> memref<1600x32xf32, #tpu.memory_space<vmem>>
    %dma_start3A_54 = arith.constant 0 : i32
    %dma_start3A_55 = tpu.memref_slice %arg5[%dma_start3A_48, %dma_start3A_54] : memref<2x1600xi32, #tpu.memory_space<vmem>> -> memref<1x1600xi32, #tpu.memory_space<vmem>>
    %dma_start3A_56 = tpu.memref_squeeze %dma_start3A_55 : memref<1x1600xi32, #tpu.memory_space<vmem>> -> memref<1600xi32, #tpu.memory_space<vmem>>
    %dma_start3A_57 = arith.constant 0 : i32
    %dma_start3A_58 = arith.constant 0 : i32
    %dma_start3A_59 = tpu.memref_slice %arg2[%dma_start3A_57, %dma_start3A_58] : memref<1000000x32xf32, #tpu.memory_space<hbm>> -> memref<1000000x32xf32, #tpu.memory_space<hbm>>
    tpu.enqueue_indirect_dma source(%dma_start3A_59 : memref<1000000x32xf32, #tpu.memory_space<hbm>>) target(%dma_start3A_53 : memref<1600x32xf32, #tpu.memory_space<vmem>>) offsets(%dma_start3A_56 : memref<1600xi32, #tpu.memory_space<vmem>>) semaphore(%arg7 : memref<!tpu.dma_semaphore, #tpu.memory_space<semaphore_mem>>)
    %dma_wait3A_60 = arith.constant 1 : i32
    %dma_wait3A_61 = arith.constant 1 : i32
    %dma_wait3A_62 = arith.constant 0 : i32
    %dma_wait3A_63 = arith.constant 0 : i32
    %dma_wait3A_64 = tpu.memref_slice %arg6[%dma_wait3A_61, %dma_wait3A_62, %dma_wait3A_63] : memref<2x1600x32xf32, #tpu.memory_space<vmem>> -> memref<1x1600x32xf32, #tpu.memory_space<vmem>>
    %dma_wait3A_65 = tpu.memref_squeeze %dma_wait3A_64 : memref<1x1600x32xf32, #tpu.memory_space<vmem>> -> memref<1600x32xf32, #tpu.memory_space<vmem>>
    %dma_wait3A_66 = arith.constant 0 : i32
    %dma_wait3A_67 = tpu.memref_slice %arg5[%dma_wait3A_60, %dma_wait3A_66] : memref<2x1600xi32, #tpu.memory_space<vmem>> -> memref<1x1600xi32, #tpu.memory_space<vmem>>
    %dma_wait3A_68 = tpu.memref_squeeze %dma_wait3A_67 : memref<1x1600xi32, #tpu.memory_space<vmem>> -> memref<1600xi32, #tpu.memory_space<vmem>>
    %dma_wait3A_69 = arith.constant 0 : i32
    %dma_wait3A_70 = arith.constant 0 : i32
    %dma_wait3A_71 = tpu.memref_slice %arg2[%dma_wait3A_69, %dma_wait3A_70] : memref<1000000x32xf32, #tpu.memory_space<hbm>> -> memref<1000000x32xf32, #tpu.memory_space<hbm>>
    tpu.wait_indirect_dma semaphore(%arg8 : memref<!tpu.dma_semaphore, #tpu.memory_space<semaphore_mem>>) src(%dma_wait3A_71 : memref<1000000x32xf32, #tpu.memory_space<hbm>>) dst(%dma_wait3A_65 : memref<1600x32xf32, #tpu.memory_space<vmem>>)
    %add3A_72 = arith.constant 1600 : i32
    %add3A_73 = arith.addi %mul3A_2, %add3A_72 : i32
    %run_scoped3A_74 = arith.constant 1 : i32
    "tpu.region"() ({
      %run_scoped3A_480 = tpu.sem_alloc : memref<!tpu.dma_semaphore, #tpu.memory_space<semaphore_mem>>
      %dma_start3A_481 = arith.constant 0 : i32
      %dma_start3A_482 = arith.constant 0 : i32
      %dma_start3A_483 = tpu.memref_slice %arg6[%run_scoped3A_74, %dma_start3A_481, %dma_start3A_482] : memref<2x1600x32xf32, #tpu.memory_space<vmem>> -> memref<1x1600x32xf32, #tpu.memory_space<vmem>>
      %dma_start3A_484 = tpu.memref_squeeze %dma_start3A_483 : memref<1x1600x32xf32, #tpu.memory_space<vmem>> -> memref<1600x32xf32, #tpu.memory_space<vmem>>
      %dma_start3A_485 = arith.constant 0 : i32
      %dma_start3A_486 = tpu.memref_slice %arg4[%add3A_73, %dma_start3A_485] : memref<819200x32xf32, #tpu.memory_space<hbm>> -> memref<1600x32xf32, #tpu.memory_space<hbm>>
      %dma_start3A_487 = arith.constant 0 : i32
      %dma_start3A_488 = tpu.memref_slice %arg4[%add3A_73, %dma_start3A_487] : memref<819200x32xf32, #tpu.memory_space<hbm>> -> memref<1600x32xf32, #tpu.memory_space<hbm>>
      %dma_start3A_489 = arith.constant 0 : i32
      %dma_start3A_490 = arith.constant 0 : i32
      %dma_start3A_491 = tpu.memref_slice %arg6[%run_scoped3A_74, %dma_start3A_489, %dma_start3A_490] : memref<2x1600x32xf32, #tpu.memory_space<vmem>> -> memref<1x1600x32xf32, #tpu.memory_space<vmem>>
      %dma_start3A_492 = tpu.memref_squeeze %dma_start3A_491 : memref<1x1600x32xf32, #tpu.memory_space<vmem>> -> memref<1600x32xf32, #tpu.memory_space<vmem>>
      tpu.enqueue_dma source(%dma_start3A_492 : memref<1600x32xf32, #tpu.memory_space<vmem>>) target(%dma_start3A_488 : memref<1600x32xf32, #tpu.memory_space<hbm>>) target_semaphore(%run_scoped3A_480 : memref<!tpu.dma_semaphore, #tpu.memory_space<semaphore_mem>>)
      %dma_wait3A_493 = arith.constant 0 : i32
      %dma_wait3A_494 = arith.constant 0 : i32
      %dma_wait3A_495 = tpu.memref_slice %arg6[%run_scoped3A_74, %dma_wait3A_493, %dma_wait3A_494] : memref<2x1600x32xf32, #tpu.memory_space<vmem>> -> memref<1x1600x32xf32, #tpu.memory_space<vmem>>
      %dma_wait3A_496 = tpu.memref_squeeze %dma_wait3A_495 : memref<1x1600x32xf32, #tpu.memory_space<vmem>> -> memref<1600x32xf32, #tpu.memory_space<vmem>>
      %dma_wait3A_497 = arith.constant 0 : i32
      %dma_wait3A_498 = tpu.memref_slice %arg4[%add3A_73, %dma_wait3A_497] : memref<819200x32xf32, #tpu.memory_space<hbm>> -> memref<1600x32xf32, #tpu.memory_space<hbm>>
      %dma_wait3A_499 = arith.constant 0 : i32
      %dma_wait3A_500 = tpu.memref_slice %arg4[%add3A_73, %dma_wait3A_499] : memref<819200x32xf32, #tpu.memory_space<hbm>> -> memref<1600x32xf32, #tpu.memory_space<hbm>>
      %dma_wait3A_501 = arith.constant 0 : i32
      %dma_wait3A_502 = arith.constant 0 : i32
      %dma_wait3A_503 = tpu.memref_slice %arg6[%run_scoped3A_74, %dma_wait3A_501, %dma_wait3A_502] : memref<2x1600x32xf32, #tpu.memory_space<vmem>> -> memref<1x1600x32xf32, #tpu.memory_space<vmem>>
      %dma_wait3A_504 = tpu.memref_squeeze %dma_wait3A_503 : memref<1x1600x32xf32, #tpu.memory_space<vmem>> -> memref<1600x32xf32, #tpu.memory_space<vmem>>
      tpu.wait_dma2 semaphore(%run_scoped3A_480 : memref<!tpu.dma_semaphore, #tpu.memory_space<semaphore_mem>>) src(%dma_wait3A_504 : memref<1600x32xf32, #tpu.memory_space<vmem>>) dst(%dma_wait3A_500 : memref<1600x32xf32, #tpu.memory_space<hbm>>)
      tpu.yield
    }) : () -> ()
    %add3A_75 = arith.constant 4800 : i32
    %add3A_76 = arith.addi %mul3A_2, %add3A_75 : i32
    %run_scoped3A_77 = arith.constant 1 : i32
    "tpu.region"() ({
      %run_scoped3A_480 = tpu.sem_alloc : memref<!tpu.dma_semaphore, #tpu.memory_space<semaphore_mem>>
      %dma_start3A_481 = arith.constant 0 : i32
      %dma_start3A_482 = tpu.memref_slice %arg5[%run_scoped3A_77, %dma_start3A_481] : memref<2x1600xi32, #tpu.memory_space<vmem>> -> memref<1x1600xi32, #tpu.memory_space<vmem>>
      %dma_start3A_483 = tpu.memref_squeeze %dma_start3A_482 : memref<1x1600xi32, #tpu.memory_space<vmem>> -> memref<1600xi32, #tpu.memory_space<vmem>>
      %dma_start3A_484 = tpu.memref_slice %arg3[%add3A_76] : memref<819200xi32, #tpu.memory_space<hbm>> -> memref<1600xi32, #tpu.memory_space<hbm>>
      %dma_start3A_485 = arith.constant 0 : i32
      %dma_start3A_486 = tpu.memref_slice %arg5[%run_scoped3A_77, %dma_start3A_485] : memref<2x1600xi32, #tpu.memory_space<vmem>> -> memref<1x1600xi32, #tpu.memory_space<vmem>>
      %dma_start3A_487 = tpu.memref_squeeze %dma_start3A_486 : memref<1x1600xi32, #tpu.memory_space<vmem>> -> memref<1600xi32, #tpu.memory_space<vmem>>
      %dma_start3A_488 = tpu.memref_slice %arg3[%add3A_76] : memref<819200xi32, #tpu.memory_space<hbm>> -> memref<1600xi32, #tpu.memory_space<hbm>>
      tpu.enqueue_dma source(%dma_start3A_488 : memref<1600xi32, #tpu.memory_space<hbm>>) target(%dma_start3A_487 : memref<1600xi32, #tpu.memory_space<vmem>>) target_semaphore(%run_scoped3A_480 : memref<!tpu.dma_semaphore, #tpu.memory_space<semaphore_mem>>)
      %dma_wait3A_489 = arith.constant 0 : i32
      %dma_wait3A_490 = tpu.memref_slice %arg5[%run_scoped3A_77, %dma_wait3A_489] : memref<2x1600xi32, #tpu.memory_space<vmem>> -> memref<1x1600xi32, #tpu.memory_space<vmem>>
      %dma_wait3A_491 = tpu.memref_squeeze %dma_wait3A_490 : memref<1x1600xi32, #tpu.memory_space<vmem>> -> memref<1600xi32, #tpu.memory_space<vmem>>
      %dma_wait3A_492 = tpu.memref_slice %arg3[%add3A_76] : memref<819200xi32, #tpu.memory_space<hbm>> -> memref<1600xi32, #tpu.memory_space<hbm>>
      %dma_wait3A_493 = arith.constant 0 : i32
      %dma_wait3A_494 = tpu.memref_slice %arg5[%run_scoped3A_77, %dma_wait3A_493] : memref<2x1600xi32, #tpu.memory_space<vmem>> -> memref<1x1600xi32, #tpu.memory_space<vmem>>
      %dma_wait3A_495 = tpu.memref_squeeze %dma_wait3A_494 : memref<1x1600xi32, #tpu.memory_space<vmem>> -> memref<1600xi32, #tpu.memory_space<vmem>>
      %dma_wait3A_496 = tpu.memref_slice %arg3[%add3A_76] : memref<819200xi32, #tpu.memory_space<hbm>> -> memref<1600xi32, #tpu.memory_space<hbm>>
      tpu.wait_dma2 semaphore(%run_scoped3A_480 : memref<!tpu.dma_semaphore, #tpu.memory_space<semaphore_mem>>) src(%dma_wait3A_496 : memref<1600xi32, #tpu.memory_space<hbm>>) dst(%dma_wait3A_495 : memref<1600xi32, #tpu.memory_space<vmem>>)
      tpu.yield
    }) : () -> ()
    %dma_start3A_78 = arith.constant 1 : i32
    %dma_start3A_79 = arith.constant 1 : i32
    %dma_start3A_80 = arith.constant 0 : i32
    %dma_start3A_81 = arith.constant 0 : i32
    %dma_start3A_82 = tpu.memref_slice %arg6[%dma_start3A_79, %dma_start3A_80, %dma_start3A_81] : memref<2x1600x32xf32, #tpu.memory_space<vmem>> -> memref<1x1600x32xf32, #tpu.memory_space<vmem>>
    %dma_start3A_83 = tpu.memref_squeeze %dma_start3A_82 : memref<1x1600x32xf32, #tpu.memory_space<vmem>> -> memref<1600x32xf32, #tpu.memory_space<vmem>>
    %dma_start3A_84 = arith.constant 0 : i32
    %dma_start3A_85 = tpu.memref_slice %arg5[%dma_start3A_78, %dma_start3A_84] : memref<2x1600xi32, #tpu.memory_space<vmem>> -> memref<1x1600xi32, #tpu.memory_space<vmem>>
    %dma_start3A_86 = tpu.memref_squeeze %dma_start3A_85 : memref<1x1600xi32, #tpu.memory_space<vmem>> -> memref<1600xi32, #tpu.memory_space<vmem>>
    %dma_start3A_87 = arith.constant 0 : i32
    %dma_start3A_88 = arith.constant 0 : i32
    %dma_start3A_89 = tpu.memref_slice %arg2[%dma_start3A_87, %dma_start3A_88] : memref<1000000x32xf32, #tpu.memory_space<hbm>> -> memref<1000000x32xf32, #tpu.memory_space<hbm>>
    tpu.enqueue_indirect_dma source(%dma_start3A_89 : memref<1000000x32xf32, #tpu.memory_space<hbm>>) target(%dma_start3A_83 : memref<1600x32xf32, #tpu.memory_space<vmem>>) offsets(%dma_start3A_86 : memref<1600xi32, #tpu.memory_space<vmem>>) semaphore(%arg8 : memref<!tpu.dma_semaphore, #tpu.memory_space<semaphore_mem>>)
    %dma_wait3A_90 = arith.constant 0 : i32
    %dma_wait3A_91 = arith.constant 0 : i32
    %dma_wait3A_92 = arith.constant 0 : i32
    %dma_wait3A_93 = arith.constant 0 : i32
    %dma_wait3A_94 = tpu.memref_slice %arg6[%dma_wait3A_91, %dma_wait3A_92, %dma_wait3A_93] : memref<2x1600x32xf32, #tpu.memory_space<vmem>> -> memref<1x1600x32xf32, #tpu.memory_space<vmem>>
    %dma_wait3A_95 = tpu.memref_squeeze %dma_wait3A_94 : memref<1x1600x32xf32, #tpu.memory_space<vmem>> -> memref<1600x32xf32, #tpu.memory_space<vmem>>
    %dma_wait3A_96 = arith.constant 0 : i32
    %dma_wait3A_97 = tpu.memref_slice %arg5[%dma_wait3A_90, %dma_wait3A_96] : memref<2x1600xi32, #tpu.memory_space<vmem>> -> memref<1x1600xi32, #tpu.memory_space<vmem>>
    %dma_wait3A_98 = tpu.memref_squeeze %dma_wait3A_97 : memref<1x1600xi32, #tpu.memory_space<vmem>> -> memref<1600xi32, #tpu.memory_space<vmem>>
    %dma_wait3A_99 = arith.constant 0 : i32
    %dma_wait3A_100 = arith.constant 0 : i32
    %dma_wait3A_101 = tpu.memref_slice %arg2[%dma_wait3A_99, %dma_wait3A_100] : memref<1000000x32xf32, #tpu.memory_space<hbm>> -> memref<1000000x32xf32, #tpu.memory_space<hbm>>
    tpu.wait_indirect_dma semaphore(%arg7 : memref<!tpu.dma_semaphore, #tpu.memory_space<semaphore_mem>>) src(%dma_wait3A_101 : memref<1000000x32xf32, #tpu.memory_space<hbm>>) dst(%dma_wait3A_95 : memref<1600x32xf32, #tpu.memory_space<vmem>>)
    %add3A_102 = arith.constant 3200 : i32
    %add3A_103 = arith.addi %mul3A_2, %add3A_102 : i32
    %run_scoped3A_104 = arith.constant 0 : i32
    "tpu.region"() ({
      %run_scoped3A_480 = tpu.sem_alloc : memref<!tpu.dma_semaphore, #tpu.memory_space<semaphore_mem>>
      %dma_start3A_481 = arith.constant 0 : i32
      %dma_start3A_482 = arith.constant 0 : i32
      %dma_start3A_483 = tpu.memref_slice %arg6[%run_scoped3A_104, %dma_start3A_481, %dma_start3A_482] : memref<2x1600x32xf32, #tpu.memory_space<vmem>> -> memref<1x1600x32xf32, #tpu.memory_space<vmem>>
      %dma_start3A_484 = tpu.memref_squeeze %dma_start3A_483 : memref<1x1600x32xf32, #tpu.memory_space<vmem>> -> memref<1600x32xf32, #tpu.memory_space<vmem>>
      %dma_start3A_485 = arith.constant 0 : i32
      %dma_start3A_486 = tpu.memref_slice %arg4[%add3A_103, %dma_start3A_485] : memref<819200x32xf32, #tpu.memory_space<hbm>> -> memref<1600x32xf32, #tpu.memory_space<hbm>>
      %dma_start3A_487 = arith.constant 0 : i32
      %dma_start3A_488 = tpu.memref_slice %arg4[%add3A_103, %dma_start3A_487] : memref<819200x32xf32, #tpu.memory_space<hbm>> -> memref<1600x32xf32, #tpu.memory_space<hbm>>
      %dma_start3A_489 = arith.constant 0 : i32
      %dma_start3A_490 = arith.constant 0 : i32
      %dma_start3A_491 = tpu.memref_slice %arg6[%run_scoped3A_104, %dma_start3A_489, %dma_start3A_490] : memref<2x1600x32xf32, #tpu.memory_space<vmem>> -> memref<1x1600x32xf32, #tpu.memory_space<vmem>>
      %dma_start3A_492 = tpu.memref_squeeze %dma_start3A_491 : memref<1x1600x32xf32, #tpu.memory_space<vmem>> -> memref<1600x32xf32, #tpu.memory_space<vmem>>
      tpu.enqueue_dma source(%dma_start3A_492 : memref<1600x32xf32, #tpu.memory_space<vmem>>) target(%dma_start3A_488 : memref<1600x32xf32, #tpu.memory_space<hbm>>) target_semaphore(%run_scoped3A_480 : memref<!tpu.dma_semaphore, #tpu.memory_space<semaphore_mem>>)
      %dma_wait3A_493 = arith.constant 0 : i32
      %dma_wait3A_494 = arith.constant 0 : i32
      %dma_wait3A_495 = tpu.memref_slice %arg6[%run_scoped3A_104, %dma_wait3A_493, %dma_wait3A_494] : memref<2x1600x32xf32, #tpu.memory_space<vmem>> -> memref<1x1600x32xf32, #tpu.memory_space<vmem>>
      %dma_wait3A_496 = tpu.memref_squeeze %dma_wait3A_495 : memref<1x1600x32xf32, #tpu.memory_space<vmem>> -> memref<1600x32xf32, #tpu.memory_space<vmem>>
      %dma_wait3A_497 = arith.constant 0 : i32
      %dma_wait3A_498 = tpu.memref_slice %arg4[%add3A_103, %dma_wait3A_497] : memref<819200x32xf32, #tpu.memory_space<hbm>> -> memref<1600x32xf32, #tpu.memory_space<hbm>>
      %dma_wait3A_499 = arith.constant 0 : i32
      %dma_wait3A_500 = tpu.memref_slice %arg4[%add3A_103, %dma_wait3A_499] : memref<819200x32xf32, #tpu.memory_space<hbm>> -> memref<1600x32xf32, #tpu.memory_space<hbm>>
      %dma_wait3A_501 = arith.constant 0 : i32
      %dma_wait3A_502 = arith.constant 0 : i32
      %dma_wait3A_503 = tpu.memref_slice %arg6[%run_scoped3A_104, %dma_wait3A_501, %dma_wait3A_502] : memref<2x1600x32xf32, #tpu.memory_space<vmem>> -> memref<1x1600x32xf32, #tpu.memory_space<vmem>>
      %dma_wait3A_504 = tpu.memref_squeeze %dma_wait3A_503 : memref<1x1600x32xf32, #tpu.memory_space<vmem>> -> memref<1600x32xf32, #tpu.memory_space<vmem>>
      tpu.wait_dma2 semaphore(%run_scoped3A_480 : memref<!tpu.dma_semaphore, #tpu.memory_space<semaphore_mem>>) src(%dma_wait3A_504 : memref<1600x32xf32, #tpu.memory_space<vmem>>) dst(%dma_wait3A_500 : memref<1600x32xf32, #tpu.memory_space<hbm>>)
      tpu.yield
    }) : () -> ()
    %add3A_105 = arith.constant 6400 : i32
    %add3A_106 = arith.addi %mul3A_2, %add3A_105 : i32
    %run_scoped3A_107 = arith.constant 0 : i32
    "tpu.region"() ({
      %run_scoped3A_480 = tpu.sem_alloc : memref<!tpu.dma_semaphore, #tpu.memory_space<semaphore_mem>>
      %dma_start3A_481 = arith.constant 0 : i32
      %dma_start3A_482 = tpu.memref_slice %arg5[%run_scoped3A_107, %dma_start3A_481] : memref<2x1600xi32, #tpu.memory_space<vmem>> -> memref<1x1600xi32, #tpu.memory_space<vmem>>
      %dma_start3A_483 = tpu.memref_squeeze %dma_start3A_482 : memref<1x1600xi32, #tpu.memory_space<vmem>> -> memref<1600xi32, #tpu.memory_space<vmem>>
      %dma_start3A_484 = tpu.memref_slice %arg3[%add3A_106] : memref<819200xi32, #tpu.memory_space<hbm>> -> memref<1600xi32, #tpu.memory_space<hbm>>
      %dma_start3A_485 = arith.constant 0 : i32
      %dma_start3A_486 = tpu.memref_slice %arg5[%run_scoped3A_107, %dma_start3A_485] : memref<2x1600xi32, #tpu.memory_space<vmem>> -> memref<1x1600xi32, #tpu.memory_space<vmem>>
      %dma_start3A_487 = tpu.memref_squeeze %dma_start3A_486 : memref<1x1600xi32, #tpu.memory_space<vmem>> -> memref<1600xi32, #tpu.memory_space<vmem>>
      %dma_start3A_488 = tpu.memref_slice %arg3[%add3A_106] : memref<819200xi32, #tpu.memory_space<hbm>> -> memref<1600xi32, #tpu.memory_space<hbm>>
      tpu.enqueue_dma source(%dma_start3A_488 : memref<1600xi32, #tpu.memory_space<hbm>>) target(%dma_start3A_487 : memref<1600xi32, #tpu.memory_space<vmem>>) target_semaphore(%run_scoped3A_480 : memref<!tpu.dma_semaphore, #tpu.memory_space<semaphore_mem>>)
      %dma_wait3A_489 = arith.constant 0 : i32
      %dma_wait3A_490 = tpu.memref_slice %arg5[%run_scoped3A_107, %dma_wait3A_489] : memref<2x1600xi32, #tpu.memory_space<vmem>> -> memref<1x1600xi32, #tpu.memory_space<vmem>>
      %dma_wait3A_491 = tpu.memref_squeeze %dma_wait3A_490 : memref<1x1600xi32, #tpu.memory_space<vmem>> -> memref<1600xi32, #tpu.memory_space<vmem>>
      %dma_wait3A_492 = tpu.memref_slice %arg3[%add3A_106] : memref<819200xi32, #tpu.memory_space<hbm>> -> memref<1600xi32, #tpu.memory_space<hbm>>
      %dma_wait3A_493 = arith.constant 0 : i32
      %dma_wait3A_494 = tpu.memref_slice %arg5[%run_scoped3A_107, %dma_wait3A_493] : memref<2x1600xi32, #tpu.memory_space<vmem>> -> memref<1x1600xi32, #tpu.memory_space<vmem>>
      %dma_wait3A_495 = tpu.memref_squeeze %dma_wait3A_494 : memref<1x1600xi32, #tpu.memory_space<vmem>> -> memref<1600xi32, #tpu.memory_space<vmem>>
      %dma_wait3A_496 = tpu.memref_slice %arg3[%add3A_106] : memref<819200xi32, #tpu.memory_space<hbm>> -> memref<1600xi32, #tpu.memory_space<hbm>>
      tpu.wait_dma2 semaphore(%run_scoped3A_480 : memref<!tpu.dma_semaphore, #tpu.memory_space<semaphore_mem>>) src(%dma_wait3A_496 : memref<1600xi32, #tpu.memory_space<hbm>>) dst(%dma_wait3A_495 : memref<1600xi32, #tpu.memory_space<vmem>>)
      tpu.yield
    }) : () -> ()
    %dma_start3A_108 = arith.constant 0 : i32
    %dma_start3A_109 = arith.constant 0 : i32
    %dma_start3A_110 = arith.constant 0 : i32
    %dma_start3A_111 = arith.constant 0 : i32
    %dma_start3A_112 = tpu.memref_slice %arg6[%dma_start3A_109, %dma_start3A_110, %dma_start3A_111] : memref<2x1600x32xf32, #tpu.memory_space<vmem>> -> memref<1x1600x32xf32, #tpu.memory_space<vmem>>
    %dma_start3A_113 = tpu.memref_squeeze %dma_start3A_112 : memref<1x1600x32xf32, #tpu.memory_space<vmem>> -> memref<1600x32xf32, #tpu.memory_space<vmem>>
    %dma_start3A_114 = arith.constant 0 : i32
    %dma_start3A_115 = tpu.memref_slice %arg5[%dma_start3A_108, %dma_start3A_114] : memref<2x1600xi32, #tpu.memory_space<vmem>> -> memref<1x1600xi32, #tpu.memory_space<vmem>>
    %dma_start3A_116 = tpu.memref_squeeze %dma_start3A_115 : memref<1x1600xi32, #tpu.memory_space<vmem>> -> memref<1600xi32, #tpu.memory_space<vmem>>
    %dma_start3A_117 = arith.constant 0 : i32
    %dma_start3A_118 = arith.constant 0 : i32
    %dma_start3A_119 = tpu.memref_slice %arg2[%dma_start3A_117, %dma_start3A_118] : memref<1000000x32xf32, #tpu.memory_space<hbm>> -> memref<1000000x32xf32, #tpu.memory_space<hbm>>
    tpu.enqueue_indirect_dma source(%dma_start3A_119 : memref<1000000x32xf32, #tpu.memory_space<hbm>>) target(%dma_start3A_113 : memref<1600x32xf32, #tpu.memory_space<vmem>>) offsets(%dma_start3A_116 : memref<1600xi32, #tpu.memory_space<vmem>>) semaphore(%arg7 : memref<!tpu.dma_semaphore, #tpu.memory_space<semaphore_mem>>)
    %dma_wait3A_120 = arith.constant 1 : i32
    %dma_wait3A_121 = arith.constant 1 : i32
    %dma_wait3A_122 = arith.constant 0 : i32
    %dma_wait3A_123 = arith.constant 0 : i32
    %dma_wait3A_124 = tpu.memref_slice %arg6[%dma_wait3A_121, %dma_wait3A_122, %dma_wait3A_123] : memref<2x1600x32xf32, #tpu.memory_space<vmem>> -> memref<1x1600x32xf32, #tpu.memory_space<vmem>>
    %dma_wait3A_125 = tpu.memref_squeeze %dma_wait3A_124 : memref<1x1600x32xf32, #tpu.memory_space<vmem>> -> memref<1600x32xf32, #tpu.memory_space<vmem>>
    %dma_wait3A_126 = arith.constant 0 : i32
    %dma_wait3A_127 = tpu.memref_slice %arg5[%dma_wait3A_120, %dma_wait3A_126] : memref<2x1600xi32, #tpu.memory_space<vmem>> -> memref<1x1600xi32, #tpu.memory_space<vmem>>
    %dma_wait3A_128 = tpu.memref_squeeze %dma_wait3A_127 : memref<1x1600xi32, #tpu.memory_space<vmem>> -> memref<1600xi32, #tpu.memory_space<vmem>>
    %dma_wait3A_129 = arith.constant 0 : i32
    %dma_wait3A_130 = arith.constant 0 : i32
    %dma_wait3A_131 = tpu.memref_slice %arg2[%dma_wait3A_129, %dma_wait3A_130] : memref<1000000x32xf32, #tpu.memory_space<hbm>> -> memref<1000000x32xf32, #tpu.memory_space<hbm>>
    tpu.wait_indirect_dma semaphore(%arg8 : memref<!tpu.dma_semaphore, #tpu.memory_space<semaphore_mem>>) src(%dma_wait3A_131 : memref<1000000x32xf32, #tpu.memory_space<hbm>>) dst(%dma_wait3A_125 : memref<1600x32xf32, #tpu.memory_space<vmem>>)
    %add3A_132 = arith.constant 4800 : i32
    %add3A_133 = arith.addi %mul3A_2, %add3A_132 : i32
    %run_scoped3A_134 = arith.constant 1 : i32
    "tpu.region"() ({
      %run_scoped3A_480 = tpu.sem_alloc : memref<!tpu.dma_semaphore, #tpu.memory_space<semaphore_mem>>
      %dma_start3A_481 = arith.constant 0 : i32
      %dma_start3A_482 = arith.constant 0 : i32
      %dma_start3A_483 = tpu.memref_slice %arg6[%run_scoped3A_134, %dma_start3A_481, %dma_start3A_482] : memref<2x1600x32xf32, #tpu.memory_space<vmem>> -> memref<1x1600x32xf32, #tpu.memory_space<vmem>>
      %dma_start3A_484 = tpu.memref_squeeze %dma_start3A_483 : memref<1x1600x32xf32, #tpu.memory_space<vmem>> -> memref<1600x32xf32, #tpu.memory_space<vmem>>
      %dma_start3A_485 = arith.constant 0 : i32
      %dma_start3A_486 = tpu.memref_slice %arg4[%add3A_133, %dma_start3A_485] : memref<819200x32xf32, #tpu.memory_space<hbm>> -> memref<1600x32xf32, #tpu.memory_space<hbm>>
      %dma_start3A_487 = arith.constant 0 : i32
      %dma_start3A_488 = tpu.memref_slice %arg4[%add3A_133, %dma_start3A_487] : memref<819200x32xf32, #tpu.memory_space<hbm>> -> memref<1600x32xf32, #tpu.memory_space<hbm>>
      %dma_start3A_489 = arith.constant 0 : i32
      %dma_start3A_490 = arith.constant 0 : i32
      %dma_start3A_491 = tpu.memref_slice %arg6[%run_scoped3A_134, %dma_start3A_489, %dma_start3A_490] : memref<2x1600x32xf32, #tpu.memory_space<vmem>> -> memref<1x1600x32xf32, #tpu.memory_space<vmem>>
      %dma_start3A_492 = tpu.memref_squeeze %dma_start3A_491 : memref<1x1600x32xf32, #tpu.memory_space<vmem>> -> memref<1600x32xf32, #tpu.memory_space<vmem>>
      tpu.enqueue_dma source(%dma_start3A_492 : memref<1600x32xf32, #tpu.memory_space<vmem>>) target(%dma_start3A_488 : memref<1600x32xf32, #tpu.memory_space<hbm>>) target_semaphore(%run_scoped3A_480 : memref<!tpu.dma_semaphore, #tpu.memory_space<semaphore_mem>>)
      %dma_wait3A_493 = arith.constant 0 : i32
      %dma_wait3A_494 = arith.constant 0 : i32
      %dma_wait3A_495 = tpu.memref_slice %arg6[%run_scoped3A_134, %dma_wait3A_493, %dma_wait3A_494] : memref<2x1600x32xf32, #tpu.memory_space<vmem>> -> memref<1x1600x32xf32, #tpu.memory_space<vmem>>
      %dma_wait3A_496 = tpu.memref_squeeze %dma_wait3A_495 : memref<1x1600x32xf32, #tpu.memory_space<vmem>> -> memref<1600x32xf32, #tpu.memory_space<vmem>>
      %dma_wait3A_497 = arith.constant 0 : i32
      %dma_wait3A_498 = tpu.memref_slice %arg4[%add3A_133, %dma_wait3A_497] : memref<819200x32xf32, #tpu.memory_space<hbm>> -> memref<1600x32xf32, #tpu.memory_space<hbm>>
      %dma_wait3A_499 = arith.constant 0 : i32
      %dma_wait3A_500 = tpu.memref_slice %arg4[%add3A_133, %dma_wait3A_499] : memref<819200x32xf32, #tpu.memory_space<hbm>> -> memref<1600x32xf32, #tpu.memory_space<hbm>>
      %dma_wait3A_501 = arith.constant 0 : i32
      %dma_wait3A_502 = arith.constant 0 : i32
      %dma_wait3A_503 = tpu.memref_slice %arg6[%run_scoped3A_134, %dma_wait3A_501, %dma_wait3A_502] : memref<2x1600x32xf32, #tpu.memory_space<vmem>> -> memref<1x1600x32xf32, #tpu.memory_space<vmem>>
      %dma_wait3A_504 = tpu.memref_squeeze %dma_wait3A_503 : memref<1x1600x32xf32, #tpu.memory_space<vmem>> -> memref<1600x32xf32, #tpu.memory_space<vmem>>
      tpu.wait_dma2 semaphore(%run_scoped3A_480 : memref<!tpu.dma_semaphore, #tpu.memory_space<semaphore_mem>>) src(%dma_wait3A_504 : memref<1600x32xf32, #tpu.memory_space<vmem>>) dst(%dma_wait3A_500 : memref<1600x32xf32, #tpu.memory_space<hbm>>)
      tpu.yield
    }) : () -> ()
    %add3A_135 = arith.constant 8000 : i32
    %add3A_136 = arith.addi %mul3A_2, %add3A_135 : i32
    %run_scoped3A_137 = arith.constant 1 : i32
    "tpu.region"() ({
      %run_scoped3A_480 = tpu.sem_alloc : memref<!tpu.dma_semaphore, #tpu.memory_space<semaphore_mem>>
      %dma_start3A_481 = arith.constant 0 : i32
      %dma_start3A_482 = tpu.memref_slice %arg5[%run_scoped3A_137, %dma_start3A_481] : memref<2x1600xi32, #tpu.memory_space<vmem>> -> memref<1x1600xi32, #tpu.memory_space<vmem>>
      %dma_start3A_483 = tpu.memref_squeeze %dma_start3A_482 : memref<1x1600xi32, #tpu.memory_space<vmem>> -> memref<1600xi32, #tpu.memory_space<vmem>>
      %dma_start3A_484 = tpu.memref_slice %arg3[%add3A_136] : memref<819200xi32, #tpu.memory_space<hbm>> -> memref<1600xi32, #tpu.memory_space<hbm>>
      %dma_start3A_485 = arith.constant 0 : i32
      %dma_start3A_486 = tpu.memref_slice %arg5[%run_scoped3A_137, %dma_start3A_485] : memref<2x1600xi32, #tpu.memory_space<vmem>> -> memref<1x1600xi32, #tpu.memory_space<vmem>>
      %dma_start3A_487 = tpu.memref_squeeze %dma_start3A_486 : memref<1x1600xi32, #tpu.memory_space<vmem>> -> memref<1600xi32, #tpu.memory_space<vmem>>
      %dma_start3A_488 = tpu.memref_slice %arg3[%add3A_136] : memref<819200xi32, #tpu.memory_space<hbm>> -> memref<1600xi32, #tpu.memory_space<hbm>>
      tpu.enqueue_dma source(%dma_start3A_488 : memref<1600xi32, #tpu.memory_space<hbm>>) target(%dma_start3A_487 : memref<1600xi32, #tpu.memory_space<vmem>>) target_semaphore(%run_scoped3A_480 : memref<!tpu.dma_semaphore, #tpu.memory_space<semaphore_mem>>)
      %dma_wait3A_489 = arith.constant 0 : i32
      %dma_wait3A_490 = tpu.memref_slice %arg5[%run_scoped3A_137, %dma_wait3A_489] : memref<2x1600xi32, #tpu.memory_space<vmem>> -> memref<1x1600xi32, #tpu.memory_space<vmem>>
      %dma_wait3A_491 = tpu.memref_squeeze %dma_wait3A_490 : memref<1x1600xi32, #tpu.memory_space<vmem>> -> memref<1600xi32, #tpu.memory_space<vmem>>
      %dma_wait3A_492 = tpu.memref_slice %arg3[%add3A_136] : memref<819200xi32, #tpu.memory_space<hbm>> -> memref<1600xi32, #tpu.memory_space<hbm>>
      %dma_wait3A_493 = arith.constant 0 : i32
      %dma_wait3A_494 = tpu.memref_slice %arg5[%run_scoped3A_137, %dma_wait3A_493] : memref<2x1600xi32, #tpu.memory_space<vmem>> -> memref<1x1600xi32, #tpu.memory_space<vmem>>
      %dma_wait3A_495 = tpu.memref_squeeze %dma_wait3A_494 : memref<1x1600xi32, #tpu.memory_space<vmem>> -> memref<1600xi32, #tpu.memory_space<vmem>>
      %dma_wait3A_496 = tpu.memref_slice %arg3[%add3A_136] : memref<819200xi32, #tpu.memory_space<hbm>> -> memref<1600xi32, #tpu.memory_space<hbm>>
      tpu.wait_dma2 semaphore(%run_scoped3A_480 : memref<!tpu.dma_semaphore, #tpu.memory_space<semaphore_mem>>) src(%dma_wait3A_496 : memref<1600xi32, #tpu.memory_space<hbm>>) dst(%dma_wait3A_495 : memref<1600xi32, #tpu.memory_space<vmem>>)
      tpu.yield
    }) : () -> ()
    %dma_start3A_138 = arith.constant 1 : i32
    %dma_start3A_139 = arith.constant 1 : i32
    %dma_start3A_140 = arith.constant 0 : i32
    %dma_start3A_141 = arith.constant 0 : i32
    %dma_start3A_142 = tpu.memref_slice %arg6[%dma_start3A_139, %dma_start3A_140, %dma_start3A_141] : memref<2x1600x32xf32, #tpu.memory_space<vmem>> -> memref<1x1600x32xf32, #tpu.memory_space<vmem>>
    %dma_start3A_143 = tpu.memref_squeeze %dma_start3A_142 : memref<1x1600x32xf32, #tpu.memory_space<vmem>> -> memref<1600x32xf32, #tpu.memory_space<vmem>>
    %dma_start3A_144 = arith.constant 0 : i32
    %dma_start3A_145 = tpu.memref_slice %arg5[%dma_start3A_138, %dma_start3A_144] : memref<2x1600xi32, #tpu.memory_space<vmem>> -> memref<1x1600xi32, #tpu.memory_space<vmem>>
    %dma_start3A_146 = tpu.memref_squeeze %dma_start3A_145 : memref<1x1600xi32, #tpu.memory_space<vmem>> -> memref<1600xi32, #tpu.memory_space<vmem>>
    %dma_start3A_147 = arith.constant 0 : i32
    %dma_start3A_148 = arith.constant 0 : i32
    %dma_start3A_149 = tpu.memref_slice %arg2[%dma_start3A_147, %dma_start3A_148] : memref<1000000x32xf32, #tpu.memory_space<hbm>> -> memref<1000000x32xf32, #tpu.memory_space<hbm>>
    tpu.enqueue_indirect_dma source(%dma_start3A_149 : memref<1000000x32xf32, #tpu.memory_space<hbm>>) target(%dma_start3A_143 : memref<1600x32xf32, #tpu.memory_space<vmem>>) offsets(%dma_start3A_146 : memref<1600xi32, #tpu.memory_space<vmem>>) semaphore(%arg8 : memref<!tpu.dma_semaphore, #tpu.memory_space<semaphore_mem>>)
    %dma_wait3A_150 = arith.constant 0 : i32
    %dma_wait3A_151 = arith.constant 0 : i32
    %dma_wait3A_152 = arith.constant 0 : i32
    %dma_wait3A_153 = arith.constant 0 : i32
    %dma_wait3A_154 = tpu.memref_slice %arg6[%dma_wait3A_151, %dma_wait3A_152, %dma_wait3A_153] : memref<2x1600x32xf32, #tpu.memory_space<vmem>> -> memref<1x1600x32xf32, #tpu.memory_space<vmem>>
    %dma_wait3A_155 = tpu.memref_squeeze %dma_wait3A_154 : memref<1x1600x32xf32, #tpu.memory_space<vmem>> -> memref<1600x32xf32, #tpu.memory_space<vmem>>
    %dma_wait3A_156 = arith.constant 0 : i32
    %dma_wait3A_157 = tpu.memref_slice %arg5[%dma_wait3A_150, %dma_wait3A_156] : memref<2x1600xi32, #tpu.memory_space<vmem>> -> memref<1x1600xi32, #tpu.memory_space<vmem>>
    %dma_wait3A_158 = tpu.memref_squeeze %dma_wait3A_157 : memref<1x1600xi32, #tpu.memory_space<vmem>> -> memref<1600xi32, #tpu.memory_space<vmem>>
    %dma_wait3A_159 = arith.constant 0 : i32
    %dma_wait3A_160 = arith.constant 0 : i32
    %dma_wait3A_161 = tpu.memref_slice %arg2[%dma_wait3A_159, %dma_wait3A_160] : memref<1000000x32xf32, #tpu.memory_space<hbm>> -> memref<1000000x32xf32, #tpu.memory_space<hbm>>
    tpu.wait_indirect_dma semaphore(%arg7 : memref<!tpu.dma_semaphore, #tpu.memory_space<semaphore_mem>>) src(%dma_wait3A_161 : memref<1000000x32xf32, #tpu.memory_space<hbm>>) dst(%dma_wait3A_155 : memref<1600x32xf32, #tpu.memory_space<vmem>>)
    %add3A_162 = arith.constant 6400 : i32
    %add3A_163 = arith.addi %mul3A_2, %add3A_162 : i32
    %run_scoped3A_164 = arith.constant 0 : i32
    "tpu.region"() ({
      %run_scoped3A_480 = tpu.sem_alloc : memref<!tpu.dma_semaphore, #tpu.memory_space<semaphore_mem>>
      %dma_start3A_481 = arith.constant 0 : i32
      %dma_start3A_482 = arith.constant 0 : i32
      %dma_start3A_483 = tpu.memref_slice %arg6[%run_scoped3A_164, %dma_start3A_481, %dma_start3A_482] : memref<2x1600x32xf32, #tpu.memory_space<vmem>> -> memref<1x1600x32xf32, #tpu.memory_space<vmem>>
      %dma_start3A_484 = tpu.memref_squeeze %dma_start3A_483 : memref<1x1600x32xf32, #tpu.memory_space<vmem>> -> memref<1600x32xf32, #tpu.memory_space<vmem>>
      %dma_start3A_485 = arith.constant 0 : i32
      %dma_start3A_486 = tpu.memref_slice %arg4[%add3A_163, %dma_start3A_485] : memref<819200x32xf32, #tpu.memory_space<hbm>> -> memref<1600x32xf32, #tpu.memory_space<hbm>>
      %dma_start3A_487 = arith.constant 0 : i32
      %dma_start3A_488 = tpu.memref_slice %arg4[%add3A_163, %dma_start3A_487] : memref<819200x32xf32, #tpu.memory_space<hbm>> -> memref<1600x32xf32, #tpu.memory_space<hbm>>
      %dma_start3A_489 = arith.constant 0 : i32
      %dma_start3A_490 = arith.constant 0 : i32
      %dma_start3A_491 = tpu.memref_slice %arg6[%run_scoped3A_164, %dma_start3A_489, %dma_start3A_490] : memref<2x1600x32xf32, #tpu.memory_space<vmem>> -> memref<1x1600x32xf32, #tpu.memory_space<vmem>>
      %dma_start3A_492 = tpu.memref_squeeze %dma_start3A_491 : memref<1x1600x32xf32, #tpu.memory_space<vmem>> -> memref<1600x32xf32, #tpu.memory_space<vmem>>
      tpu.enqueue_dma source(%dma_start3A_492 : memref<1600x32xf32, #tpu.memory_space<vmem>>) target(%dma_start3A_488 : memref<1600x32xf32, #tpu.memory_space<hbm>>) target_semaphore(%run_scoped3A_480 : memref<!tpu.dma_semaphore, #tpu.memory_space<semaphore_mem>>)
      %dma_wait3A_493 = arith.constant 0 : i32
      %dma_wait3A_494 = arith.constant 0 : i32
      %dma_wait3A_495 = tpu.memref_slice %arg6[%run_scoped3A_164, %dma_wait3A_493, %dma_wait3A_494] : memref<2x1600x32xf32, #tpu.memory_space<vmem>> -> memref<1x1600x32xf32, #tpu.memory_space<vmem>>
      %dma_wait3A_496 = tpu.memref_squeeze %dma_wait3A_495 : memref<1x1600x32xf32, #tpu.memory_space<vmem>> -> memref<1600x32xf32, #tpu.memory_space<vmem>>
      %dma_wait3A_497 = arith.constant 0 : i32
      %dma_wait3A_498 = tpu.memref_slice %arg4[%add3A_163, %dma_wait3A_497] : memref<819200x32xf32, #tpu.memory_space<hbm>> -> memref<1600x32xf32, #tpu.memory_space<hbm>>
      %dma_wait3A_499 = arith.constant 0 : i32
      %dma_wait3A_500 = tpu.memref_slice %arg4[%add3A_163, %dma_wait3A_499] : memref<819200x32xf32, #tpu.memory_space<hbm>> -> memref<1600x32xf32, #tpu.memory_space<hbm>>
      %dma_wait3A_501 = arith.constant 0 : i32
      %dma_wait3A_502 = arith.constant 0 : i32
      %dma_wait3A_503 = tpu.memref_slice %arg6[%run_scoped3A_164, %dma_wait3A_501, %dma_wait3A_502] : memref<2x1600x32xf32, #tpu.memory_space<vmem>> -> memref<1x1600x32xf32, #tpu.memory_space<vmem>>
      %dma_wait3A_504 = tpu.memref_squeeze %dma_wait3A_503 : memref<1x1600x32xf32, #tpu.memory_space<vmem>> -> memref<1600x32xf32, #tpu.memory_space<vmem>>
      tpu.wait_dma2 semaphore(%run_scoped3A_480 : memref<!tpu.dma_semaphore, #tpu.memory_space<semaphore_mem>>) src(%dma_wait3A_504 : memref<1600x32xf32, #tpu.memory_space<vmem>>) dst(%dma_wait3A_500 : memref<1600x32xf32, #tpu.memory_space<hbm>>)
      tpu.yield
    }) : () -> ()
    %add3A_165 = arith.constant 9600 : i32
    %add3A_166 = arith.addi %mul3A_2, %add3A_165 : i32
    %run_scoped3A_167 = arith.constant 0 : i32
    "tpu.region"() ({
      %run_scoped3A_480 = tpu.sem_alloc : memref<!tpu.dma_semaphore, #tpu.memory_space<semaphore_mem>>
      %dma_start3A_481 = arith.constant 0 : i32
      %dma_start3A_482 = tpu.memref_slice %arg5[%run_scoped3A_167, %dma_start3A_481] : memref<2x1600xi32, #tpu.memory_space<vmem>> -> memref<1x1600xi32, #tpu.memory_space<vmem>>
      %dma_start3A_483 = tpu.memref_squeeze %dma_start3A_482 : memref<1x1600xi32, #tpu.memory_space<vmem>> -> memref<1600xi32, #tpu.memory_space<vmem>>
      %dma_start3A_484 = tpu.memref_slice %arg3[%add3A_166] : memref<819200xi32, #tpu.memory_space<hbm>> -> memref<1600xi32, #tpu.memory_space<hbm>>
      %dma_start3A_485 = arith.constant 0 : i32
      %dma_start3A_486 = tpu.memref_slice %arg5[%run_scoped3A_167, %dma_start3A_485] : memref<2x1600xi32, #tpu.memory_space<vmem>> -> memref<1x1600xi32, #tpu.memory_space<vmem>>
      %dma_start3A_487 = tpu.memref_squeeze %dma_start3A_486 : memref<1x1600xi32, #tpu.memory_space<vmem>> -> memref<1600xi32, #tpu.memory_space<vmem>>
      %dma_start3A_488 = tpu.memref_slice %arg3[%add3A_166] : memref<819200xi32, #tpu.memory_space<hbm>> -> memref<1600xi32, #tpu.memory_space<hbm>>
      tpu.enqueue_dma source(%dma_start3A_488 : memref<1600xi32, #tpu.memory_space<hbm>>) target(%dma_start3A_487 : memref<1600xi32, #tpu.memory_space<vmem>>) target_semaphore(%run_scoped3A_480 : memref<!tpu.dma_semaphore, #tpu.memory_space<semaphore_mem>>)
      %dma_wait3A_489 = arith.constant 0 : i32
      %dma_wait3A_490 = tpu.memref_slice %arg5[%run_scoped3A_167, %dma_wait3A_489] : memref<2x1600xi32, #tpu.memory_space<vmem>> -> memref<1x1600xi32, #tpu.memory_space<vmem>>
      %dma_wait3A_491 = tpu.memref_squeeze %dma_wait3A_490 : memref<1x1600xi32, #tpu.memory_space<vmem>> -> memref<1600xi32, #tpu.memory_space<vmem>>
      %dma_wait3A_492 = tpu.memref_slice %arg3[%add3A_166] : memref<819200xi32, #tpu.memory_space<hbm>> -> memref<1600xi32, #tpu.memory_space<hbm>>
      %dma_wait3A_493 = arith.constant 0 : i32
      %dma_wait3A_494 = tpu.memref_slice %arg5[%run_scoped3A_167, %dma_wait3A_493] : memref<2x1600xi32, #tpu.memory_space<vmem>> -> memref<1x1600xi32, #tpu.memory_space<vmem>>
      %dma_wait3A_495 = tpu.memref_squeeze %dma_wait3A_494 : memref<1x1600xi32, #tpu.memory_space<vmem>> -> memref<1600xi32, #tpu.memory_space<vmem>>
      %dma_wait3A_496 = tpu.memref_slice %arg3[%add3A_166] : memref<819200xi32, #tpu.memory_space<hbm>> -> memref<1600xi32, #tpu.memory_space<hbm>>
      tpu.wait_dma2 semaphore(%run_scoped3A_480 : memref<!tpu.dma_semaphore, #tpu.memory_space<semaphore_mem>>) src(%dma_wait3A_496 : memref<1600xi32, #tpu.memory_space<hbm>>) dst(%dma_wait3A_495 : memref<1600xi32, #tpu.memory_space<vmem>>)
      tpu.yield
    }) : () -> ()
    %dma_start3A_168 = arith.constant 0 : i32
    %dma_start3A_169 = arith.constant 0 : i32
    %dma_start3A_170 = arith.constant 0 : i32
    %dma_start3A_171 = arith.constant 0 : i32
    %dma_start3A_172 = tpu.memref_slice %arg6[%dma_start3A_169, %dma_start3A_170, %dma_start3A_171] : memref<2x1600x32xf32, #tpu.memory_space<vmem>> -> memref<1x1600x32xf32, #tpu.memory_space<vmem>>
    %dma_start3A_173 = tpu.memref_squeeze %dma_start3A_172 : memref<1x1600x32xf32, #tpu.memory_space<vmem>> -> memref<1600x32xf32, #tpu.memory_space<vmem>>
    %dma_start3A_174 = arith.constant 0 : i32
    %dma_start3A_175 = tpu.memref_slice %arg5[%dma_start3A_168, %dma_start3A_174] : memref<2x1600xi32, #tpu.memory_space<vmem>> -> memref<1x1600xi32, #tpu.memory_space<vmem>>
    %dma_start3A_176 = tpu.memref_squeeze %dma_start3A_175 : memref<1x1600xi32, #tpu.memory_space<vmem>> -> memref<1600xi32, #tpu.memory_space<vmem>>
    %dma_start3A_177 = arith.constant 0 : i32
    %dma_start3A_178 = arith.constant 0 : i32
    %dma_start3A_179 = tpu.memref_slice %arg2[%dma_start3A_177, %dma_start3A_178] : memref<1000000x32xf32, #tpu.memory_space<hbm>> -> memref<1000000x32xf32, #tpu.memory_space<hbm>>
    tpu.enqueue_indirect_dma source(%dma_start3A_179 : memref<1000000x32xf32, #tpu.memory_space<hbm>>) target(%dma_start3A_173 : memref<1600x32xf32, #tpu.memory_space<vmem>>) offsets(%dma_start3A_176 : memref<1600xi32, #tpu.memory_space<vmem>>) semaphore(%arg7 : memref<!tpu.dma_semaphore, #tpu.memory_space<semaphore_mem>>)
    %dma_wait3A_180 = arith.constant 1 : i32
    %dma_wait3A_181 = arith.constant 1 : i32
    %dma_wait3A_182 = arith.constant 0 : i32
    %dma_wait3A_183 = arith.constant 0 : i32
    %dma_wait3A_184 = tpu.memref_slice %arg6[%dma_wait3A_181, %dma_wait3A_182, %dma_wait3A_183] : memref<2x1600x32xf32, #tpu.memory_space<vmem>> -> memref<1x1600x32xf32, #tpu.memory_space<vmem>>
    %dma_wait3A_185 = tpu.memref_squeeze %dma_wait3A_184 : memref<1x1600x32xf32, #tpu.memory_space<vmem>> -> memref<1600x32xf32, #tpu.memory_space<vmem>>
    %dma_wait3A_186 = arith.constant 0 : i32
    %dma_wait3A_187 = tpu.memref_slice %arg5[%dma_wait3A_180, %dma_wait3A_186] : memref<2x1600xi32, #tpu.memory_space<vmem>> -> memref<1x1600xi32, #tpu.memory_space<vmem>>
    %dma_wait3A_188 = tpu.memref_squeeze %dma_wait3A_187 : memref<1x1600xi32, #tpu.memory_space<vmem>> -> memref<1600xi32, #tpu.memory_space<vmem>>
    %dma_wait3A_189 = arith.constant 0 : i32
    %dma_wait3A_190 = arith.constant 0 : i32
    %dma_wait3A_191 = tpu.memref_slice %arg2[%dma_wait3A_189, %dma_wait3A_190] : memref<1000000x32xf32, #tpu.memory_space<hbm>> -> memref<1000000x32xf32, #tpu.memory_space<hbm>>
    tpu.wait_indirect_dma semaphore(%arg8 : memref<!tpu.dma_semaphore, #tpu.memory_space<semaphore_mem>>) src(%dma_wait3A_191 : memref<1000000x32xf32, #tpu.memory_space<hbm>>) dst(%dma_wait3A_185 : memref<1600x32xf32, #tpu.memory_space<vmem>>)
    %add3A_192 = arith.constant 8000 : i32
    %add3A_193 = arith.addi %mul3A_2, %add3A_192 : i32
    %run_scoped3A_194 = arith.constant 1 : i32
    "tpu.region"() ({
      %run_scoped3A_480 = tpu.sem_alloc : memref<!tpu.dma_semaphore, #tpu.memory_space<semaphore_mem>>
      %dma_start3A_481 = arith.constant 0 : i32
      %dma_start3A_482 = arith.constant 0 : i32
      %dma_start3A_483 = tpu.memref_slice %arg6[%run_scoped3A_194, %dma_start3A_481, %dma_start3A_482] : memref<2x1600x32xf32, #tpu.memory_space<vmem>> -> memref<1x1600x32xf32, #tpu.memory_space<vmem>>
      %dma_start3A_484 = tpu.memref_squeeze %dma_start3A_483 : memref<1x1600x32xf32, #tpu.memory_space<vmem>> -> memref<1600x32xf32, #tpu.memory_space<vmem>>
      %dma_start3A_485 = arith.constant 0 : i32
      %dma_start3A_486 = tpu.memref_slice %arg4[%add3A_193, %dma_start3A_485] : memref<819200x32xf32, #tpu.memory_space<hbm>> -> memref<1600x32xf32, #tpu.memory_space<hbm>>
      %dma_start3A_487 = arith.constant 0 : i32
      %dma_start3A_488 = tpu.memref_slice %arg4[%add3A_193, %dma_start3A_487] : memref<819200x32xf32, #tpu.memory_space<hbm>> -> memref<1600x32xf32, #tpu.memory_space<hbm>>
      %dma_start3A_489 = arith.constant 0 : i32
      %dma_start3A_490 = arith.constant 0 : i32
      %dma_start3A_491 = tpu.memref_slice %arg6[%run_scoped3A_194, %dma_start3A_489, %dma_start3A_490] : memref<2x1600x32xf32, #tpu.memory_space<vmem>> -> memref<1x1600x32xf32, #tpu.memory_space<vmem>>
      %dma_start3A_492 = tpu.memref_squeeze %dma_start3A_491 : memref<1x1600x32xf32, #tpu.memory_space<vmem>> -> memref<1600x32xf32, #tpu.memory_space<vmem>>
      tpu.enqueue_dma source(%dma_start3A_492 : memref<1600x32xf32, #tpu.memory_space<vmem>>) target(%dma_start3A_488 : memref<1600x32xf32, #tpu.memory_space<hbm>>) target_semaphore(%run_scoped3A_480 : memref<!tpu.dma_semaphore, #tpu.memory_space<semaphore_mem>>)
      %dma_wait3A_493 = arith.constant 0 : i32
      %dma_wait3A_494 = arith.constant 0 : i32
      %dma_wait3A_495 = tpu.memref_slice %arg6[%run_scoped3A_194, %dma_wait3A_493, %dma_wait3A_494] : memref<2x1600x32xf32, #tpu.memory_space<vmem>> -> memref<1x1600x32xf32, #tpu.memory_space<vmem>>
      %dma_wait3A_496 = tpu.memref_squeeze %dma_wait3A_495 : memref<1x1600x32xf32, #tpu.memory_space<vmem>> -> memref<1600x32xf32, #tpu.memory_space<vmem>>
      %dma_wait3A_497 = arith.constant 0 : i32
      %dma_wait3A_498 = tpu.memref_slice %arg4[%add3A_193, %dma_wait3A_497] : memref<819200x32xf32, #tpu.memory_space<hbm>> -> memref<1600x32xf32, #tpu.memory_space<hbm>>
      %dma_wait3A_499 = arith.constant 0 : i32
      %dma_wait3A_500 = tpu.memref_slice %arg4[%add3A_193, %dma_wait3A_499] : memref<819200x32xf32, #tpu.memory_space<hbm>> -> memref<1600x32xf32, #tpu.memory_space<hbm>>
      %dma_wait3A_501 = arith.constant 0 : i32
      %dma_wait3A_502 = arith.constant 0 : i32
      %dma_wait3A_503 = tpu.memref_slice %arg6[%run_scoped3A_194, %dma_wait3A_501, %dma_wait3A_502] : memref<2x1600x32xf32, #tpu.memory_space<vmem>> -> memref<1x1600x32xf32, #tpu.memory_space<vmem>>
      %dma_wait3A_504 = tpu.memref_squeeze %dma_wait3A_503 : memref<1x1600x32xf32, #tpu.memory_space<vmem>> -> memref<1600x32xf32, #tpu.memory_space<vmem>>
      tpu.wait_dma2 semaphore(%run_scoped3A_480 : memref<!tpu.dma_semaphore, #tpu.memory_space<semaphore_mem>>) src(%dma_wait3A_504 : memref<1600x32xf32, #tpu.memory_space<vmem>>) dst(%dma_wait3A_500 : memref<1600x32xf32, #tpu.memory_space<hbm>>)
      tpu.yield
    }) : () -> ()
    %add3A_195 = arith.constant 11200 : i32
    %add3A_196 = arith.addi %mul3A_2, %add3A_195 : i32
    %run_scoped3A_197 = arith.constant 1 : i32
    "tpu.region"() ({
      %run_scoped3A_480 = tpu.sem_alloc : memref<!tpu.dma_semaphore, #tpu.memory_space<semaphore_mem>>
      %dma_start3A_481 = arith.constant 0 : i32
      %dma_start3A_482 = tpu.memref_slice %arg5[%run_scoped3A_197, %dma_start3A_481] : memref<2x1600xi32, #tpu.memory_space<vmem>> -> memref<1x1600xi32, #tpu.memory_space<vmem>>
      %dma_start3A_483 = tpu.memref_squeeze %dma_start3A_482 : memref<1x1600xi32, #tpu.memory_space<vmem>> -> memref<1600xi32, #tpu.memory_space<vmem>>
      %dma_start3A_484 = tpu.memref_slice %arg3[%add3A_196] : memref<819200xi32, #tpu.memory_space<hbm>> -> memref<1600xi32, #tpu.memory_space<hbm>>
      %dma_start3A_485 = arith.constant 0 : i32
      %dma_start3A_486 = tpu.memref_slice %arg5[%run_scoped3A_197, %dma_start3A_485] : memref<2x1600xi32, #tpu.memory_space<vmem>> -> memref<1x1600xi32, #tpu.memory_space<vmem>>
      %dma_start3A_487 = tpu.memref_squeeze %dma_start3A_486 : memref<1x1600xi32, #tpu.memory_space<vmem>> -> memref<1600xi32, #tpu.memory_space<vmem>>
      %dma_start3A_488 = tpu.memref_slice %arg3[%add3A_196] : memref<819200xi32, #tpu.memory_space<hbm>> -> memref<1600xi32, #tpu.memory_space<hbm>>
      tpu.enqueue_dma source(%dma_start3A_488 : memref<1600xi32, #tpu.memory_space<hbm>>) target(%dma_start3A_487 : memref<1600xi32, #tpu.memory_space<vmem>>) target_semaphore(%run_scoped3A_480 : memref<!tpu.dma_semaphore, #tpu.memory_space<semaphore_mem>>)
      %dma_wait3A_489 = arith.constant 0 : i32
      %dma_wait3A_490 = tpu.memref_slice %arg5[%run_scoped3A_197, %dma_wait3A_489] : memref<2x1600xi32, #tpu.memory_space<vmem>> -> memref<1x1600xi32, #tpu.memory_space<vmem>>
      %dma_wait3A_491 = tpu.memref_squeeze %dma_wait3A_490 : memref<1x1600xi32, #tpu.memory_space<vmem>> -> memref<1600xi32, #tpu.memory_space<vmem>>
      %dma_wait3A_492 = tpu.memref_slice %arg3[%add3A_196] : memref<819200xi32, #tpu.memory_space<hbm>> -> memref<1600xi32, #tpu.memory_space<hbm>>
      %dma_wait3A_493 = arith.constant 0 : i32
      %dma_wait3A_494 = tpu.memref_slice %arg5[%run_scoped3A_197, %dma_wait3A_493] : memref<2x1600xi32, #tpu.memory_space<vmem>> -> memref<1x1600xi32, #tpu.memory_space<vmem>>
      %dma_wait3A_495 = tpu.memref_squeeze %dma_wait3A_494 : memref<1x1600xi32, #tpu.memory_space<vmem>> -> memref<1600xi32, #tpu.memory_space<vmem>>
      %dma_wait3A_496 = tpu.memref_slice %arg3[%add3A_196] : memref<819200xi32, #tpu.memory_space<hbm>> -> memref<1600xi32, #tpu.memory_space<hbm>>
      tpu.wait_dma2 semaphore(%run_scoped3A_480 : memref<!tpu.dma_semaphore, #tpu.memory_space<semaphore_mem>>) src(%dma_wait3A_496 : memref<1600xi32, #tpu.memory_space<hbm>>) dst(%dma_wait3A_495 : memref<1600xi32, #tpu.memory_space<vmem>>)
      tpu.yield
    }) : () -> ()
    %dma_start3A_198 = arith.constant 1 : i32
    %dma_start3A_199 = arith.constant 1 : i32
    %dma_start3A_200 = arith.constant 0 : i32
    %dma_start3A_201 = arith.constant 0 : i32
    %dma_start3A_202 = tpu.memref_slice %arg6[%dma_start3A_199, %dma_start3A_200, %dma_start3A_201] : memref<2x1600x32xf32, #tpu.memory_space<vmem>> -> memref<1x1600x32xf32, #tpu.memory_space<vmem>>
    %dma_start3A_203 = tpu.memref_squeeze %dma_start3A_202 : memref<1x1600x32xf32, #tpu.memory_space<vmem>> -> memref<1600x32xf32, #tpu.memory_space<vmem>>
    %dma_start3A_204 = arith.constant 0 : i32
    %dma_start3A_205 = tpu.memref_slice %arg5[%dma_start3A_198, %dma_start3A_204] : memref<2x1600xi32, #tpu.memory_space<vmem>> -> memref<1x1600xi32, #tpu.memory_space<vmem>>
    %dma_start3A_206 = tpu.memref_squeeze %dma_start3A_205 : memref<1x1600xi32, #tpu.memory_space<vmem>> -> memref<1600xi32, #tpu.memory_space<vmem>>
    %dma_start3A_207 = arith.constant 0 : i32
    %dma_start3A_208 = arith.constant 0 : i32
    %dma_start3A_209 = tpu.memref_slice %arg2[%dma_start3A_207, %dma_start3A_208] : memref<1000000x32xf32, #tpu.memory_space<hbm>> -> memref<1000000x32xf32, #tpu.memory_space<hbm>>
    tpu.enqueue_indirect_dma source(%dma_start3A_209 : memref<1000000x32xf32, #tpu.memory_space<hbm>>) target(%dma_start3A_203 : memref<1600x32xf32, #tpu.memory_space<vmem>>) offsets(%dma_start3A_206 : memref<1600xi32, #tpu.memory_space<vmem>>) semaphore(%arg8 : memref<!tpu.dma_semaphore, #tpu.memory_space<semaphore_mem>>)
    %dma_wait3A_210 = arith.constant 0 : i32
    %dma_wait3A_211 = arith.constant 0 : i32
    %dma_wait3A_212 = arith.constant 0 : i32
    %dma_wait3A_213 = arith.constant 0 : i32
    %dma_wait3A_214 = tpu.memref_slice %arg6[%dma_wait3A_211, %dma_wait3A_212, %dma_wait3A_213] : memref<2x1600x32xf32, #tpu.memory_space<vmem>> -> memref<1x1600x32xf32, #tpu.memory_space<vmem>>
    %dma_wait3A_215 = tpu.memref_squeeze %dma_wait3A_214 : memref<1x1600x32xf32, #tpu.memory_space<vmem>> -> memref<1600x32xf32, #tpu.memory_space<vmem>>
    %dma_wait3A_216 = arith.constant 0 : i32
    %dma_wait3A_217 = tpu.memref_slice %arg5[%dma_wait3A_210, %dma_wait3A_216] : memref<2x1600xi32, #tpu.memory_space<vmem>> -> memref<1x1600xi32, #tpu.memory_space<vmem>>
    %dma_wait3A_218 = tpu.memref_squeeze %dma_wait3A_217 : memref<1x1600xi32, #tpu.memory_space<vmem>> -> memref<1600xi32, #tpu.memory_space<vmem>>
    %dma_wait3A_219 = arith.constant 0 : i32
    %dma_wait3A_220 = arith.constant 0 : i32
    %dma_wait3A_221 = tpu.memref_slice %arg2[%dma_wait3A_219, %dma_wait3A_220] : memref<1000000x32xf32, #tpu.memory_space<hbm>> -> memref<1000000x32xf32, #tpu.memory_space<hbm>>
    tpu.wait_indirect_dma semaphore(%arg7 : memref<!tpu.dma_semaphore, #tpu.memory_space<semaphore_mem>>) src(%dma_wait3A_221 : memref<1000000x32xf32, #tpu.memory_space<hbm>>) dst(%dma_wait3A_215 : memref<1600x32xf32, #tpu.memory_space<vmem>>)
    %add3A_222 = arith.constant 9600 : i32
    %add3A_223 = arith.addi %mul3A_2, %add3A_222 : i32
    %run_scoped3A_224 = arith.constant 0 : i32
    "tpu.region"() ({
      %run_scoped3A_480 = tpu.sem_alloc : memref<!tpu.dma_semaphore, #tpu.memory_space<semaphore_mem>>
      %dma_start3A_481 = arith.constant 0 : i32
      %dma_start3A_482 = arith.constant 0 : i32
      %dma_start3A_483 = tpu.memref_slice %arg6[%run_scoped3A_224, %dma_start3A_481, %dma_start3A_482] : memref<2x1600x32xf32, #tpu.memory_space<vmem>> -> memref<1x1600x32xf32, #tpu.memory_space<vmem>>
      %dma_start3A_484 = tpu.memref_squeeze %dma_start3A_483 : memref<1x1600x32xf32, #tpu.memory_space<vmem>> -> memref<1600x32xf32, #tpu.memory_space<vmem>>
      %dma_start3A_485 = arith.constant 0 : i32
      %dma_start3A_486 = tpu.memref_slice %arg4[%add3A_223, %dma_start3A_485] : memref<819200x32xf32, #tpu.memory_space<hbm>> -> memref<1600x32xf32, #tpu.memory_space<hbm>>
      %dma_start3A_487 = arith.constant 0 : i32
      %dma_start3A_488 = tpu.memref_slice %arg4[%add3A_223, %dma_start3A_487] : memref<819200x32xf32, #tpu.memory_space<hbm>> -> memref<1600x32xf32, #tpu.memory_space<hbm>>
      %dma_start3A_489 = arith.constant 0 : i32
      %dma_start3A_490 = arith.constant 0 : i32
      %dma_start3A_491 = tpu.memref_slice %arg6[%run_scoped3A_224, %dma_start3A_489, %dma_start3A_490] : memref<2x1600x32xf32, #tpu.memory_space<vmem>> -> memref<1x1600x32xf32, #tpu.memory_space<vmem>>
      %dma_start3A_492 = tpu.memref_squeeze %dma_start3A_491 : memref<1x1600x32xf32, #tpu.memory_space<vmem>> -> memref<1600x32xf32, #tpu.memory_space<vmem>>
      tpu.enqueue_dma source(%dma_start3A_492 : memref<1600x32xf32, #tpu.memory_space<vmem>>) target(%dma_start3A_488 : memref<1600x32xf32, #tpu.memory_space<hbm>>) target_semaphore(%run_scoped3A_480 : memref<!tpu.dma_semaphore, #tpu.memory_space<semaphore_mem>>)
      %dma_wait3A_493 = arith.constant 0 : i32
      %dma_wait3A_494 = arith.constant 0 : i32
      %dma_wait3A_495 = tpu.memref_slice %arg6[%run_scoped3A_224, %dma_wait3A_493, %dma_wait3A_494] : memref<2x1600x32xf32, #tpu.memory_space<vmem>> -> memref<1x1600x32xf32, #tpu.memory_space<vmem>>
      %dma_wait3A_496 = tpu.memref_squeeze %dma_wait3A_495 : memref<1x1600x32xf32, #tpu.memory_space<vmem>> -> memref<1600x32xf32, #tpu.memory_space<vmem>>
      %dma_wait3A_497 = arith.constant 0 : i32
      %dma_wait3A_498 = tpu.memref_slice %arg4[%add3A_223, %dma_wait3A_497] : memref<819200x32xf32, #tpu.memory_space<hbm>> -> memref<1600x32xf32, #tpu.memory_space<hbm>>
      %dma_wait3A_499 = arith.constant 0 : i32
      %dma_wait3A_500 = tpu.memref_slice %arg4[%add3A_223, %dma_wait3A_499] : memref<819200x32xf32, #tpu.memory_space<hbm>> -> memref<1600x32xf32, #tpu.memory_space<hbm>>
      %dma_wait3A_501 = arith.constant 0 : i32
      %dma_wait3A_502 = arith.constant 0 : i32
      %dma_wait3A_503 = tpu.memref_slice %arg6[%run_scoped3A_224, %dma_wait3A_501, %dma_wait3A_502] : memref<2x1600x32xf32, #tpu.memory_space<vmem>> -> memref<1x1600x32xf32, #tpu.memory_space<vmem>>
      %dma_wait3A_504 = tpu.memref_squeeze %dma_wait3A_503 : memref<1x1600x32xf32, #tpu.memory_space<vmem>> -> memref<1600x32xf32, #tpu.memory_space<vmem>>
      tpu.wait_dma2 semaphore(%run_scoped3A_480 : memref<!tpu.dma_semaphore, #tpu.memory_space<semaphore_mem>>) src(%dma_wait3A_504 : memref<1600x32xf32, #tpu.memory_space<vmem>>) dst(%dma_wait3A_500 : memref<1600x32xf32, #tpu.memory_space<hbm>>)
      tpu.yield
    }) : () -> ()
    %add3A_225 = arith.constant 12800 : i32
    %add3A_226 = arith.addi %mul3A_2, %add3A_225 : i32
    %run_scoped3A_227 = arith.constant 0 : i32
    "tpu.region"() ({
      %run_scoped3A_480 = tpu.sem_alloc : memref<!tpu.dma_semaphore, #tpu.memory_space<semaphore_mem>>
      %dma_start3A_481 = arith.constant 0 : i32
      %dma_start3A_482 = tpu.memref_slice %arg5[%run_scoped3A_227, %dma_start3A_481] : memref<2x1600xi32, #tpu.memory_space<vmem>> -> memref<1x1600xi32, #tpu.memory_space<vmem>>
      %dma_start3A_483 = tpu.memref_squeeze %dma_start3A_482 : memref<1x1600xi32, #tpu.memory_space<vmem>> -> memref<1600xi32, #tpu.memory_space<vmem>>
      %dma_start3A_484 = tpu.memref_slice %arg3[%add3A_226] : memref<819200xi32, #tpu.memory_space<hbm>> -> memref<1600xi32, #tpu.memory_space<hbm>>
      %dma_start3A_485 = arith.constant 0 : i32
      %dma_start3A_486 = tpu.memref_slice %arg5[%run_scoped3A_227, %dma_start3A_485] : memref<2x1600xi32, #tpu.memory_space<vmem>> -> memref<1x1600xi32, #tpu.memory_space<vmem>>
      %dma_start3A_487 = tpu.memref_squeeze %dma_start3A_486 : memref<1x1600xi32, #tpu.memory_space<vmem>> -> memref<1600xi32, #tpu.memory_space<vmem>>
      %dma_start3A_488 = tpu.memref_slice %arg3[%add3A_226] : memref<819200xi32, #tpu.memory_space<hbm>> -> memref<1600xi32, #tpu.memory_space<hbm>>
      tpu.enqueue_dma source(%dma_start3A_488 : memref<1600xi32, #tpu.memory_space<hbm>>) target(%dma_start3A_487 : memref<1600xi32, #tpu.memory_space<vmem>>) target_semaphore(%run_scoped3A_480 : memref<!tpu.dma_semaphore, #tpu.memory_space<semaphore_mem>>)
      %dma_wait3A_489 = arith.constant 0 : i32
      %dma_wait3A_490 = tpu.memref_slice %arg5[%run_scoped3A_227, %dma_wait3A_489] : memref<2x1600xi32, #tpu.memory_space<vmem>> -> memref<1x1600xi32, #tpu.memory_space<vmem>>
      %dma_wait3A_491 = tpu.memref_squeeze %dma_wait3A_490 : memref<1x1600xi32, #tpu.memory_space<vmem>> -> memref<1600xi32, #tpu.memory_space<vmem>>
      %dma_wait3A_492 = tpu.memref_slice %arg3[%add3A_226] : memref<819200xi32, #tpu.memory_space<hbm>> -> memref<1600xi32, #tpu.memory_space<hbm>>
      %dma_wait3A_493 = arith.constant 0 : i32
      %dma_wait3A_494 = tpu.memref_slice %arg5[%run_scoped3A_227, %dma_wait3A_493] : memref<2x1600xi32, #tpu.memory_space<vmem>> -> memref<1x1600xi32, #tpu.memory_space<vmem>>
      %dma_wait3A_495 = tpu.memref_squeeze %dma_wait3A_494 : memref<1x1600xi32, #tpu.memory_space<vmem>> -> memref<1600xi32, #tpu.memory_space<vmem>>
      %dma_wait3A_496 = tpu.memref_slice %arg3[%add3A_226] : memref<819200xi32, #tpu.memory_space<hbm>> -> memref<1600xi32, #tpu.memory_space<hbm>>
      tpu.wait_dma2 semaphore(%run_scoped3A_480 : memref<!tpu.dma_semaphore, #tpu.memory_space<semaphore_mem>>) src(%dma_wait3A_496 : memref<1600xi32, #tpu.memory_space<hbm>>) dst(%dma_wait3A_495 : memref<1600xi32, #tpu.memory_space<vmem>>)
      tpu.yield
    }) : () -> ()
    %dma_start3A_228 = arith.constant 0 : i32
    %dma_start3A_229 = arith.constant 0 : i32
    %dma_start3A_230 = arith.constant 0 : i32
    %dma_start3A_231 = arith.constant 0 : i32
    %dma_start3A_232 = tpu.memref_slice %arg6[%dma_start3A_229, %dma_start3A_230, %dma_start3A_231] : memref<2x1600x32xf32, #tpu.memory_space<vmem>> -> memref<1x1600x32xf32, #tpu.memory_space<vmem>>
    %dma_start3A_233 = tpu.memref_squeeze %dma_start3A_232 : memref<1x1600x32xf32, #tpu.memory_space<vmem>> -> memref<1600x32xf32, #tpu.memory_space<vmem>>
    %dma_start3A_234 = arith.constant 0 : i32
    %dma_start3A_235 = tpu.memref_slice %arg5[%dma_start3A_228, %dma_start3A_234] : memref<2x1600xi32, #tpu.memory_space<vmem>> -> memref<1x1600xi32, #tpu.memory_space<vmem>>
    %dma_start3A_236 = tpu.memref_squeeze %dma_start3A_235 : memref<1x1600xi32, #tpu.memory_space<vmem>> -> memref<1600xi32, #tpu.memory_space<vmem>>
    %dma_start3A_237 = arith.constant 0 : i32
    %dma_start3A_238 = arith.constant 0 : i32
    %dma_start3A_239 = tpu.memref_slice %arg2[%dma_start3A_237, %dma_start3A_238] : memref<1000000x32xf32, #tpu.memory_space<hbm>> -> memref<1000000x32xf32, #tpu.memory_space<hbm>>
    tpu.enqueue_indirect_dma source(%dma_start3A_239 : memref<1000000x32xf32, #tpu.memory_space<hbm>>) target(%dma_start3A_233 : memref<1600x32xf32, #tpu.memory_space<vmem>>) offsets(%dma_start3A_236 : memref<1600xi32, #tpu.memory_space<vmem>>) semaphore(%arg7 : memref<!tpu.dma_semaphore, #tpu.memory_space<semaphore_mem>>)
    %dma_wait3A_240 = arith.constant 1 : i32
    %dma_wait3A_241 = arith.constant 1 : i32
    %dma_wait3A_242 = arith.constant 0 : i32
    %dma_wait3A_243 = arith.constant 0 : i32
    %dma_wait3A_244 = tpu.memref_slice %arg6[%dma_wait3A_241, %dma_wait3A_242, %dma_wait3A_243] : memref<2x1600x32xf32, #tpu.memory_space<vmem>> -> memref<1x1600x32xf32, #tpu.memory_space<vmem>>
    %dma_wait3A_245 = tpu.memref_squeeze %dma_wait3A_244 : memref<1x1600x32xf32, #tpu.memory_space<vmem>> -> memref<1600x32xf32, #tpu.memory_space<vmem>>
    %dma_wait3A_246 = arith.constant 0 : i32
    %dma_wait3A_247 = tpu.memref_slice %arg5[%dma_wait3A_240, %dma_wait3A_246] : memref<2x1600xi32, #tpu.memory_space<vmem>> -> memref<1x1600xi32, #tpu.memory_space<vmem>>
    %dma_wait3A_248 = tpu.memref_squeeze %dma_wait3A_247 : memref<1x1600xi32, #tpu.memory_space<vmem>> -> memref<1600xi32, #tpu.memory_space<vmem>>
    %dma_wait3A_249 = arith.constant 0 : i32
    %dma_wait3A_250 = arith.constant 0 : i32
    %dma_wait3A_251 = tpu.memref_slice %arg2[%dma_wait3A_249, %dma_wait3A_250] : memref<1000000x32xf32, #tpu.memory_space<hbm>> -> memref<1000000x32xf32, #tpu.memory_space<hbm>>
    tpu.wait_indirect_dma semaphore(%arg8 : memref<!tpu.dma_semaphore, #tpu.memory_space<semaphore_mem>>) src(%dma_wait3A_251 : memref<1000000x32xf32, #tpu.memory_space<hbm>>) dst(%dma_wait3A_245 : memref<1600x32xf32, #tpu.memory_space<vmem>>)
    %add3A_252 = arith.constant 11200 : i32
    %add3A_253 = arith.addi %mul3A_2, %add3A_252 : i32
    %run_scoped3A_254 = arith.constant 1 : i32
    "tpu.region"() ({
      %run_scoped3A_480 = tpu.sem_alloc : memref<!tpu.dma_semaphore, #tpu.memory_space<semaphore_mem>>
      %dma_start3A_481 = arith.constant 0 : i32
      %dma_start3A_482 = arith.constant 0 : i32
      %dma_start3A_483 = tpu.memref_slice %arg6[%run_scoped3A_254, %dma_start3A_481, %dma_start3A_482] : memref<2x1600x32xf32, #tpu.memory_space<vmem>> -> memref<1x1600x32xf32, #tpu.memory_space<vmem>>
      %dma_start3A_484 = tpu.memref_squeeze %dma_start3A_483 : memref<1x1600x32xf32, #tpu.memory_space<vmem>> -> memref<1600x32xf32, #tpu.memory_space<vmem>>
      %dma_start3A_485 = arith.constant 0 : i32
      %dma_start3A_486 = tpu.memref_slice %arg4[%add3A_253, %dma_start3A_485] : memref<819200x32xf32, #tpu.memory_space<hbm>> -> memref<1600x32xf32, #tpu.memory_space<hbm>>
      %dma_start3A_487 = arith.constant 0 : i32
      %dma_start3A_488 = tpu.memref_slice %arg4[%add3A_253, %dma_start3A_487] : memref<819200x32xf32, #tpu.memory_space<hbm>> -> memref<1600x32xf32, #tpu.memory_space<hbm>>
      %dma_start3A_489 = arith.constant 0 : i32
      %dma_start3A_490 = arith.constant 0 : i32
      %dma_start3A_491 = tpu.memref_slice %arg6[%run_scoped3A_254, %dma_start3A_489, %dma_start3A_490] : memref<2x1600x32xf32, #tpu.memory_space<vmem>> -> memref<1x1600x32xf32, #tpu.memory_space<vmem>>
      %dma_start3A_492 = tpu.memref_squeeze %dma_start3A_491 : memref<1x1600x32xf32, #tpu.memory_space<vmem>> -> memref<1600x32xf32, #tpu.memory_space<vmem>>
      tpu.enqueue_dma source(%dma_start3A_492 : memref<1600x32xf32, #tpu.memory_space<vmem>>) target(%dma_start3A_488 : memref<1600x32xf32, #tpu.memory_space<hbm>>) target_semaphore(%run_scoped3A_480 : memref<!tpu.dma_semaphore, #tpu.memory_space<semaphore_mem>>)
      %dma_wait3A_493 = arith.constant 0 : i32
      %dma_wait3A_494 = arith.constant 0 : i32
      %dma_wait3A_495 = tpu.memref_slice %arg6[%run_scoped3A_254, %dma_wait3A_493, %dma_wait3A_494] : memref<2x1600x32xf32, #tpu.memory_space<vmem>> -> memref<1x1600x32xf32, #tpu.memory_space<vmem>>
      %dma_wait3A_496 = tpu.memref_squeeze %dma_wait3A_495 : memref<1x1600x32xf32, #tpu.memory_space<vmem>> -> memref<1600x32xf32, #tpu.memory_space<vmem>>
      %dma_wait3A_497 = arith.constant 0 : i32
      %dma_wait3A_498 = tpu.memref_slice %arg4[%add3A_253, %dma_wait3A_497] : memref<819200x32xf32, #tpu.memory_space<hbm>> -> memref<1600x32xf32, #tpu.memory_space<hbm>>
      %dma_wait3A_499 = arith.constant 0 : i32
      %dma_wait3A_500 = tpu.memref_slice %arg4[%add3A_253, %dma_wait3A_499] : memref<819200x32xf32, #tpu.memory_space<hbm>> -> memref<1600x32xf32, #tpu.memory_space<hbm>>
      %dma_wait3A_501 = arith.constant 0 : i32
      %dma_wait3A_502 = arith.constant 0 : i32
      %dma_wait3A_503 = tpu.memref_slice %arg6[%run_scoped3A_254, %dma_wait3A_501, %dma_wait3A_502] : memref<2x1600x32xf32, #tpu.memory_space<vmem>> -> memref<1x1600x32xf32, #tpu.memory_space<vmem>>
      %dma_wait3A_504 = tpu.memref_squeeze %dma_wait3A_503 : memref<1x1600x32xf32, #tpu.memory_space<vmem>> -> memref<1600x32xf32, #tpu.memory_space<vmem>>
      tpu.wait_dma2 semaphore(%run_scoped3A_480 : memref<!tpu.dma_semaphore, #tpu.memory_space<semaphore_mem>>) src(%dma_wait3A_504 : memref<1600x32xf32, #tpu.memory_space<vmem>>) dst(%dma_wait3A_500 : memref<1600x32xf32, #tpu.memory_space<hbm>>)
      tpu.yield
    }) : () -> ()
    %add3A_255 = arith.constant 14400 : i32
    %add3A_256 = arith.addi %mul3A_2, %add3A_255 : i32
    %run_scoped3A_257 = arith.constant 1 : i32
    "tpu.region"() ({
      %run_scoped3A_480 = tpu.sem_alloc : memref<!tpu.dma_semaphore, #tpu.memory_space<semaphore_mem>>
      %dma_start3A_481 = arith.constant 0 : i32
      %dma_start3A_482 = tpu.memref_slice %arg5[%run_scoped3A_257, %dma_start3A_481] : memref<2x1600xi32, #tpu.memory_space<vmem>> -> memref<1x1600xi32, #tpu.memory_space<vmem>>
      %dma_start3A_483 = tpu.memref_squeeze %dma_start3A_482 : memref<1x1600xi32, #tpu.memory_space<vmem>> -> memref<1600xi32, #tpu.memory_space<vmem>>
      %dma_start3A_484 = tpu.memref_slice %arg3[%add3A_256] : memref<819200xi32, #tpu.memory_space<hbm>> -> memref<1600xi32, #tpu.memory_space<hbm>>
      %dma_start3A_485 = arith.constant 0 : i32
      %dma_start3A_486 = tpu.memref_slice %arg5[%run_scoped3A_257, %dma_start3A_485] : memref<2x1600xi32, #tpu.memory_space<vmem>> -> memref<1x1600xi32, #tpu.memory_space<vmem>>
      %dma_start3A_487 = tpu.memref_squeeze %dma_start3A_486 : memref<1x1600xi32, #tpu.memory_space<vmem>> -> memref<1600xi32, #tpu.memory_space<vmem>>
      %dma_start3A_488 = tpu.memref_slice %arg3[%add3A_256] : memref<819200xi32, #tpu.memory_space<hbm>> -> memref<1600xi32, #tpu.memory_space<hbm>>
      tpu.enqueue_dma source(%dma_start3A_488 : memref<1600xi32, #tpu.memory_space<hbm>>) target(%dma_start3A_487 : memref<1600xi32, #tpu.memory_space<vmem>>) target_semaphore(%run_scoped3A_480 : memref<!tpu.dma_semaphore, #tpu.memory_space<semaphore_mem>>)
      %dma_wait3A_489 = arith.constant 0 : i32
      %dma_wait3A_490 = tpu.memref_slice %arg5[%run_scoped3A_257, %dma_wait3A_489] : memref<2x1600xi32, #tpu.memory_space<vmem>> -> memref<1x1600xi32, #tpu.memory_space<vmem>>
      %dma_wait3A_491 = tpu.memref_squeeze %dma_wait3A_490 : memref<1x1600xi32, #tpu.memory_space<vmem>> -> memref<1600xi32, #tpu.memory_space<vmem>>
      %dma_wait3A_492 = tpu.memref_slice %arg3[%add3A_256] : memref<819200xi32, #tpu.memory_space<hbm>> -> memref<1600xi32, #tpu.memory_space<hbm>>
      %dma_wait3A_493 = arith.constant 0 : i32
      %dma_wait3A_494 = tpu.memref_slice %arg5[%run_scoped3A_257, %dma_wait3A_493] : memref<2x1600xi32, #tpu.memory_space<vmem>> -> memref<1x1600xi32, #tpu.memory_space<vmem>>
      %dma_wait3A_495 = tpu.memref_squeeze %dma_wait3A_494 : memref<1x1600xi32, #tpu.memory_space<vmem>> -> memref<1600xi32, #tpu.memory_space<vmem>>
      %dma_wait3A_496 = tpu.memref_slice %arg3[%add3A_256] : memref<819200xi32, #tpu.memory_space<hbm>> -> memref<1600xi32, #tpu.memory_space<hbm>>
      tpu.wait_dma2 semaphore(%run_scoped3A_480 : memref<!tpu.dma_semaphore, #tpu.memory_space<semaphore_mem>>) src(%dma_wait3A_496 : memref<1600xi32, #tpu.memory_space<hbm>>) dst(%dma_wait3A_495 : memref<1600xi32, #tpu.memory_space<vmem>>)
      tpu.yield
    }) : () -> ()
    %dma_start3A_258 = arith.constant 1 : i32
    %dma_start3A_259 = arith.constant 1 : i32
    %dma_start3A_260 = arith.constant 0 : i32
    %dma_start3A_261 = arith.constant 0 : i32
    %dma_start3A_262 = tpu.memref_slice %arg6[%dma_start3A_259, %dma_start3A_260, %dma_start3A_261] : memref<2x1600x32xf32, #tpu.memory_space<vmem>> -> memref<1x1600x32xf32, #tpu.memory_space<vmem>>
    %dma_start3A_263 = tpu.memref_squeeze %dma_start3A_262 : memref<1x1600x32xf32, #tpu.memory_space<vmem>> -> memref<1600x32xf32, #tpu.memory_space<vmem>>
    %dma_start3A_264 = arith.constant 0 : i32
    %dma_start3A_265 = tpu.memref_slice %arg5[%dma_start3A_258, %dma_start3A_264] : memref<2x1600xi32, #tpu.memory_space<vmem>> -> memref<1x1600xi32, #tpu.memory_space<vmem>>
    %dma_start3A_266 = tpu.memref_squeeze %dma_start3A_265 : memref<1x1600xi32, #tpu.memory_space<vmem>> -> memref<1600xi32, #tpu.memory_space<vmem>>
    %dma_start3A_267 = arith.constant 0 : i32
    %dma_start3A_268 = arith.constant 0 : i32
    %dma_start3A_269 = tpu.memref_slice %arg2[%dma_start3A_267, %dma_start3A_268] : memref<1000000x32xf32, #tpu.memory_space<hbm>> -> memref<1000000x32xf32, #tpu.memory_space<hbm>>
    tpu.enqueue_indirect_dma source(%dma_start3A_269 : memref<1000000x32xf32, #tpu.memory_space<hbm>>) target(%dma_start3A_263 : memref<1600x32xf32, #tpu.memory_space<vmem>>) offsets(%dma_start3A_266 : memref<1600xi32, #tpu.memory_space<vmem>>) semaphore(%arg8 : memref<!tpu.dma_semaphore, #tpu.memory_space<semaphore_mem>>)
    %dma_wait3A_270 = arith.constant 0 : i32
    %dma_wait3A_271 = arith.constant 0 : i32
    %dma_wait3A_272 = arith.constant 0 : i32
    %dma_wait3A_273 = arith.constant 0 : i32
    %dma_wait3A_274 = tpu.memref_slice %arg6[%dma_wait3A_271, %dma_wait3A_272, %dma_wait3A_273] : memref<2x1600x32xf32, #tpu.memory_space<vmem>> -> memref<1x1600x32xf32, #tpu.memory_space<vmem>>
    %dma_wait3A_275 = tpu.memref_squeeze %dma_wait3A_274 : memref<1x1600x32xf32, #tpu.memory_space<vmem>> -> memref<1600x32xf32, #tpu.memory_space<vmem>>
    %dma_wait3A_276 = arith.constant 0 : i32
    %dma_wait3A_277 = tpu.memref_slice %arg5[%dma_wait3A_270, %dma_wait3A_276] : memref<2x1600xi32, #tpu.memory_space<vmem>> -> memref<1x1600xi32, #tpu.memory_space<vmem>>
    %dma_wait3A_278 = tpu.memref_squeeze %dma_wait3A_277 : memref<1x1600xi32, #tpu.memory_space<vmem>> -> memref<1600xi32, #tpu.memory_space<vmem>>
    %dma_wait3A_279 = arith.constant 0 : i32
    %dma_wait3A_280 = arith.constant 0 : i32
    %dma_wait3A_281 = tpu.memref_slice %arg2[%dma_wait3A_279, %dma_wait3A_280] : memref<1000000x32xf32, #tpu.memory_space<hbm>> -> memref<1000000x32xf32, #tpu.memory_space<hbm>>
    tpu.wait_indirect_dma semaphore(%arg7 : memref<!tpu.dma_semaphore, #tpu.memory_space<semaphore_mem>>) src(%dma_wait3A_281 : memref<1000000x32xf32, #tpu.memory_space<hbm>>) dst(%dma_wait3A_275 : memref<1600x32xf32, #tpu.memory_space<vmem>>)
    %add3A_282 = arith.constant 12800 : i32
    %add3A_283 = arith.addi %mul3A_2, %add3A_282 : i32
    %run_scoped3A_284 = arith.constant 0 : i32
    "tpu.region"() ({
      %run_scoped3A_480 = tpu.sem_alloc : memref<!tpu.dma_semaphore, #tpu.memory_space<semaphore_mem>>
      %dma_start3A_481 = arith.constant 0 : i32
      %dma_start3A_482 = arith.constant 0 : i32
      %dma_start3A_483 = tpu.memref_slice %arg6[%run_scoped3A_284, %dma_start3A_481, %dma_start3A_482] : memref<2x1600x32xf32, #tpu.memory_space<vmem>> -> memref<1x1600x32xf32, #tpu.memory_space<vmem>>
      %dma_start3A_484 = tpu.memref_squeeze %dma_start3A_483 : memref<1x1600x32xf32, #tpu.memory_space<vmem>> -> memref<1600x32xf32, #tpu.memory_space<vmem>>
      %dma_start3A_485 = arith.constant 0 : i32
      %dma_start3A_486 = tpu.memref_slice %arg4[%add3A_283, %dma_start3A_485] : memref<819200x32xf32, #tpu.memory_space<hbm>> -> memref<1600x32xf32, #tpu.memory_space<hbm>>
      %dma_start3A_487 = arith.constant 0 : i32
      %dma_start3A_488 = tpu.memref_slice %arg4[%add3A_283, %dma_start3A_487] : memref<819200x32xf32, #tpu.memory_space<hbm>> -> memref<1600x32xf32, #tpu.memory_space<hbm>>
      %dma_start3A_489 = arith.constant 0 : i32
      %dma_start3A_490 = arith.constant 0 : i32
      %dma_start3A_491 = tpu.memref_slice %arg6[%run_scoped3A_284, %dma_start3A_489, %dma_start3A_490] : memref<2x1600x32xf32, #tpu.memory_space<vmem>> -> memref<1x1600x32xf32, #tpu.memory_space<vmem>>
      %dma_start3A_492 = tpu.memref_squeeze %dma_start3A_491 : memref<1x1600x32xf32, #tpu.memory_space<vmem>> -> memref<1600x32xf32, #tpu.memory_space<vmem>>
      tpu.enqueue_dma source(%dma_start3A_492 : memref<1600x32xf32, #tpu.memory_space<vmem>>) target(%dma_start3A_488 : memref<1600x32xf32, #tpu.memory_space<hbm>>) target_semaphore(%run_scoped3A_480 : memref<!tpu.dma_semaphore, #tpu.memory_space<semaphore_mem>>)
      %dma_wait3A_493 = arith.constant 0 : i32
      %dma_wait3A_494 = arith.constant 0 : i32
      %dma_wait3A_495 = tpu.memref_slice %arg6[%run_scoped3A_284, %dma_wait3A_493, %dma_wait3A_494] : memref<2x1600x32xf32, #tpu.memory_space<vmem>> -> memref<1x1600x32xf32, #tpu.memory_space<vmem>>
      %dma_wait3A_496 = tpu.memref_squeeze %dma_wait3A_495 : memref<1x1600x32xf32, #tpu.memory_space<vmem>> -> memref<1600x32xf32, #tpu.memory_space<vmem>>
      %dma_wait3A_497 = arith.constant 0 : i32
      %dma_wait3A_498 = tpu.memref_slice %arg4[%add3A_283, %dma_wait3A_497] : memref<819200x32xf32, #tpu.memory_space<hbm>> -> memref<1600x32xf32, #tpu.memory_space<hbm>>
      %dma_wait3A_499 = arith.constant 0 : i32
      %dma_wait3A_500 = tpu.memref_slice %arg4[%add3A_283, %dma_wait3A_499] : memref<819200x32xf32, #tpu.memory_space<hbm>> -> memref<1600x32xf32, #tpu.memory_space<hbm>>
      %dma_wait3A_501 = arith.constant 0 : i32
      %dma_wait3A_502 = arith.constant 0 : i32
      %dma_wait3A_503 = tpu.memref_slice %arg6[%run_scoped3A_284, %dma_wait3A_501, %dma_wait3A_502] : memref<2x1600x32xf32, #tpu.memory_space<vmem>> -> memref<1x1600x32xf32, #tpu.memory_space<vmem>>
      %dma_wait3A_504 = tpu.memref_squeeze %dma_wait3A_503 : memref<1x1600x32xf32, #tpu.memory_space<vmem>> -> memref<1600x32xf32, #tpu.memory_space<vmem>>
      tpu.wait_dma2 semaphore(%run_scoped3A_480 : memref<!tpu.dma_semaphore, #tpu.memory_space<semaphore_mem>>) src(%dma_wait3A_504 : memref<1600x32xf32, #tpu.memory_space<vmem>>) dst(%dma_wait3A_500 : memref<1600x32xf32, #tpu.memory_space<hbm>>)
      tpu.yield
    }) : () -> ()
    %add3A_285 = arith.constant 16000 : i32
    %add3A_286 = arith.addi %mul3A_2, %add3A_285 : i32
    %run_scoped3A_287 = arith.constant 0 : i32
    "tpu.region"() ({
      %run_scoped3A_480 = tpu.sem_alloc : memref<!tpu.dma_semaphore, #tpu.memory_space<semaphore_mem>>
      %dma_start3A_481 = arith.constant 0 : i32
      %dma_start3A_482 = tpu.memref_slice %arg5[%run_scoped3A_287, %dma_start3A_481] : memref<2x1600xi32, #tpu.memory_space<vmem>> -> memref<1x1600xi32, #tpu.memory_space<vmem>>
      %dma_start3A_483 = tpu.memref_squeeze %dma_start3A_482 : memref<1x1600xi32, #tpu.memory_space<vmem>> -> memref<1600xi32, #tpu.memory_space<vmem>>
      %dma_start3A_484 = tpu.memref_slice %arg3[%add3A_286] : memref<819200xi32, #tpu.memory_space<hbm>> -> memref<1600xi32, #tpu.memory_space<hbm>>
      %dma_start3A_485 = arith.constant 0 : i32
      %dma_start3A_486 = tpu.memref_slice %arg5[%run_scoped3A_287, %dma_start3A_485] : memref<2x1600xi32, #tpu.memory_space<vmem>> -> memref<1x1600xi32, #tpu.memory_space<vmem>>
      %dma_start3A_487 = tpu.memref_squeeze %dma_start3A_486 : memref<1x1600xi32, #tpu.memory_space<vmem>> -> memref<1600xi32, #tpu.memory_space<vmem>>
      %dma_start3A_488 = tpu.memref_slice %arg3[%add3A_286] : memref<819200xi32, #tpu.memory_space<hbm>> -> memref<1600xi32, #tpu.memory_space<hbm>>
      tpu.enqueue_dma source(%dma_start3A_488 : memref<1600xi32, #tpu.memory_space<hbm>>) target(%dma_start3A_487 : memref<1600xi32, #tpu.memory_space<vmem>>) target_semaphore(%run_scoped3A_480 : memref<!tpu.dma_semaphore, #tpu.memory_space<semaphore_mem>>)
      %dma_wait3A_489 = arith.constant 0 : i32
      %dma_wait3A_490 = tpu.memref_slice %arg5[%run_scoped3A_287, %dma_wait3A_489] : memref<2x1600xi32, #tpu.memory_space<vmem>> -> memref<1x1600xi32, #tpu.memory_space<vmem>>
      %dma_wait3A_491 = tpu.memref_squeeze %dma_wait3A_490 : memref<1x1600xi32, #tpu.memory_space<vmem>> -> memref<1600xi32, #tpu.memory_space<vmem>>
      %dma_wait3A_492 = tpu.memref_slice %arg3[%add3A_286] : memref<819200xi32, #tpu.memory_space<hbm>> -> memref<1600xi32, #tpu.memory_space<hbm>>
      %dma_wait3A_493 = arith.constant 0 : i32
      %dma_wait3A_494 = tpu.memref_slice %arg5[%run_scoped3A_287, %dma_wait3A_493] : memref<2x1600xi32, #tpu.memory_space<vmem>> -> memref<1x1600xi32, #tpu.memory_space<vmem>>
      %dma_wait3A_495 = tpu.memref_squeeze %dma_wait3A_494 : memref<1x1600xi32, #tpu.memory_space<vmem>> -> memref<1600xi32, #tpu.memory_space<vmem>>
      %dma_wait3A_496 = tpu.memref_slice %arg3[%add3A_286] : memref<819200xi32, #tpu.memory_space<hbm>> -> memref<1600xi32, #tpu.memory_space<hbm>>
      tpu.wait_dma2 semaphore(%run_scoped3A_480 : memref<!tpu.dma_semaphore, #tpu.memory_space<semaphore_mem>>) src(%dma_wait3A_496 : memref<1600xi32, #tpu.memory_space<hbm>>) dst(%dma_wait3A_495 : memref<1600xi32, #tpu.memory_space<vmem>>)
      tpu.yield
    }) : () -> ()
    %dma_start3A_288 = arith.constant 0 : i32
    %dma_start3A_289 = arith.constant 0 : i32
    %dma_start3A_290 = arith.constant 0 : i32
    %dma_start3A_291 = arith.constant 0 : i32
    %dma_start3A_292 = tpu.memref_slice %arg6[%dma_start3A_289, %dma_start3A_290, %dma_start3A_291] : memref<2x1600x32xf32, #tpu.memory_space<vmem>> -> memref<1x1600x32xf32, #tpu.memory_space<vmem>>
    %dma_start3A_293 = tpu.memref_squeeze %dma_start3A_292 : memref<1x1600x32xf32, #tpu.memory_space<vmem>> -> memref<1600x32xf32, #tpu.memory_space<vmem>>
    %dma_start3A_294 = arith.constant 0 : i32
    %dma_start3A_295 = tpu.memref_slice %arg5[%dma_start3A_288, %dma_start3A_294] : memref<2x1600xi32, #tpu.memory_space<vmem>> -> memref<1x1600xi32, #tpu.memory_space<vmem>>
    %dma_start3A_296 = tpu.memref_squeeze %dma_start3A_295 : memref<1x1600xi32, #tpu.memory_space<vmem>> -> memref<1600xi32, #tpu.memory_space<vmem>>
    %dma_start3A_297 = arith.constant 0 : i32
    %dma_start3A_298 = arith.constant 0 : i32
    %dma_start3A_299 = tpu.memref_slice %arg2[%dma_start3A_297, %dma_start3A_298] : memref<1000000x32xf32, #tpu.memory_space<hbm>> -> memref<1000000x32xf32, #tpu.memory_space<hbm>>
    tpu.enqueue_indirect_dma source(%dma_start3A_299 : memref<1000000x32xf32, #tpu.memory_space<hbm>>) target(%dma_start3A_293 : memref<1600x32xf32, #tpu.memory_space<vmem>>) offsets(%dma_start3A_296 : memref<1600xi32, #tpu.memory_space<vmem>>) semaphore(%arg7 : memref<!tpu.dma_semaphore, #tpu.memory_space<semaphore_mem>>)
    %dma_wait3A_300 = arith.constant 1 : i32
    %dma_wait3A_301 = arith.constant 1 : i32
    %dma_wait3A_302 = arith.constant 0 : i32
    %dma_wait3A_303 = arith.constant 0 : i32
    %dma_wait3A_304 = tpu.memref_slice %arg6[%dma_wait3A_301, %dma_wait3A_302, %dma_wait3A_303] : memref<2x1600x32xf32, #tpu.memory_space<vmem>> -> memref<1x1600x32xf32, #tpu.memory_space<vmem>>
    %dma_wait3A_305 = tpu.memref_squeeze %dma_wait3A_304 : memref<1x1600x32xf32, #tpu.memory_space<vmem>> -> memref<1600x32xf32, #tpu.memory_space<vmem>>
    %dma_wait3A_306 = arith.constant 0 : i32
    %dma_wait3A_307 = tpu.memref_slice %arg5[%dma_wait3A_300, %dma_wait3A_306] : memref<2x1600xi32, #tpu.memory_space<vmem>> -> memref<1x1600xi32, #tpu.memory_space<vmem>>
    %dma_wait3A_308 = tpu.memref_squeeze %dma_wait3A_307 : memref<1x1600xi32, #tpu.memory_space<vmem>> -> memref<1600xi32, #tpu.memory_space<vmem>>
    %dma_wait3A_309 = arith.constant 0 : i32
    %dma_wait3A_310 = arith.constant 0 : i32
    %dma_wait3A_311 = tpu.memref_slice %arg2[%dma_wait3A_309, %dma_wait3A_310] : memref<1000000x32xf32, #tpu.memory_space<hbm>> -> memref<1000000x32xf32, #tpu.memory_space<hbm>>
    tpu.wait_indirect_dma semaphore(%arg8 : memref<!tpu.dma_semaphore, #tpu.memory_space<semaphore_mem>>) src(%dma_wait3A_311 : memref<1000000x32xf32, #tpu.memory_space<hbm>>) dst(%dma_wait3A_305 : memref<1600x32xf32, #tpu.memory_space<vmem>>)
    %add3A_312 = arith.constant 14400 : i32
    %add3A_313 = arith.addi %mul3A_2, %add3A_312 : i32
    %run_scoped3A_314 = arith.constant 1 : i32
    "tpu.region"() ({
      %run_scoped3A_480 = tpu.sem_alloc : memref<!tpu.dma_semaphore, #tpu.memory_space<semaphore_mem>>
      %dma_start3A_481 = arith.constant 0 : i32
      %dma_start3A_482 = arith.constant 0 : i32
      %dma_start3A_483 = tpu.memref_slice %arg6[%run_scoped3A_314, %dma_start3A_481, %dma_start3A_482] : memref<2x1600x32xf32, #tpu.memory_space<vmem>> -> memref<1x1600x32xf32, #tpu.memory_space<vmem>>
      %dma_start3A_484 = tpu.memref_squeeze %dma_start3A_483 : memref<1x1600x32xf32, #tpu.memory_space<vmem>> -> memref<1600x32xf32, #tpu.memory_space<vmem>>
      %dma_start3A_485 = arith.constant 0 : i32
      %dma_start3A_486 = tpu.memref_slice %arg4[%add3A_313, %dma_start3A_485] : memref<819200x32xf32, #tpu.memory_space<hbm>> -> memref<1600x32xf32, #tpu.memory_space<hbm>>
      %dma_start3A_487 = arith.constant 0 : i32
      %dma_start3A_488 = tpu.memref_slice %arg4[%add3A_313, %dma_start3A_487] : memref<819200x32xf32, #tpu.memory_space<hbm>> -> memref<1600x32xf32, #tpu.memory_space<hbm>>
      %dma_start3A_489 = arith.constant 0 : i32
      %dma_start3A_490 = arith.constant 0 : i32
      %dma_start3A_491 = tpu.memref_slice %arg6[%run_scoped3A_314, %dma_start3A_489, %dma_start3A_490] : memref<2x1600x32xf32, #tpu.memory_space<vmem>> -> memref<1x1600x32xf32, #tpu.memory_space<vmem>>
      %dma_start3A_492 = tpu.memref_squeeze %dma_start3A_491 : memref<1x1600x32xf32, #tpu.memory_space<vmem>> -> memref<1600x32xf32, #tpu.memory_space<vmem>>
      tpu.enqueue_dma source(%dma_start3A_492 : memref<1600x32xf32, #tpu.memory_space<vmem>>) target(%dma_start3A_488 : memref<1600x32xf32, #tpu.memory_space<hbm>>) target_semaphore(%run_scoped3A_480 : memref<!tpu.dma_semaphore, #tpu.memory_space<semaphore_mem>>)
      %dma_wait3A_493 = arith.constant 0 : i32
      %dma_wait3A_494 = arith.constant 0 : i32
      %dma_wait3A_495 = tpu.memref_slice %arg6[%run_scoped3A_314, %dma_wait3A_493, %dma_wait3A_494] : memref<2x1600x32xf32, #tpu.memory_space<vmem>> -> memref<1x1600x32xf32, #tpu.memory_space<vmem>>
      %dma_wait3A_496 = tpu.memref_squeeze %dma_wait3A_495 : memref<1x1600x32xf32, #tpu.memory_space<vmem>> -> memref<1600x32xf32, #tpu.memory_space<vmem>>
      %dma_wait3A_497 = arith.constant 0 : i32
      %dma_wait3A_498 = tpu.memref_slice %arg4[%add3A_313, %dma_wait3A_497] : memref<819200x32xf32, #tpu.memory_space<hbm>> -> memref<1600x32xf32, #tpu.memory_space<hbm>>
      %dma_wait3A_499 = arith.constant 0 : i32
      %dma_wait3A_500 = tpu.memref_slice %arg4[%add3A_313, %dma_wait3A_499] : memref<819200x32xf32, #tpu.memory_space<hbm>> -> memref<1600x32xf32, #tpu.memory_space<hbm>>
      %dma_wait3A_501 = arith.constant 0 : i32
      %dma_wait3A_502 = arith.constant 0 : i32
      %dma_wait3A_503 = tpu.memref_slice %arg6[%run_scoped3A_314, %dma_wait3A_501, %dma_wait3A_502] : memref<2x1600x32xf32, #tpu.memory_space<vmem>> -> memref<1x1600x32xf32, #tpu.memory_space<vmem>>
      %dma_wait3A_504 = tpu.memref_squeeze %dma_wait3A_503 : memref<1x1600x32xf32, #tpu.memory_space<vmem>> -> memref<1600x32xf32, #tpu.memory_space<vmem>>
      tpu.wait_dma2 semaphore(%run_scoped3A_480 : memref<!tpu.dma_semaphore, #tpu.memory_space<semaphore_mem>>) src(%dma_wait3A_504 : memref<1600x32xf32, #tpu.memory_space<vmem>>) dst(%dma_wait3A_500 : memref<1600x32xf32, #tpu.memory_space<hbm>>)
      tpu.yield
    }) : () -> ()
    %add3A_315 = arith.constant 17600 : i32
    %add3A_316 = arith.addi %mul3A_2, %add3A_315 : i32
    %run_scoped3A_317 = arith.constant 1 : i32
    "tpu.region"() ({
      %run_scoped3A_480 = tpu.sem_alloc : memref<!tpu.dma_semaphore, #tpu.memory_space<semaphore_mem>>
      %dma_start3A_481 = arith.constant 0 : i32
      %dma_start3A_482 = tpu.memref_slice %arg5[%run_scoped3A_317, %dma_start3A_481] : memref<2x1600xi32, #tpu.memory_space<vmem>> -> memref<1x1600xi32, #tpu.memory_space<vmem>>
      %dma_start3A_483 = tpu.memref_squeeze %dma_start3A_482 : memref<1x1600xi32, #tpu.memory_space<vmem>> -> memref<1600xi32, #tpu.memory_space<vmem>>
      %dma_start3A_484 = tpu.memref_slice %arg3[%add3A_316] : memref<819200xi32, #tpu.memory_space<hbm>> -> memref<1600xi32, #tpu.memory_space<hbm>>
      %dma_start3A_485 = arith.constant 0 : i32
      %dma_start3A_486 = tpu.memref_slice %arg5[%run_scoped3A_317, %dma_start3A_485] : memref<2x1600xi32, #tpu.memory_space<vmem>> -> memref<1x1600xi32, #tpu.memory_space<vmem>>
      %dma_start3A_487 = tpu.memref_squeeze %dma_start3A_486 : memref<1x1600xi32, #tpu.memory_space<vmem>> -> memref<1600xi32, #tpu.memory_space<vmem>>
      %dma_start3A_488 = tpu.memref_slice %arg3[%add3A_316] : memref<819200xi32, #tpu.memory_space<hbm>> -> memref<1600xi32, #tpu.memory_space<hbm>>
      tpu.enqueue_dma source(%dma_start3A_488 : memref<1600xi32, #tpu.memory_space<hbm>>) target(%dma_start3A_487 : memref<1600xi32, #tpu.memory_space<vmem>>) target_semaphore(%run_scoped3A_480 : memref<!tpu.dma_semaphore, #tpu.memory_space<semaphore_mem>>)
      %dma_wait3A_489 = arith.constant 0 : i32
      %dma_wait3A_490 = tpu.memref_slice %arg5[%run_scoped3A_317, %dma_wait3A_489] : memref<2x1600xi32, #tpu.memory_space<vmem>> -> memref<1x1600xi32, #tpu.memory_space<vmem>>
      %dma_wait3A_491 = tpu.memref_squeeze %dma_wait3A_490 : memref<1x1600xi32, #tpu.memory_space<vmem>> -> memref<1600xi32, #tpu.memory_space<vmem>>
      %dma_wait3A_492 = tpu.memref_slice %arg3[%add3A_316] : memref<819200xi32, #tpu.memory_space<hbm>> -> memref<1600xi32, #tpu.memory_space<hbm>>
      %dma_wait3A_493 = arith.constant 0 : i32
      %dma_wait3A_494 = tpu.memref_slice %arg5[%run_scoped3A_317, %dma_wait3A_493] : memref<2x1600xi32, #tpu.memory_space<vmem>> -> memref<1x1600xi32, #tpu.memory_space<vmem>>
      %dma_wait3A_495 = tpu.memref_squeeze %dma_wait3A_494 : memref<1x1600xi32, #tpu.memory_space<vmem>> -> memref<1600xi32, #tpu.memory_space<vmem>>
      %dma_wait3A_496 = tpu.memref_slice %arg3[%add3A_316] : memref<819200xi32, #tpu.memory_space<hbm>> -> memref<1600xi32, #tpu.memory_space<hbm>>
      tpu.wait_dma2 semaphore(%run_scoped3A_480 : memref<!tpu.dma_semaphore, #tpu.memory_space<semaphore_mem>>) src(%dma_wait3A_496 : memref<1600xi32, #tpu.memory_space<hbm>>) dst(%dma_wait3A_495 : memref<1600xi32, #tpu.memory_space<vmem>>)
      tpu.yield
    }) : () -> ()
    %dma_start3A_318 = arith.constant 1 : i32
    %dma_start3A_319 = arith.constant 1 : i32
    %dma_start3A_320 = arith.constant 0 : i32
    %dma_start3A_321 = arith.constant 0 : i32
    %dma_start3A_322 = tpu.memref_slice %arg6[%dma_start3A_319, %dma_start3A_320, %dma_start3A_321] : memref<2x1600x32xf32, #tpu.memory_space<vmem>> -> memref<1x1600x32xf32, #tpu.memory_space<vmem>>
    %dma_start3A_323 = tpu.memref_squeeze %dma_start3A_322 : memref<1x1600x32xf32, #tpu.memory_space<vmem>> -> memref<1600x32xf32, #tpu.memory_space<vmem>>
    %dma_start3A_324 = arith.constant 0 : i32
    %dma_start3A_325 = tpu.memref_slice %arg5[%dma_start3A_318, %dma_start3A_324] : memref<2x1600xi32, #tpu.memory_space<vmem>> -> memref<1x1600xi32, #tpu.memory_space<vmem>>
    %dma_start3A_326 = tpu.memref_squeeze %dma_start3A_325 : memref<1x1600xi32, #tpu.memory_space<vmem>> -> memref<1600xi32, #tpu.memory_space<vmem>>
    %dma_start3A_327 = arith.constant 0 : i32
    %dma_start3A_328 = arith.constant 0 : i32
    %dma_start3A_329 = tpu.memref_slice %arg2[%dma_start3A_327, %dma_start3A_328] : memref<1000000x32xf32, #tpu.memory_space<hbm>> -> memref<1000000x32xf32, #tpu.memory_space<hbm>>
    tpu.enqueue_indirect_dma source(%dma_start3A_329 : memref<1000000x32xf32, #tpu.memory_space<hbm>>) target(%dma_start3A_323 : memref<1600x32xf32, #tpu.memory_space<vmem>>) offsets(%dma_start3A_326 : memref<1600xi32, #tpu.memory_space<vmem>>) semaphore(%arg8 : memref<!tpu.dma_semaphore, #tpu.memory_space<semaphore_mem>>)
    %dma_wait3A_330 = arith.constant 0 : i32
    %dma_wait3A_331 = arith.constant 0 : i32
    %dma_wait3A_332 = arith.constant 0 : i32
    %dma_wait3A_333 = arith.constant 0 : i32
    %dma_wait3A_334 = tpu.memref_slice %arg6[%dma_wait3A_331, %dma_wait3A_332, %dma_wait3A_333] : memref<2x1600x32xf32, #tpu.memory_space<vmem>> -> memref<1x1600x32xf32, #tpu.memory_space<vmem>>
    %dma_wait3A_335 = tpu.memref_squeeze %dma_wait3A_334 : memref<1x1600x32xf32, #tpu.memory_space<vmem>> -> memref<1600x32xf32, #tpu.memory_space<vmem>>
    %dma_wait3A_336 = arith.constant 0 : i32
    %dma_wait3A_337 = tpu.memref_slice %arg5[%dma_wait3A_330, %dma_wait3A_336] : memref<2x1600xi32, #tpu.memory_space<vmem>> -> memref<1x1600xi32, #tpu.memory_space<vmem>>
    %dma_wait3A_338 = tpu.memref_squeeze %dma_wait3A_337 : memref<1x1600xi32, #tpu.memory_space<vmem>> -> memref<1600xi32, #tpu.memory_space<vmem>>
    %dma_wait3A_339 = arith.constant 0 : i32
    %dma_wait3A_340 = arith.constant 0 : i32
    %dma_wait3A_341 = tpu.memref_slice %arg2[%dma_wait3A_339, %dma_wait3A_340] : memref<1000000x32xf32, #tpu.memory_space<hbm>> -> memref<1000000x32xf32, #tpu.memory_space<hbm>>
    tpu.wait_indirect_dma semaphore(%arg7 : memref<!tpu.dma_semaphore, #tpu.memory_space<semaphore_mem>>) src(%dma_wait3A_341 : memref<1000000x32xf32, #tpu.memory_space<hbm>>) dst(%dma_wait3A_335 : memref<1600x32xf32, #tpu.memory_space<vmem>>)
    %add3A_342 = arith.constant 16000 : i32
    %add3A_343 = arith.addi %mul3A_2, %add3A_342 : i32
    %run_scoped3A_344 = arith.constant 0 : i32
    "tpu.region"() ({
      %run_scoped3A_480 = tpu.sem_alloc : memref<!tpu.dma_semaphore, #tpu.memory_space<semaphore_mem>>
      %dma_start3A_481 = arith.constant 0 : i32
      %dma_start3A_482 = arith.constant 0 : i32
      %dma_start3A_483 = tpu.memref_slice %arg6[%run_scoped3A_344, %dma_start3A_481, %dma_start3A_482] : memref<2x1600x32xf32, #tpu.memory_space<vmem>> -> memref<1x1600x32xf32, #tpu.memory_space<vmem>>
      %dma_start3A_484 = tpu.memref_squeeze %dma_start3A_483 : memref<1x1600x32xf32, #tpu.memory_space<vmem>> -> memref<1600x32xf32, #tpu.memory_space<vmem>>
      %dma_start3A_485 = arith.constant 0 : i32
      %dma_start3A_486 = tpu.memref_slice %arg4[%add3A_343, %dma_start3A_485] : memref<819200x32xf32, #tpu.memory_space<hbm>> -> memref<1600x32xf32, #tpu.memory_space<hbm>>
      %dma_start3A_487 = arith.constant 0 : i32
      %dma_start3A_488 = tpu.memref_slice %arg4[%add3A_343, %dma_start3A_487] : memref<819200x32xf32, #tpu.memory_space<hbm>> -> memref<1600x32xf32, #tpu.memory_space<hbm>>
      %dma_start3A_489 = arith.constant 0 : i32
      %dma_start3A_490 = arith.constant 0 : i32
      %dma_start3A_491 = tpu.memref_slice %arg6[%run_scoped3A_344, %dma_start3A_489, %dma_start3A_490] : memref<2x1600x32xf32, #tpu.memory_space<vmem>> -> memref<1x1600x32xf32, #tpu.memory_space<vmem>>
      %dma_start3A_492 = tpu.memref_squeeze %dma_start3A_491 : memref<1x1600x32xf32, #tpu.memory_space<vmem>> -> memref<1600x32xf32, #tpu.memory_space<vmem>>
      tpu.enqueue_dma source(%dma_start3A_492 : memref<1600x32xf32, #tpu.memory_space<vmem>>) target(%dma_start3A_488 : memref<1600x32xf32, #tpu.memory_space<hbm>>) target_semaphore(%run_scoped3A_480 : memref<!tpu.dma_semaphore, #tpu.memory_space<semaphore_mem>>)
      %dma_wait3A_493 = arith.constant 0 : i32
      %dma_wait3A_494 = arith.constant 0 : i32
      %dma_wait3A_495 = tpu.memref_slice %arg6[%run_scoped3A_344, %dma_wait3A_493, %dma_wait3A_494] : memref<2x1600x32xf32, #tpu.memory_space<vmem>> -> memref<1x1600x32xf32, #tpu.memory_space<vmem>>
      %dma_wait3A_496 = tpu.memref_squeeze %dma_wait3A_495 : memref<1x1600x32xf32, #tpu.memory_space<vmem>> -> memref<1600x32xf32, #tpu.memory_space<vmem>>
      %dma_wait3A_497 = arith.constant 0 : i32
      %dma_wait3A_498 = tpu.memref_slice %arg4[%add3A_343, %dma_wait3A_497] : memref<819200x32xf32, #tpu.memory_space<hbm>> -> memref<1600x32xf32, #tpu.memory_space<hbm>>
      %dma_wait3A_499 = arith.constant 0 : i32
      %dma_wait3A_500 = tpu.memref_slice %arg4[%add3A_343, %dma_wait3A_499] : memref<819200x32xf32, #tpu.memory_space<hbm>> -> memref<1600x32xf32, #tpu.memory_space<hbm>>
      %dma_wait3A_501 = arith.constant 0 : i32
      %dma_wait3A_502 = arith.constant 0 : i32
      %dma_wait3A_503 = tpu.memref_slice %arg6[%run_scoped3A_344, %dma_wait3A_501, %dma_wait3A_502] : memref<2x1600x32xf32, #tpu.memory_space<vmem>> -> memref<1x1600x32xf32, #tpu.memory_space<vmem>>
      %dma_wait3A_504 = tpu.memref_squeeze %dma_wait3A_503 : memref<1x1600x32xf32, #tpu.memory_space<vmem>> -> memref<1600x32xf32, #tpu.memory_space<vmem>>
      tpu.wait_dma2 semaphore(%run_scoped3A_480 : memref<!tpu.dma_semaphore, #tpu.memory_space<semaphore_mem>>) src(%dma_wait3A_504 : memref<1600x32xf32, #tpu.memory_space<vmem>>) dst(%dma_wait3A_500 : memref<1600x32xf32, #tpu.memory_space<hbm>>)
      tpu.yield
    }) : () -> ()
    %add3A_345 = arith.constant 19200 : i32
    %add3A_346 = arith.addi %mul3A_2, %add3A_345 : i32
    %run_scoped3A_347 = arith.constant 0 : i32
    "tpu.region"() ({
      %run_scoped3A_480 = tpu.sem_alloc : memref<!tpu.dma_semaphore, #tpu.memory_space<semaphore_mem>>
      %dma_start3A_481 = arith.constant 0 : i32
      %dma_start3A_482 = tpu.memref_slice %arg5[%run_scoped3A_347, %dma_start3A_481] : memref<2x1600xi32, #tpu.memory_space<vmem>> -> memref<1x1600xi32, #tpu.memory_space<vmem>>
      %dma_start3A_483 = tpu.memref_squeeze %dma_start3A_482 : memref<1x1600xi32, #tpu.memory_space<vmem>> -> memref<1600xi32, #tpu.memory_space<vmem>>
      %dma_start3A_484 = tpu.memref_slice %arg3[%add3A_346] : memref<819200xi32, #tpu.memory_space<hbm>> -> memref<1600xi32, #tpu.memory_space<hbm>>
      %dma_start3A_485 = arith.constant 0 : i32
      %dma_start3A_486 = tpu.memref_slice %arg5[%run_scoped3A_347, %dma_start3A_485] : memref<2x1600xi32, #tpu.memory_space<vmem>> -> memref<1x1600xi32, #tpu.memory_space<vmem>>
      %dma_start3A_487 = tpu.memref_squeeze %dma_start3A_486 : memref<1x1600xi32, #tpu.memory_space<vmem>> -> memref<1600xi32, #tpu.memory_space<vmem>>
      %dma_start3A_488 = tpu.memref_slice %arg3[%add3A_346] : memref<819200xi32, #tpu.memory_space<hbm>> -> memref<1600xi32, #tpu.memory_space<hbm>>
      tpu.enqueue_dma source(%dma_start3A_488 : memref<1600xi32, #tpu.memory_space<hbm>>) target(%dma_start3A_487 : memref<1600xi32, #tpu.memory_space<vmem>>) target_semaphore(%run_scoped3A_480 : memref<!tpu.dma_semaphore, #tpu.memory_space<semaphore_mem>>)
      %dma_wait3A_489 = arith.constant 0 : i32
      %dma_wait3A_490 = tpu.memref_slice %arg5[%run_scoped3A_347, %dma_wait3A_489] : memref<2x1600xi32, #tpu.memory_space<vmem>> -> memref<1x1600xi32, #tpu.memory_space<vmem>>
      %dma_wait3A_491 = tpu.memref_squeeze %dma_wait3A_490 : memref<1x1600xi32, #tpu.memory_space<vmem>> -> memref<1600xi32, #tpu.memory_space<vmem>>
      %dma_wait3A_492 = tpu.memref_slice %arg3[%add3A_346] : memref<819200xi32, #tpu.memory_space<hbm>> -> memref<1600xi32, #tpu.memory_space<hbm>>
      %dma_wait3A_493 = arith.constant 0 : i32
      %dma_wait3A_494 = tpu.memref_slice %arg5[%run_scoped3A_347, %dma_wait3A_493] : memref<2x1600xi32, #tpu.memory_space<vmem>> -> memref<1x1600xi32, #tpu.memory_space<vmem>>
      %dma_wait3A_495 = tpu.memref_squeeze %dma_wait3A_494 : memref<1x1600xi32, #tpu.memory_space<vmem>> -> memref<1600xi32, #tpu.memory_space<vmem>>
      %dma_wait3A_496 = tpu.memref_slice %arg3[%add3A_346] : memref<819200xi32, #tpu.memory_space<hbm>> -> memref<1600xi32, #tpu.memory_space<hbm>>
      tpu.wait_dma2 semaphore(%run_scoped3A_480 : memref<!tpu.dma_semaphore, #tpu.memory_space<semaphore_mem>>) src(%dma_wait3A_496 : memref<1600xi32, #tpu.memory_space<hbm>>) dst(%dma_wait3A_495 : memref<1600xi32, #tpu.memory_space<vmem>>)
      tpu.yield
    }) : () -> ()
    %dma_start3A_348 = arith.constant 0 : i32
    %dma_start3A_349 = arith.constant 0 : i32
    %dma_start3A_350 = arith.constant 0 : i32
    %dma_start3A_351 = arith.constant 0 : i32
    %dma_start3A_352 = tpu.memref_slice %arg6[%dma_start3A_349, %dma_start3A_350, %dma_start3A_351] : memref<2x1600x32xf32, #tpu.memory_space<vmem>> -> memref<1x1600x32xf32, #tpu.memory_space<vmem>>
    %dma_start3A_353 = tpu.memref_squeeze %dma_start3A_352 : memref<1x1600x32xf32, #tpu.memory_space<vmem>> -> memref<1600x32xf32, #tpu.memory_space<vmem>>
    %dma_start3A_354 = arith.constant 0 : i32
    %dma_start3A_355 = tpu.memref_slice %arg5[%dma_start3A_348, %dma_start3A_354] : memref<2x1600xi32, #tpu.memory_space<vmem>> -> memref<1x1600xi32, #tpu.memory_space<vmem>>
    %dma_start3A_356 = tpu.memref_squeeze %dma_start3A_355 : memref<1x1600xi32, #tpu.memory_space<vmem>> -> memref<1600xi32, #tpu.memory_space<vmem>>
    %dma_start3A_357 = arith.constant 0 : i32
    %dma_start3A_358 = arith.constant 0 : i32
    %dma_start3A_359 = tpu.memref_slice %arg2[%dma_start3A_357, %dma_start3A_358] : memref<1000000x32xf32, #tpu.memory_space<hbm>> -> memref<1000000x32xf32, #tpu.memory_space<hbm>>
    tpu.enqueue_indirect_dma source(%dma_start3A_359 : memref<1000000x32xf32, #tpu.memory_space<hbm>>) target(%dma_start3A_353 : memref<1600x32xf32, #tpu.memory_space<vmem>>) offsets(%dma_start3A_356 : memref<1600xi32, #tpu.memory_space<vmem>>) semaphore(%arg7 : memref<!tpu.dma_semaphore, #tpu.memory_space<semaphore_mem>>)
    %dma_wait3A_360 = arith.constant 1 : i32
    %dma_wait3A_361 = arith.constant 1 : i32
    %dma_wait3A_362 = arith.constant 0 : i32
    %dma_wait3A_363 = arith.constant 0 : i32
    %dma_wait3A_364 = tpu.memref_slice %arg6[%dma_wait3A_361, %dma_wait3A_362, %dma_wait3A_363] : memref<2x1600x32xf32, #tpu.memory_space<vmem>> -> memref<1x1600x32xf32, #tpu.memory_space<vmem>>
    %dma_wait3A_365 = tpu.memref_squeeze %dma_wait3A_364 : memref<1x1600x32xf32, #tpu.memory_space<vmem>> -> memref<1600x32xf32, #tpu.memory_space<vmem>>
    %dma_wait3A_366 = arith.constant 0 : i32
    %dma_wait3A_367 = tpu.memref_slice %arg5[%dma_wait3A_360, %dma_wait3A_366] : memref<2x1600xi32, #tpu.memory_space<vmem>> -> memref<1x1600xi32, #tpu.memory_space<vmem>>
    %dma_wait3A_368 = tpu.memref_squeeze %dma_wait3A_367 : memref<1x1600xi32, #tpu.memory_space<vmem>> -> memref<1600xi32, #tpu.memory_space<vmem>>
    %dma_wait3A_369 = arith.constant 0 : i32
    %dma_wait3A_370 = arith.constant 0 : i32
    %dma_wait3A_371 = tpu.memref_slice %arg2[%dma_wait3A_369, %dma_wait3A_370] : memref<1000000x32xf32, #tpu.memory_space<hbm>> -> memref<1000000x32xf32, #tpu.memory_space<hbm>>
    tpu.wait_indirect_dma semaphore(%arg8 : memref<!tpu.dma_semaphore, #tpu.memory_space<semaphore_mem>>) src(%dma_wait3A_371 : memref<1000000x32xf32, #tpu.memory_space<hbm>>) dst(%dma_wait3A_365 : memref<1600x32xf32, #tpu.memory_space<vmem>>)
    %add3A_372 = arith.constant 17600 : i32
    %add3A_373 = arith.addi %mul3A_2, %add3A_372 : i32
    %run_scoped3A_374 = arith.constant 1 : i32
    "tpu.region"() ({
      %run_scoped3A_480 = tpu.sem_alloc : memref<!tpu.dma_semaphore, #tpu.memory_space<semaphore_mem>>
      %dma_start3A_481 = arith.constant 0 : i32
      %dma_start3A_482 = arith.constant 0 : i32
      %dma_start3A_483 = tpu.memref_slice %arg6[%run_scoped3A_374, %dma_start3A_481, %dma_start3A_482] : memref<2x1600x32xf32, #tpu.memory_space<vmem>> -> memref<1x1600x32xf32, #tpu.memory_space<vmem>>
      %dma_start3A_484 = tpu.memref_squeeze %dma_start3A_483 : memref<1x1600x32xf32, #tpu.memory_space<vmem>> -> memref<1600x32xf32, #tpu.memory_space<vmem>>
      %dma_start3A_485 = arith.constant 0 : i32
      %dma_start3A_486 = tpu.memref_slice %arg4[%add3A_373, %dma_start3A_485] : memref<819200x32xf32, #tpu.memory_space<hbm>> -> memref<1600x32xf32, #tpu.memory_space<hbm>>
      %dma_start3A_487 = arith.constant 0 : i32
      %dma_start3A_488 = tpu.memref_slice %arg4[%add3A_373, %dma_start3A_487] : memref<819200x32xf32, #tpu.memory_space<hbm>> -> memref<1600x32xf32, #tpu.memory_space<hbm>>
      %dma_start3A_489 = arith.constant 0 : i32
      %dma_start3A_490 = arith.constant 0 : i32
      %dma_start3A_491 = tpu.memref_slice %arg6[%run_scoped3A_374, %dma_start3A_489, %dma_start3A_490] : memref<2x1600x32xf32, #tpu.memory_space<vmem>> -> memref<1x1600x32xf32, #tpu.memory_space<vmem>>
      %dma_start3A_492 = tpu.memref_squeeze %dma_start3A_491 : memref<1x1600x32xf32, #tpu.memory_space<vmem>> -> memref<1600x32xf32, #tpu.memory_space<vmem>>
      tpu.enqueue_dma source(%dma_start3A_492 : memref<1600x32xf32, #tpu.memory_space<vmem>>) target(%dma_start3A_488 : memref<1600x32xf32, #tpu.memory_space<hbm>>) target_semaphore(%run_scoped3A_480 : memref<!tpu.dma_semaphore, #tpu.memory_space<semaphore_mem>>)
      %dma_wait3A_493 = arith.constant 0 : i32
      %dma_wait3A_494 = arith.constant 0 : i32
      %dma_wait3A_495 = tpu.memref_slice %arg6[%run_scoped3A_374, %dma_wait3A_493, %dma_wait3A_494] : memref<2x1600x32xf32, #tpu.memory_space<vmem>> -> memref<1x1600x32xf32, #tpu.memory_space<vmem>>
      %dma_wait3A_496 = tpu.memref_squeeze %dma_wait3A_495 : memref<1x1600x32xf32, #tpu.memory_space<vmem>> -> memref<1600x32xf32, #tpu.memory_space<vmem>>
      %dma_wait3A_497 = arith.constant 0 : i32
      %dma_wait3A_498 = tpu.memref_slice %arg4[%add3A_373, %dma_wait3A_497] : memref<819200x32xf32, #tpu.memory_space<hbm>> -> memref<1600x32xf32, #tpu.memory_space<hbm>>
      %dma_wait3A_499 = arith.constant 0 : i32
      %dma_wait3A_500 = tpu.memref_slice %arg4[%add3A_373, %dma_wait3A_499] : memref<819200x32xf32, #tpu.memory_space<hbm>> -> memref<1600x32xf32, #tpu.memory_space<hbm>>
      %dma_wait3A_501 = arith.constant 0 : i32
      %dma_wait3A_502 = arith.constant 0 : i32
      %dma_wait3A_503 = tpu.memref_slice %arg6[%run_scoped3A_374, %dma_wait3A_501, %dma_wait3A_502] : memref<2x1600x32xf32, #tpu.memory_space<vmem>> -> memref<1x1600x32xf32, #tpu.memory_space<vmem>>
      %dma_wait3A_504 = tpu.memref_squeeze %dma_wait3A_503 : memref<1x1600x32xf32, #tpu.memory_space<vmem>> -> memref<1600x32xf32, #tpu.memory_space<vmem>>
      tpu.wait_dma2 semaphore(%run_scoped3A_480 : memref<!tpu.dma_semaphore, #tpu.memory_space<semaphore_mem>>) src(%dma_wait3A_504 : memref<1600x32xf32, #tpu.memory_space<vmem>>) dst(%dma_wait3A_500 : memref<1600x32xf32, #tpu.memory_space<hbm>>)
      tpu.yield
    }) : () -> ()
    %add3A_375 = arith.constant 20800 : i32
    %add3A_376 = arith.addi %mul3A_2, %add3A_375 : i32
    %run_scoped3A_377 = arith.constant 1 : i32
    "tpu.region"() ({
      %run_scoped3A_480 = tpu.sem_alloc : memref<!tpu.dma_semaphore, #tpu.memory_space<semaphore_mem>>
      %dma_start3A_481 = arith.constant 0 : i32
      %dma_start3A_482 = tpu.memref_slice %arg5[%run_scoped3A_377, %dma_start3A_481] : memref<2x1600xi32, #tpu.memory_space<vmem>> -> memref<1x1600xi32, #tpu.memory_space<vmem>>
      %dma_start3A_483 = tpu.memref_squeeze %dma_start3A_482 : memref<1x1600xi32, #tpu.memory_space<vmem>> -> memref<1600xi32, #tpu.memory_space<vmem>>
      %dma_start3A_484 = tpu.memref_slice %arg3[%add3A_376] : memref<819200xi32, #tpu.memory_space<hbm>> -> memref<1600xi32, #tpu.memory_space<hbm>>
      %dma_start3A_485 = arith.constant 0 : i32
      %dma_start3A_486 = tpu.memref_slice %arg5[%run_scoped3A_377, %dma_start3A_485] : memref<2x1600xi32, #tpu.memory_space<vmem>> -> memref<1x1600xi32, #tpu.memory_space<vmem>>
      %dma_start3A_487 = tpu.memref_squeeze %dma_start3A_486 : memref<1x1600xi32, #tpu.memory_space<vmem>> -> memref<1600xi32, #tpu.memory_space<vmem>>
      %dma_start3A_488 = tpu.memref_slice %arg3[%add3A_376] : memref<819200xi32, #tpu.memory_space<hbm>> -> memref<1600xi32, #tpu.memory_space<hbm>>
      tpu.enqueue_dma source(%dma_start3A_488 : memref<1600xi32, #tpu.memory_space<hbm>>) target(%dma_start3A_487 : memref<1600xi32, #tpu.memory_space<vmem>>) target_semaphore(%run_scoped3A_480 : memref<!tpu.dma_semaphore, #tpu.memory_space<semaphore_mem>>)
      %dma_wait3A_489 = arith.constant 0 : i32
      %dma_wait3A_490 = tpu.memref_slice %arg5[%run_scoped3A_377, %dma_wait3A_489] : memref<2x1600xi32, #tpu.memory_space<vmem>> -> memref<1x1600xi32, #tpu.memory_space<vmem>>
      %dma_wait3A_491 = tpu.memref_squeeze %dma_wait3A_490 : memref<1x1600xi32, #tpu.memory_space<vmem>> -> memref<1600xi32, #tpu.memory_space<vmem>>
      %dma_wait3A_492 = tpu.memref_slice %arg3[%add3A_376] : memref<819200xi32, #tpu.memory_space<hbm>> -> memref<1600xi32, #tpu.memory_space<hbm>>
      %dma_wait3A_493 = arith.constant 0 : i32
      %dma_wait3A_494 = tpu.memref_slice %arg5[%run_scoped3A_377, %dma_wait3A_493] : memref<2x1600xi32, #tpu.memory_space<vmem>> -> memref<1x1600xi32, #tpu.memory_space<vmem>>
      %dma_wait3A_495 = tpu.memref_squeeze %dma_wait3A_494 : memref<1x1600xi32, #tpu.memory_space<vmem>> -> memref<1600xi32, #tpu.memory_space<vmem>>
      %dma_wait3A_496 = tpu.memref_slice %arg3[%add3A_376] : memref<819200xi32, #tpu.memory_space<hbm>> -> memref<1600xi32, #tpu.memory_space<hbm>>
      tpu.wait_dma2 semaphore(%run_scoped3A_480 : memref<!tpu.dma_semaphore, #tpu.memory_space<semaphore_mem>>) src(%dma_wait3A_496 : memref<1600xi32, #tpu.memory_space<hbm>>) dst(%dma_wait3A_495 : memref<1600xi32, #tpu.memory_space<vmem>>)
      tpu.yield
    }) : () -> ()
    %dma_start3A_378 = arith.constant 1 : i32
    %dma_start3A_379 = arith.constant 1 : i32
    %dma_start3A_380 = arith.constant 0 : i32
    %dma_start3A_381 = arith.constant 0 : i32
    %dma_start3A_382 = tpu.memref_slice %arg6[%dma_start3A_379, %dma_start3A_380, %dma_start3A_381] : memref<2x1600x32xf32, #tpu.memory_space<vmem>> -> memref<1x1600x32xf32, #tpu.memory_space<vmem>>
    %dma_start3A_383 = tpu.memref_squeeze %dma_start3A_382 : memref<1x1600x32xf32, #tpu.memory_space<vmem>> -> memref<1600x32xf32, #tpu.memory_space<vmem>>
    %dma_start3A_384 = arith.constant 0 : i32
    %dma_start3A_385 = tpu.memref_slice %arg5[%dma_start3A_378, %dma_start3A_384] : memref<2x1600xi32, #tpu.memory_space<vmem>> -> memref<1x1600xi32, #tpu.memory_space<vmem>>
    %dma_start3A_386 = tpu.memref_squeeze %dma_start3A_385 : memref<1x1600xi32, #tpu.memory_space<vmem>> -> memref<1600xi32, #tpu.memory_space<vmem>>
    %dma_start3A_387 = arith.constant 0 : i32
    %dma_start3A_388 = arith.constant 0 : i32
    %dma_start3A_389 = tpu.memref_slice %arg2[%dma_start3A_387, %dma_start3A_388] : memref<1000000x32xf32, #tpu.memory_space<hbm>> -> memref<1000000x32xf32, #tpu.memory_space<hbm>>
    tpu.enqueue_indirect_dma source(%dma_start3A_389 : memref<1000000x32xf32, #tpu.memory_space<hbm>>) target(%dma_start3A_383 : memref<1600x32xf32, #tpu.memory_space<vmem>>) offsets(%dma_start3A_386 : memref<1600xi32, #tpu.memory_space<vmem>>) semaphore(%arg8 : memref<!tpu.dma_semaphore, #tpu.memory_space<semaphore_mem>>)
    %dma_wait3A_390 = arith.constant 0 : i32
    %dma_wait3A_391 = arith.constant 0 : i32
    %dma_wait3A_392 = arith.constant 0 : i32
    %dma_wait3A_393 = arith.constant 0 : i32
    %dma_wait3A_394 = tpu.memref_slice %arg6[%dma_wait3A_391, %dma_wait3A_392, %dma_wait3A_393] : memref<2x1600x32xf32, #tpu.memory_space<vmem>> -> memref<1x1600x32xf32, #tpu.memory_space<vmem>>
    %dma_wait3A_395 = tpu.memref_squeeze %dma_wait3A_394 : memref<1x1600x32xf32, #tpu.memory_space<vmem>> -> memref<1600x32xf32, #tpu.memory_space<vmem>>
    %dma_wait3A_396 = arith.constant 0 : i32
    %dma_wait3A_397 = tpu.memref_slice %arg5[%dma_wait3A_390, %dma_wait3A_396] : memref<2x1600xi32, #tpu.memory_space<vmem>> -> memref<1x1600xi32, #tpu.memory_space<vmem>>
    %dma_wait3A_398 = tpu.memref_squeeze %dma_wait3A_397 : memref<1x1600xi32, #tpu.memory_space<vmem>> -> memref<1600xi32, #tpu.memory_space<vmem>>
    %dma_wait3A_399 = arith.constant 0 : i32
    %dma_wait3A_400 = arith.constant 0 : i32
    %dma_wait3A_401 = tpu.memref_slice %arg2[%dma_wait3A_399, %dma_wait3A_400] : memref<1000000x32xf32, #tpu.memory_space<hbm>> -> memref<1000000x32xf32, #tpu.memory_space<hbm>>
    tpu.wait_indirect_dma semaphore(%arg7 : memref<!tpu.dma_semaphore, #tpu.memory_space<semaphore_mem>>) src(%dma_wait3A_401 : memref<1000000x32xf32, #tpu.memory_space<hbm>>) dst(%dma_wait3A_395 : memref<1600x32xf32, #tpu.memory_space<vmem>>)
    %add3A_402 = arith.constant 19200 : i32
    %add3A_403 = arith.addi %mul3A_2, %add3A_402 : i32
    %run_scoped3A_404 = arith.constant 0 : i32
    "tpu.region"() ({
      %run_scoped3A_480 = tpu.sem_alloc : memref<!tpu.dma_semaphore, #tpu.memory_space<semaphore_mem>>
      %dma_start3A_481 = arith.constant 0 : i32
      %dma_start3A_482 = arith.constant 0 : i32
      %dma_start3A_483 = tpu.memref_slice %arg6[%run_scoped3A_404, %dma_start3A_481, %dma_start3A_482] : memref<2x1600x32xf32, #tpu.memory_space<vmem>> -> memref<1x1600x32xf32, #tpu.memory_space<vmem>>
      %dma_start3A_484 = tpu.memref_squeeze %dma_start3A_483 : memref<1x1600x32xf32, #tpu.memory_space<vmem>> -> memref<1600x32xf32, #tpu.memory_space<vmem>>
      %dma_start3A_485 = arith.constant 0 : i32
      %dma_start3A_486 = tpu.memref_slice %arg4[%add3A_403, %dma_start3A_485] : memref<819200x32xf32, #tpu.memory_space<hbm>> -> memref<1600x32xf32, #tpu.memory_space<hbm>>
      %dma_start3A_487 = arith.constant 0 : i32
      %dma_start3A_488 = tpu.memref_slice %arg4[%add3A_403, %dma_start3A_487] : memref<819200x32xf32, #tpu.memory_space<hbm>> -> memref<1600x32xf32, #tpu.memory_space<hbm>>
      %dma_start3A_489 = arith.constant 0 : i32
      %dma_start3A_490 = arith.constant 0 : i32
      %dma_start3A_491 = tpu.memref_slice %arg6[%run_scoped3A_404, %dma_start3A_489, %dma_start3A_490] : memref<2x1600x32xf32, #tpu.memory_space<vmem>> -> memref<1x1600x32xf32, #tpu.memory_space<vmem>>
      %dma_start3A_492 = tpu.memref_squeeze %dma_start3A_491 : memref<1x1600x32xf32, #tpu.memory_space<vmem>> -> memref<1600x32xf32, #tpu.memory_space<vmem>>
      tpu.enqueue_dma source(%dma_start3A_492 : memref<1600x32xf32, #tpu.memory_space<vmem>>) target(%dma_start3A_488 : memref<1600x32xf32, #tpu.memory_space<hbm>>) target_semaphore(%run_scoped3A_480 : memref<!tpu.dma_semaphore, #tpu.memory_space<semaphore_mem>>)
      %dma_wait3A_493 = arith.constant 0 : i32
      %dma_wait3A_494 = arith.constant 0 : i32
      %dma_wait3A_495 = tpu.memref_slice %arg6[%run_scoped3A_404, %dma_wait3A_493, %dma_wait3A_494] : memref<2x1600x32xf32, #tpu.memory_space<vmem>> -> memref<1x1600x32xf32, #tpu.memory_space<vmem>>
      %dma_wait3A_496 = tpu.memref_squeeze %dma_wait3A_495 : memref<1x1600x32xf32, #tpu.memory_space<vmem>> -> memref<1600x32xf32, #tpu.memory_space<vmem>>
      %dma_wait3A_497 = arith.constant 0 : i32
      %dma_wait3A_498 = tpu.memref_slice %arg4[%add3A_403, %dma_wait3A_497] : memref<819200x32xf32, #tpu.memory_space<hbm>> -> memref<1600x32xf32, #tpu.memory_space<hbm>>
      %dma_wait3A_499 = arith.constant 0 : i32
      %dma_wait3A_500 = tpu.memref_slice %arg4[%add3A_403, %dma_wait3A_499] : memref<819200x32xf32, #tpu.memory_space<hbm>> -> memref<1600x32xf32, #tpu.memory_space<hbm>>
      %dma_wait3A_501 = arith.constant 0 : i32
      %dma_wait3A_502 = arith.constant 0 : i32
      %dma_wait3A_503 = tpu.memref_slice %arg6[%run_scoped3A_404, %dma_wait3A_501, %dma_wait3A_502] : memref<2x1600x32xf32, #tpu.memory_space<vmem>> -> memref<1x1600x32xf32, #tpu.memory_space<vmem>>
      %dma_wait3A_504 = tpu.memref_squeeze %dma_wait3A_503 : memref<1x1600x32xf32, #tpu.memory_space<vmem>> -> memref<1600x32xf32, #tpu.memory_space<vmem>>
      tpu.wait_dma2 semaphore(%run_scoped3A_480 : memref<!tpu.dma_semaphore, #tpu.memory_space<semaphore_mem>>) src(%dma_wait3A_504 : memref<1600x32xf32, #tpu.memory_space<vmem>>) dst(%dma_wait3A_500 : memref<1600x32xf32, #tpu.memory_space<hbm>>)
      tpu.yield
    }) : () -> ()
    %add3A_405 = arith.constant 22400 : i32
    %add3A_406 = arith.addi %mul3A_2, %add3A_405 : i32
    %run_scoped3A_407 = arith.constant 0 : i32
    "tpu.region"() ({
      %run_scoped3A_480 = tpu.sem_alloc : memref<!tpu.dma_semaphore, #tpu.memory_space<semaphore_mem>>
      %dma_start3A_481 = arith.constant 0 : i32
      %dma_start3A_482 = tpu.memref_slice %arg5[%run_scoped3A_407, %dma_start3A_481] : memref<2x1600xi32, #tpu.memory_space<vmem>> -> memref<1x1600xi32, #tpu.memory_space<vmem>>
      %dma_start3A_483 = tpu.memref_squeeze %dma_start3A_482 : memref<1x1600xi32, #tpu.memory_space<vmem>> -> memref<1600xi32, #tpu.memory_space<vmem>>
      %dma_start3A_484 = tpu.memref_slice %arg3[%add3A_406] : memref<819200xi32, #tpu.memory_space<hbm>> -> memref<1600xi32, #tpu.memory_space<hbm>>
      %dma_start3A_485 = arith.constant 0 : i32
      %dma_start3A_486 = tpu.memref_slice %arg5[%run_scoped3A_407, %dma_start3A_485] : memref<2x1600xi32, #tpu.memory_space<vmem>> -> memref<1x1600xi32, #tpu.memory_space<vmem>>
      %dma_start3A_487 = tpu.memref_squeeze %dma_start3A_486 : memref<1x1600xi32, #tpu.memory_space<vmem>> -> memref<1600xi32, #tpu.memory_space<vmem>>
      %dma_start3A_488 = tpu.memref_slice %arg3[%add3A_406] : memref<819200xi32, #tpu.memory_space<hbm>> -> memref<1600xi32, #tpu.memory_space<hbm>>
      tpu.enqueue_dma source(%dma_start3A_488 : memref<1600xi32, #tpu.memory_space<hbm>>) target(%dma_start3A_487 : memref<1600xi32, #tpu.memory_space<vmem>>) target_semaphore(%run_scoped3A_480 : memref<!tpu.dma_semaphore, #tpu.memory_space<semaphore_mem>>)
      %dma_wait3A_489 = arith.constant 0 : i32
      %dma_wait3A_490 = tpu.memref_slice %arg5[%run_scoped3A_407, %dma_wait3A_489] : memref<2x1600xi32, #tpu.memory_space<vmem>> -> memref<1x1600xi32, #tpu.memory_space<vmem>>
      %dma_wait3A_491 = tpu.memref_squeeze %dma_wait3A_490 : memref<1x1600xi32, #tpu.memory_space<vmem>> -> memref<1600xi32, #tpu.memory_space<vmem>>
      %dma_wait3A_492 = tpu.memref_slice %arg3[%add3A_406] : memref<819200xi32, #tpu.memory_space<hbm>> -> memref<1600xi32, #tpu.memory_space<hbm>>
      %dma_wait3A_493 = arith.constant 0 : i32
      %dma_wait3A_494 = tpu.memref_slice %arg5[%run_scoped3A_407, %dma_wait3A_493] : memref<2x1600xi32, #tpu.memory_space<vmem>> -> memref<1x1600xi32, #tpu.memory_space<vmem>>
      %dma_wait3A_495 = tpu.memref_squeeze %dma_wait3A_494 : memref<1x1600xi32, #tpu.memory_space<vmem>> -> memref<1600xi32, #tpu.memory_space<vmem>>
      %dma_wait3A_496 = tpu.memref_slice %arg3[%add3A_406] : memref<819200xi32, #tpu.memory_space<hbm>> -> memref<1600xi32, #tpu.memory_space<hbm>>
      tpu.wait_dma2 semaphore(%run_scoped3A_480 : memref<!tpu.dma_semaphore, #tpu.memory_space<semaphore_mem>>) src(%dma_wait3A_496 : memref<1600xi32, #tpu.memory_space<hbm>>) dst(%dma_wait3A_495 : memref<1600xi32, #tpu.memory_space<vmem>>)
      tpu.yield
    }) : () -> ()
    %dma_start3A_408 = arith.constant 0 : i32
    %dma_start3A_409 = arith.constant 0 : i32
    %dma_start3A_410 = arith.constant 0 : i32
    %dma_start3A_411 = arith.constant 0 : i32
    %dma_start3A_412 = tpu.memref_slice %arg6[%dma_start3A_409, %dma_start3A_410, %dma_start3A_411] : memref<2x1600x32xf32, #tpu.memory_space<vmem>> -> memref<1x1600x32xf32, #tpu.memory_space<vmem>>
    %dma_start3A_413 = tpu.memref_squeeze %dma_start3A_412 : memref<1x1600x32xf32, #tpu.memory_space<vmem>> -> memref<1600x32xf32, #tpu.memory_space<vmem>>
    %dma_start3A_414 = arith.constant 0 : i32
    %dma_start3A_415 = tpu.memref_slice %arg5[%dma_start3A_408, %dma_start3A_414] : memref<2x1600xi32, #tpu.memory_space<vmem>> -> memref<1x1600xi32, #tpu.memory_space<vmem>>
    %dma_start3A_416 = tpu.memref_squeeze %dma_start3A_415 : memref<1x1600xi32, #tpu.memory_space<vmem>> -> memref<1600xi32, #tpu.memory_space<vmem>>
    %dma_start3A_417 = arith.constant 0 : i32
    %dma_start3A_418 = arith.constant 0 : i32
    %dma_start3A_419 = tpu.memref_slice %arg2[%dma_start3A_417, %dma_start3A_418] : memref<1000000x32xf32, #tpu.memory_space<hbm>> -> memref<1000000x32xf32, #tpu.memory_space<hbm>>
    tpu.enqueue_indirect_dma source(%dma_start3A_419 : memref<1000000x32xf32, #tpu.memory_space<hbm>>) target(%dma_start3A_413 : memref<1600x32xf32, #tpu.memory_space<vmem>>) offsets(%dma_start3A_416 : memref<1600xi32, #tpu.memory_space<vmem>>) semaphore(%arg7 : memref<!tpu.dma_semaphore, #tpu.memory_space<semaphore_mem>>)
    %dma_wait3A_420 = arith.constant 1 : i32
    %dma_wait3A_421 = arith.constant 1 : i32
    %dma_wait3A_422 = arith.constant 0 : i32
    %dma_wait3A_423 = arith.constant 0 : i32
    %dma_wait3A_424 = tpu.memref_slice %arg6[%dma_wait3A_421, %dma_wait3A_422, %dma_wait3A_423] : memref<2x1600x32xf32, #tpu.memory_space<vmem>> -> memref<1x1600x32xf32, #tpu.memory_space<vmem>>
    %dma_wait3A_425 = tpu.memref_squeeze %dma_wait3A_424 : memref<1x1600x32xf32, #tpu.memory_space<vmem>> -> memref<1600x32xf32, #tpu.memory_space<vmem>>
    %dma_wait3A_426 = arith.constant 0 : i32
    %dma_wait3A_427 = tpu.memref_slice %arg5[%dma_wait3A_420, %dma_wait3A_426] : memref<2x1600xi32, #tpu.memory_space<vmem>> -> memref<1x1600xi32, #tpu.memory_space<vmem>>
    %dma_wait3A_428 = tpu.memref_squeeze %dma_wait3A_427 : memref<1x1600xi32, #tpu.memory_space<vmem>> -> memref<1600xi32, #tpu.memory_space<vmem>>
    %dma_wait3A_429 = arith.constant 0 : i32
    %dma_wait3A_430 = arith.constant 0 : i32
    %dma_wait3A_431 = tpu.memref_slice %arg2[%dma_wait3A_429, %dma_wait3A_430] : memref<1000000x32xf32, #tpu.memory_space<hbm>> -> memref<1000000x32xf32, #tpu.memory_space<hbm>>
    tpu.wait_indirect_dma semaphore(%arg8 : memref<!tpu.dma_semaphore, #tpu.memory_space<semaphore_mem>>) src(%dma_wait3A_431 : memref<1000000x32xf32, #tpu.memory_space<hbm>>) dst(%dma_wait3A_425 : memref<1600x32xf32, #tpu.memory_space<vmem>>)
    %add3A_432 = arith.constant 20800 : i32
    %add3A_433 = arith.addi %mul3A_2, %add3A_432 : i32
    %run_scoped3A_434 = arith.constant 1 : i32
    "tpu.region"() ({
      %run_scoped3A_480 = tpu.sem_alloc : memref<!tpu.dma_semaphore, #tpu.memory_space<semaphore_mem>>
      %dma_start3A_481 = arith.constant 0 : i32
      %dma_start3A_482 = arith.constant 0 : i32
      %dma_start3A_483 = tpu.memref_slice %arg6[%run_scoped3A_434, %dma_start3A_481, %dma_start3A_482] : memref<2x1600x32xf32, #tpu.memory_space<vmem>> -> memref<1x1600x32xf32, #tpu.memory_space<vmem>>
      %dma_start3A_484 = tpu.memref_squeeze %dma_start3A_483 : memref<1x1600x32xf32, #tpu.memory_space<vmem>> -> memref<1600x32xf32, #tpu.memory_space<vmem>>
      %dma_start3A_485 = arith.constant 0 : i32
      %dma_start3A_486 = tpu.memref_slice %arg4[%add3A_433, %dma_start3A_485] : memref<819200x32xf32, #tpu.memory_space<hbm>> -> memref<1600x32xf32, #tpu.memory_space<hbm>>
      %dma_start3A_487 = arith.constant 0 : i32
      %dma_start3A_488 = tpu.memref_slice %arg4[%add3A_433, %dma_start3A_487] : memref<819200x32xf32, #tpu.memory_space<hbm>> -> memref<1600x32xf32, #tpu.memory_space<hbm>>
      %dma_start3A_489 = arith.constant 0 : i32
      %dma_start3A_490 = arith.constant 0 : i32
      %dma_start3A_491 = tpu.memref_slice %arg6[%run_scoped3A_434, %dma_start3A_489, %dma_start3A_490] : memref<2x1600x32xf32, #tpu.memory_space<vmem>> -> memref<1x1600x32xf32, #tpu.memory_space<vmem>>
      %dma_start3A_492 = tpu.memref_squeeze %dma_start3A_491 : memref<1x1600x32xf32, #tpu.memory_space<vmem>> -> memref<1600x32xf32, #tpu.memory_space<vmem>>
      tpu.enqueue_dma source(%dma_start3A_492 : memref<1600x32xf32, #tpu.memory_space<vmem>>) target(%dma_start3A_488 : memref<1600x32xf32, #tpu.memory_space<hbm>>) target_semaphore(%run_scoped3A_480 : memref<!tpu.dma_semaphore, #tpu.memory_space<semaphore_mem>>)
      %dma_wait3A_493 = arith.constant 0 : i32
      %dma_wait3A_494 = arith.constant 0 : i32
      %dma_wait3A_495 = tpu.memref_slice %arg6[%run_scoped3A_434, %dma_wait3A_493, %dma_wait3A_494] : memref<2x1600x32xf32, #tpu.memory_space<vmem>> -> memref<1x1600x32xf32, #tpu.memory_space<vmem>>
      %dma_wait3A_496 = tpu.memref_squeeze %dma_wait3A_495 : memref<1x1600x32xf32, #tpu.memory_space<vmem>> -> memref<1600x32xf32, #tpu.memory_space<vmem>>
      %dma_wait3A_497 = arith.constant 0 : i32
      %dma_wait3A_498 = tpu.memref_slice %arg4[%add3A_433, %dma_wait3A_497] : memref<819200x32xf32, #tpu.memory_space<hbm>> -> memref<1600x32xf32, #tpu.memory_space<hbm>>
      %dma_wait3A_499 = arith.constant 0 : i32
      %dma_wait3A_500 = tpu.memref_slice %arg4[%add3A_433, %dma_wait3A_499] : memref<819200x32xf32, #tpu.memory_space<hbm>> -> memref<1600x32xf32, #tpu.memory_space<hbm>>
      %dma_wait3A_501 = arith.constant 0 : i32
      %dma_wait3A_502 = arith.constant 0 : i32
      %dma_wait3A_503 = tpu.memref_slice %arg6[%run_scoped3A_434, %dma_wait3A_501, %dma_wait3A_502] : memref<2x1600x32xf32, #tpu.memory_space<vmem>> -> memref<1x1600x32xf32, #tpu.memory_space<vmem>>
      %dma_wait3A_504 = tpu.memref_squeeze %dma_wait3A_503 : memref<1x1600x32xf32, #tpu.memory_space<vmem>> -> memref<1600x32xf32, #tpu.memory_space<vmem>>
      tpu.wait_dma2 semaphore(%run_scoped3A_480 : memref<!tpu.dma_semaphore, #tpu.memory_space<semaphore_mem>>) src(%dma_wait3A_504 : memref<1600x32xf32, #tpu.memory_space<vmem>>) dst(%dma_wait3A_500 : memref<1600x32xf32, #tpu.memory_space<hbm>>)
      tpu.yield
    }) : () -> ()
    %add3A_435 = arith.constant 24000 : i32
    %add3A_436 = arith.addi %mul3A_2, %add3A_435 : i32
    %run_scoped3A_437 = arith.constant 1 : i32
    "tpu.region"() ({
      %run_scoped3A_480 = tpu.sem_alloc : memref<!tpu.dma_semaphore, #tpu.memory_space<semaphore_mem>>
      %dma_start3A_481 = arith.constant 0 : i32
      %dma_start3A_482 = tpu.memref_slice %arg5[%run_scoped3A_437, %dma_start3A_481] : memref<2x1600xi32, #tpu.memory_space<vmem>> -> memref<1x1600xi32, #tpu.memory_space<vmem>>
      %dma_start3A_483 = tpu.memref_squeeze %dma_start3A_482 : memref<1x1600xi32, #tpu.memory_space<vmem>> -> memref<1600xi32, #tpu.memory_space<vmem>>
      %dma_start3A_484 = tpu.memref_slice %arg3[%add3A_436] : memref<819200xi32, #tpu.memory_space<hbm>> -> memref<1600xi32, #tpu.memory_space<hbm>>
      %dma_start3A_485 = arith.constant 0 : i32
      %dma_start3A_486 = tpu.memref_slice %arg5[%run_scoped3A_437, %dma_start3A_485] : memref<2x1600xi32, #tpu.memory_space<vmem>> -> memref<1x1600xi32, #tpu.memory_space<vmem>>
      %dma_start3A_487 = tpu.memref_squeeze %dma_start3A_486 : memref<1x1600xi32, #tpu.memory_space<vmem>> -> memref<1600xi32, #tpu.memory_space<vmem>>
      %dma_start3A_488 = tpu.memref_slice %arg3[%add3A_436] : memref<819200xi32, #tpu.memory_space<hbm>> -> memref<1600xi32, #tpu.memory_space<hbm>>
      tpu.enqueue_dma source(%dma_start3A_488 : memref<1600xi32, #tpu.memory_space<hbm>>) target(%dma_start3A_487 : memref<1600xi32, #tpu.memory_space<vmem>>) target_semaphore(%run_scoped3A_480 : memref<!tpu.dma_semaphore, #tpu.memory_space<semaphore_mem>>)
      %dma_wait3A_489 = arith.constant 0 : i32
      %dma_wait3A_490 = tpu.memref_slice %arg5[%run_scoped3A_437, %dma_wait3A_489] : memref<2x1600xi32, #tpu.memory_space<vmem>> -> memref<1x1600xi32, #tpu.memory_space<vmem>>
      %dma_wait3A_491 = tpu.memref_squeeze %dma_wait3A_490 : memref<1x1600xi32, #tpu.memory_space<vmem>> -> memref<1600xi32, #tpu.memory_space<vmem>>
      %dma_wait3A_492 = tpu.memref_slice %arg3[%add3A_436] : memref<819200xi32, #tpu.memory_space<hbm>> -> memref<1600xi32, #tpu.memory_space<hbm>>
      %dma_wait3A_493 = arith.constant 0 : i32
      %dma_wait3A_494 = tpu.memref_slice %arg5[%run_scoped3A_437, %dma_wait3A_493] : memref<2x1600xi32, #tpu.memory_space<vmem>> -> memref<1x1600xi32, #tpu.memory_space<vmem>>
      %dma_wait3A_495 = tpu.memref_squeeze %dma_wait3A_494 : memref<1x1600xi32, #tpu.memory_space<vmem>> -> memref<1600xi32, #tpu.memory_space<vmem>>
      %dma_wait3A_496 = tpu.memref_slice %arg3[%add3A_436] : memref<819200xi32, #tpu.memory_space<hbm>> -> memref<1600xi32, #tpu.memory_space<hbm>>
      tpu.wait_dma2 semaphore(%run_scoped3A_480 : memref<!tpu.dma_semaphore, #tpu.memory_space<semaphore_mem>>) src(%dma_wait3A_496 : memref<1600xi32, #tpu.memory_space<hbm>>) dst(%dma_wait3A_495 : memref<1600xi32, #tpu.memory_space<vmem>>)
      tpu.yield
    }) : () -> ()
    %dma_start3A_438 = arith.constant 1 : i32
    %dma_start3A_439 = arith.constant 1 : i32
    %dma_start3A_440 = arith.constant 0 : i32
    %dma_start3A_441 = arith.constant 0 : i32
    %dma_start3A_442 = tpu.memref_slice %arg6[%dma_start3A_439, %dma_start3A_440, %dma_start3A_441] : memref<2x1600x32xf32, #tpu.memory_space<vmem>> -> memref<1x1600x32xf32, #tpu.memory_space<vmem>>
    %dma_start3A_443 = tpu.memref_squeeze %dma_start3A_442 : memref<1x1600x32xf32, #tpu.memory_space<vmem>> -> memref<1600x32xf32, #tpu.memory_space<vmem>>
    %dma_start3A_444 = arith.constant 0 : i32
    %dma_start3A_445 = tpu.memref_slice %arg5[%dma_start3A_438, %dma_start3A_444] : memref<2x1600xi32, #tpu.memory_space<vmem>> -> memref<1x1600xi32, #tpu.memory_space<vmem>>
    %dma_start3A_446 = tpu.memref_squeeze %dma_start3A_445 : memref<1x1600xi32, #tpu.memory_space<vmem>> -> memref<1600xi32, #tpu.memory_space<vmem>>
    %dma_start3A_447 = arith.constant 0 : i32
    %dma_start3A_448 = arith.constant 0 : i32
    %dma_start3A_449 = tpu.memref_slice %arg2[%dma_start3A_447, %dma_start3A_448] : memref<1000000x32xf32, #tpu.memory_space<hbm>> -> memref<1000000x32xf32, #tpu.memory_space<hbm>>
    tpu.enqueue_indirect_dma source(%dma_start3A_449 : memref<1000000x32xf32, #tpu.memory_space<hbm>>) target(%dma_start3A_443 : memref<1600x32xf32, #tpu.memory_space<vmem>>) offsets(%dma_start3A_446 : memref<1600xi32, #tpu.memory_space<vmem>>) semaphore(%arg8 : memref<!tpu.dma_semaphore, #tpu.memory_space<semaphore_mem>>)
    %dma_wait3A_450 = arith.constant 0 : i32
    %dma_wait3A_451 = arith.constant 0 : i32
    %dma_wait3A_452 = arith.constant 0 : i32
    %dma_wait3A_453 = arith.constant 0 : i32
    %dma_wait3A_454 = tpu.memref_slice %arg6[%dma_wait3A_451, %dma_wait3A_452, %dma_wait3A_453] : memref<2x1600x32xf32, #tpu.memory_space<vmem>> -> memref<1x1600x32xf32, #tpu.memory_space<vmem>>
    %dma_wait3A_455 = tpu.memref_squeeze %dma_wait3A_454 : memref<1x1600x32xf32, #tpu.memory_space<vmem>> -> memref<1600x32xf32, #tpu.memory_space<vmem>>
    %dma_wait3A_456 = arith.constant 0 : i32
    %dma_wait3A_457 = tpu.memref_slice %arg5[%dma_wait3A_450, %dma_wait3A_456] : memref<2x1600xi32, #tpu.memory_space<vmem>> -> memref<1x1600xi32, #tpu.memory_space<vmem>>
    %dma_wait3A_458 = tpu.memref_squeeze %dma_wait3A_457 : memref<1x1600xi32, #tpu.memory_space<vmem>> -> memref<1600xi32, #tpu.memory_space<vmem>>
    %dma_wait3A_459 = arith.constant 0 : i32
    %dma_wait3A_460 = arith.constant 0 : i32
    %dma_wait3A_461 = tpu.memref_slice %arg2[%dma_wait3A_459, %dma_wait3A_460] : memref<1000000x32xf32, #tpu.memory_space<hbm>> -> memref<1000000x32xf32, #tpu.memory_space<hbm>>
    tpu.wait_indirect_dma semaphore(%arg7 : memref<!tpu.dma_semaphore, #tpu.memory_space<semaphore_mem>>) src(%dma_wait3A_461 : memref<1000000x32xf32, #tpu.memory_space<hbm>>) dst(%dma_wait3A_455 : memref<1600x32xf32, #tpu.memory_space<vmem>>)
    %add3A_462 = arith.constant 22400 : i32
    %add3A_463 = arith.addi %mul3A_2, %add3A_462 : i32
    %run_scoped3A_464 = arith.constant 0 : i32
    "tpu.region"() ({
      %run_scoped3A_480 = tpu.sem_alloc : memref<!tpu.dma_semaphore, #tpu.memory_space<semaphore_mem>>
      %dma_start3A_481 = arith.constant 0 : i32
      %dma_start3A_482 = arith.constant 0 : i32
      %dma_start3A_483 = tpu.memref_slice %arg6[%run_scoped3A_464, %dma_start3A_481, %dma_start3A_482] : memref<2x1600x32xf32, #tpu.memory_space<vmem>> -> memref<1x1600x32xf32, #tpu.memory_space<vmem>>
      %dma_start3A_484 = tpu.memref_squeeze %dma_start3A_483 : memref<1x1600x32xf32, #tpu.memory_space<vmem>> -> memref<1600x32xf32, #tpu.memory_space<vmem>>
      %dma_start3A_485 = arith.constant 0 : i32
      %dma_start3A_486 = tpu.memref_slice %arg4[%add3A_463, %dma_start3A_485] : memref<819200x32xf32, #tpu.memory_space<hbm>> -> memref<1600x32xf32, #tpu.memory_space<hbm>>
      %dma_start3A_487 = arith.constant 0 : i32
      %dma_start3A_488 = tpu.memref_slice %arg4[%add3A_463, %dma_start3A_487] : memref<819200x32xf32, #tpu.memory_space<hbm>> -> memref<1600x32xf32, #tpu.memory_space<hbm>>
      %dma_start3A_489 = arith.constant 0 : i32
      %dma_start3A_490 = arith.constant 0 : i32
      %dma_start3A_491 = tpu.memref_slice %arg6[%run_scoped3A_464, %dma_start3A_489, %dma_start3A_490] : memref<2x1600x32xf32, #tpu.memory_space<vmem>> -> memref<1x1600x32xf32, #tpu.memory_space<vmem>>
      %dma_start3A_492 = tpu.memref_squeeze %dma_start3A_491 : memref<1x1600x32xf32, #tpu.memory_space<vmem>> -> memref<1600x32xf32, #tpu.memory_space<vmem>>
      tpu.enqueue_dma source(%dma_start3A_492 : memref<1600x32xf32, #tpu.memory_space<vmem>>) target(%dma_start3A_488 : memref<1600x32xf32, #tpu.memory_space<hbm>>) target_semaphore(%run_scoped3A_480 : memref<!tpu.dma_semaphore, #tpu.memory_space<semaphore_mem>>)
      %dma_wait3A_493 = arith.constant 0 : i32
      %dma_wait3A_494 = arith.constant 0 : i32
      %dma_wait3A_495 = tpu.memref_slice %arg6[%run_scoped3A_464, %dma_wait3A_493, %dma_wait3A_494] : memref<2x1600x32xf32, #tpu.memory_space<vmem>> -> memref<1x1600x32xf32, #tpu.memory_space<vmem>>
      %dma_wait3A_496 = tpu.memref_squeeze %dma_wait3A_495 : memref<1x1600x32xf32, #tpu.memory_space<vmem>> -> memref<1600x32xf32, #tpu.memory_space<vmem>>
      %dma_wait3A_497 = arith.constant 0 : i32
      %dma_wait3A_498 = tpu.memref_slice %arg4[%add3A_463, %dma_wait3A_497] : memref<819200x32xf32, #tpu.memory_space<hbm>> -> memref<1600x32xf32, #tpu.memory_space<hbm>>
      %dma_wait3A_499 = arith.constant 0 : i32
      %dma_wait3A_500 = tpu.memref_slice %arg4[%add3A_463, %dma_wait3A_499] : memref<819200x32xf32, #tpu.memory_space<hbm>> -> memref<1600x32xf32, #tpu.memory_space<hbm>>
      %dma_wait3A_501 = arith.constant 0 : i32
      %dma_wait3A_502 = arith.constant 0 : i32
      %dma_wait3A_503 = tpu.memref_slice %arg6[%run_scoped3A_464, %dma_wait3A_501, %dma_wait3A_502] : memref<2x1600x32xf32, #tpu.memory_space<vmem>> -> memref<1x1600x32xf32, #tpu.memory_space<vmem>>
      %dma_wait3A_504 = tpu.memref_squeeze %dma_wait3A_503 : memref<1x1600x32xf32, #tpu.memory_space<vmem>> -> memref<1600x32xf32, #tpu.memory_space<vmem>>
      tpu.wait_dma2 semaphore(%run_scoped3A_480 : memref<!tpu.dma_semaphore, #tpu.memory_space<semaphore_mem>>) src(%dma_wait3A_504 : memref<1600x32xf32, #tpu.memory_space<vmem>>) dst(%dma_wait3A_500 : memref<1600x32xf32, #tpu.memory_space<hbm>>)
      tpu.yield
    }) : () -> ()
    %dma_wait3A_465 = arith.constant 1 : i32
    %dma_wait3A_466 = arith.constant 1 : i32
    %dma_wait3A_467 = arith.constant 0 : i32
    %dma_wait3A_468 = arith.constant 0 : i32
    %dma_wait3A_469 = tpu.memref_slice %arg6[%dma_wait3A_466, %dma_wait3A_467, %dma_wait3A_468] : memref<2x1600x32xf32, #tpu.memory_space<vmem>> -> memref<1x1600x32xf32, #tpu.memory_space<vmem>>
    %dma_wait3A_470 = tpu.memref_squeeze %dma_wait3A_469 : memref<1x1600x32xf32, #tpu.memory_space<vmem>> -> memref<1600x32xf32, #tpu.memory_space<vmem>>
    %dma_wait3A_471 = arith.constant 0 : i32
    %dma_wait3A_472 = tpu.memref_slice %arg5[%dma_wait3A_465, %dma_wait3A_471] : memref<2x1600xi32, #tpu.memory_space<vmem>> -> memref<1x1600xi32, #tpu.memory_space<vmem>>
    %dma_wait3A_473 = tpu.memref_squeeze %dma_wait3A_472 : memref<1x1600xi32, #tpu.memory_space<vmem>> -> memref<1600xi32, #tpu.memory_space<vmem>>
    %dma_wait3A_474 = arith.constant 0 : i32
    %dma_wait3A_475 = arith.constant 0 : i32
    %dma_wait3A_476 = tpu.memref_slice %arg2[%dma_wait3A_474, %dma_wait3A_475] : memref<1000000x32xf32, #tpu.memory_space<hbm>> -> memref<1000000x32xf32, #tpu.memory_space<hbm>>
    tpu.wait_indirect_dma semaphore(%arg8 : memref<!tpu.dma_semaphore, #tpu.memory_space<semaphore_mem>>) src(%dma_wait3A_476 : memref<1000000x32xf32, #tpu.memory_space<hbm>>) dst(%dma_wait3A_470 : memref<1600x32xf32, #tpu.memory_space<vmem>>)
    %add3A_477 = arith.constant 24000 : i32
    %add3A_478 = arith.addi %mul3A_2, %add3A_477 : i32
    %run_scoped3A_479 = arith.constant 1 : i32
    "tpu.region"() ({
      %run_scoped3A_480 = tpu.sem_alloc : memref<!tpu.dma_semaphore, #tpu.memory_space<semaphore_mem>>
      %dma_start3A_481 = arith.constant 0 : i32
      %dma_start3A_482 = arith.constant 0 : i32
      %dma_start3A_483 = tpu.memref_slice %arg6[%run_scoped3A_479, %dma_start3A_481, %dma_start3A_482] : memref<2x1600x32xf32, #tpu.memory_space<vmem>> -> memref<1x1600x32xf32, #tpu.memory_space<vmem>>
      %dma_start3A_484 = tpu.memref_squeeze %dma_start3A_483 : memref<1x1600x32xf32, #tpu.memory_space<vmem>> -> memref<1600x32xf32, #tpu.memory_space<vmem>>
      %dma_start3A_485 = arith.constant 0 : i32
      %dma_start3A_486 = tpu.memref_slice %arg4[%add3A_478, %dma_start3A_485] : memref<819200x32xf32, #tpu.memory_space<hbm>> -> memref<1600x32xf32, #tpu.memory_space<hbm>>
      %dma_start3A_487 = arith.constant 0 : i32
      %dma_start3A_488 = tpu.memref_slice %arg4[%add3A_478, %dma_start3A_487] : memref<819200x32xf32, #tpu.memory_space<hbm>> -> memref<1600x32xf32, #tpu.memory_space<hbm>>
      %dma_start3A_489 = arith.constant 0 : i32
      %dma_start3A_490 = arith.constant 0 : i32
      %dma_start3A_491 = tpu.memref_slice %arg6[%run_scoped3A_479, %dma_start3A_489, %dma_start3A_490] : memref<2x1600x32xf32, #tpu.memory_space<vmem>> -> memref<1x1600x32xf32, #tpu.memory_space<vmem>>
      %dma_start3A_492 = tpu.memref_squeeze %dma_start3A_491 : memref<1x1600x32xf32, #tpu.memory_space<vmem>> -> memref<1600x32xf32, #tpu.memory_space<vmem>>
      tpu.enqueue_dma source(%dma_start3A_492 : memref<1600x32xf32, #tpu.memory_space<vmem>>) target(%dma_start3A_488 : memref<1600x32xf32, #tpu.memory_space<hbm>>) target_semaphore(%run_scoped3A_480 : memref<!tpu.dma_semaphore, #tpu.memory_space<semaphore_mem>>)
      %dma_wait3A_493 = arith.constant 0 : i32
      %dma_wait3A_494 = arith.constant 0 : i32
      %dma_wait3A_495 = tpu.memref_slice %arg6[%run_scoped3A_479, %dma_wait3A_493, %dma_wait3A_494] : memref<2x1600x32xf32, #tpu.memory_space<vmem>> -> memref<1x1600x32xf32, #tpu.memory_space<vmem>>
      %dma_wait3A_496 = tpu.memref_squeeze %dma_wait3A_495 : memref<1x1600x32xf32, #tpu.memory_space<vmem>> -> memref<1600x32xf32, #tpu.memory_space<vmem>>
      %dma_wait3A_497 = arith.constant 0 : i32
      %dma_wait3A_498 = tpu.memref_slice %arg4[%add3A_478, %dma_wait3A_497] : memref<819200x32xf32, #tpu.memory_space<hbm>> -> memref<1600x32xf32, #tpu.memory_space<hbm>>
      %dma_wait3A_499 = arith.constant 0 : i32
      %dma_wait3A_500 = tpu.memref_slice %arg4[%add3A_478, %dma_wait3A_499] : memref<819200x32xf32, #tpu.memory_space<hbm>> -> memref<1600x32xf32, #tpu.memory_space<hbm>>
      %dma_wait3A_501 = arith.constant 0 : i32
      %dma_wait3A_502 = arith.constant 0 : i32
      %dma_wait3A_503 = tpu.memref_slice %arg6[%run_scoped3A_479, %dma_wait3A_501, %dma_wait3A_502] : memref<2x1600x32xf32, #tpu.memory_space<vmem>> -> memref<1x1600x32xf32, #tpu.memory_space<vmem>>
      %dma_wait3A_504 = tpu.memref_squeeze %dma_wait3A_503 : memref<1x1600x32xf32, #tpu.memory_space<vmem>> -> memref<1600x32xf32, #tpu.memory_space<vmem>>
      tpu.wait_dma2 semaphore(%run_scoped3A_480 : memref<!tpu.dma_semaphore, #tpu.memory_space<semaphore_mem>>) src(%dma_wait3A_504 : memref<1600x32xf32, #tpu.memory_space<vmem>>) dst(%dma_wait3A_500 : memref<1600x32xf32, #tpu.memory_space<hbm>>)
      tpu.yield
    }) : () -> ()
    return
  }
}

</mosaic_0001>

<sc_bundles>
// kernel: kernel.3.cloned.1.call-start
scs
__scs_entry_jumppad:
0x0: {  	(pc) =	sbr.rel $0x88, $3  }
0x1: {  	(tag) =	ssettag $0x0;
	lr =	simm.s32 $0x1  }
0x2: {  	[smem:$0x3F9F] =	sst lr;
	_ =	strace $0xD0000000  }
0x3: {  	_ = 	snop  }
0x4: {  	_ = 	snop  }
0x5: {  	_ = 	snop  }
0x6: {  	_ = 	snop  }
0x7: {  	_ = 	snop  }
__scs_overlays_trampoline_lowered:
0x8: {  	[smem:$0x3FAE] =	sst s0  }
0x9: {  	[smem:$0x3FAF] =	sst s1  }
0xa: {  	[smem:$0x3FB0] =	sst s2  }
0xb: {  	[smem:$0x3FB1] =	sst s3  }
0xc: {  	[smem:$0x3FB2] =	sst s4  }
0xd: {  	[smem:$0x3FB3] =	sst s5  }
0xe: {  	[smem:$0x3FB4] =	sst s6  }
0xf: {  	[smem:$0x3FB5] =	sst s7  }
0x10: {  	[smem:$0x3FB6] =	sst s8  }
0x11: {  	[smem:$0x3FB7] =	sst s9;
	s0 =	simm.s32 @!p0 $0x0  }
0x12: {  	s1 =	sld [smem:$0x3F9D];
	s0 =	simm.s32 @p0 $0x1  }
0x13: {  	[smem:$0x3FB8] =	sst s0;
	s0 =	simm.s32 @!p1 $0x0  }
0x14: {  	s2 =	sld [smem:$0x3F9C];
	s0 =	simm.s32 @p1 $0x1  }
0x15: {  	[smem:$0x3FB9] =	sst s0;
	s0 =	simm.s32 @!p2 $0x0  }
0x16: {  	s3 =	sld [smem:$0x3FDB];
	s0 =	simm.s32 @p2 $0x1  }
0x17: {  	s4 =	simm.s32 $0x1BF5;
	[smem:$0x3FBB] =	sst s0  }
0x18: {  	s0 =	sld [smem:$0x3F9E];
	_ =	swait.ge [sflag:s4], $0x0  }
0x19: {  	s7 =	sld [smem:$0x3F9F]  }
0x1a: {  	s8 =	sadd.s32 $0xFFFFE003, lr  }
0x1b: {  	s9 =	sadd.s32 $0xFFFFFEF7, lr;
	s5 =	simm.s32 $0xFFFFFFFF;
	p2 =	slt.u32 s8, $0xFFFFF086  }
0x1c: {  	p1 =	slt.u32 s9, $0xF7A;
	s5 =	simm.s32 @!p2 $0x0  }
0x1d: {  	s5 =	simm.s32 @p1 $0x1;
	p0 =	seq.s32 s7, s2  }
0x1e: {  	s7 =	smul.u32 @!p0 $0xF7A, s2;
	p2 =	seq.s32 @!p0 s5, $0x0  }
0x1f: {  	s9 =	smul.u32 $0xF7A, s1;
	s8 =	simm.s32 @!p0 $0x1BF5;
	p2 =	por !p2, p0  }
0x20: {  	[sflag:s8] =	ssyncset.s32 @!p0 $0xFFFFF086;
	s6 =	sadd.s32 @!p0 s3, s7;
	s7 =	simm.s32 @!p0 $0x108  }
0x21: {  	s3 =	sadd.s32 s3, s9;
	s6 =	sadd.s32 @!p0 $0x88, s6;
	s7 =	simm.s32 @p2 $0x1082  }
0x22: {  	[simem:s7], [sflag:s8] =	dma.local @!p0 [hbm:s6], $0xF7A  }
0x23: {  	s9 =	sor.u32 $0xD0000000, s2;
	s6 =	simm.s32 $0x108;
	_ =	swait.ge @!p0 [sflag:s8], $0x0  }
0x24: {  	s3 =	sadd.s32 $0x88, s3;
	s6 =	simm.s32 @!p1 $0x1082;
	[sflag:s4] =	ssyncset.s32 $0xFFFFF086  }
0x25: {  	[simem:s6], [sflag:s4] =	dma.local [hbm:s3], $0xF7A  }
0x26: {  	[smem:$0x3F9F] =	sst s1;
	(tag) =	ssettag s2;
	_ =	strace s9  }
0x27: {  	s1 =	sld [smem:$0x3FAF]  }
0x28: {  	s2 =	sld [smem:$0x3FB0]  }
0x29: {  	s4 =	sld [smem:$0x3FB2]  }
0x2a: {  	p0 =	seq.s32 s5, $0x0;
	s5 =	sld [smem:$0x3FB3]  }
0x2b: {  	s6 =	sld [smem:$0x3FB4]  }
0x2c: {  	s7 =	sld [smem:$0x3FB5]  }
0x2d: {  	s3 =	simm.s32 $0x108;
	s8 =	sld [smem:$0x3FB6]  }
0x2e: {  	s3 =	simm.s32 @!p0 $0x1082;
	s9 =	sld [smem:$0x3FB7]  }
0x2f: {  	lr =	sadd.s32 s0, s3;
	s0 =	sld [smem:$0x3FAE]  }
0x30: {  	s3 =	sld [smem:$0x3FB1]  }
0x31: {  	[smem:$0x3FBA] =	sst s10  }
0x32: {  	s10 =	sld [smem:$0x3FB8];
	_ =	sdelay $0x3  }
0x33: {  	p0 =	seq.s32 s10, $0x1;
	s10 =	sld [smem:$0x3FBA];
	_ =	sdelay $0x3  }
0x34: {  	[smem:$0x3FBA] =	sst s10  }
0x35: {  	s10 =	sld [smem:$0x3FB9];
	_ =	sdelay $0x3  }
0x36: {  	p1 =	seq.s32 s10, $0x1;
	s10 =	sld [smem:$0x3FBA];
	_ =	sdelay $0x3  }
0x37: {  	[smem:$0x3FBA] =	sst s10  }
0x38: {  	s10 =	sld [smem:$0x3FBB]  }
0x39: {  	_ = 	snop;
	(pc) =	sbr.ind lr, $3  }
0x3a: {  	_ = 	snop  }
0x3b: {  	_ = 	snop  }
0x3c: {  	p2 =	seq.s32 s10, $0x1;
	s10 =	sld [smem:$0x3FBA]  }
0x3d: {  	_ =	shalt  }
0x3e: {  	_ =	shalt  }
0x3f: {  	_ =	shalt  }
0x40: {  	_ =	shalt  }
0x41: {  	_ =	shalt  }
0x42: {  	_ =	shalt  }
0x43: {  	_ =	shalt  }
0x44: {  	_ =	shalt  }
0x45: {  	_ =	shalt  }
0x46: {  	_ =	shalt  }
0x47: {  	_ =	shalt  }
0x48: {  	_ =	shalt  }
0x49: {  	_ =	shalt  }
0x4a: {  	_ =	shalt  }
0x4b: {  	_ =	shalt  }
0x4c: {  	_ =	shalt  }
0x4d: {  	_ =	shalt  }
0x4e: {  	_ =	shalt  }
0x4f: {  	_ =	shalt  }
0x50: {  	_ =	shalt  }
0x51: {  	_ =	shalt  }
0x52: {  	_ =	shalt  }
0x53: {  	_ =	shalt  }
0x54: {  	_ =	shalt  }
0x55: {  	_ =	shalt  }
0x56: {  	_ =	shalt  }
0x57: {  	_ =	shalt  }
0x58: {  	_ =	shalt  }
0x59: {  	_ =	shalt  }
0x5a: {  	_ =	shalt  }
0x5b: {  	_ =	shalt  }
0x5c: {  	_ =	shalt  }
0x5d: {  	_ =	shalt  }
0x5e: {  	_ =	shalt  }
0x5f: {  	_ =	shalt  }
0x60: {  	_ =	shalt  }
0x61: {  	_ =	shalt  }
0x62: {  	_ =	shalt  }
0x63: {  	_ =	shalt  }
0x64: {  	_ =	shalt  }
0x65: {  	_ =	shalt  }
0x66: {  	_ =	shalt  }
0x67: {  	_ =	shalt  }
0x68: {  	_ =	shalt  }
0x69: {  	_ =	shalt  }
0x6a: {  	_ =	shalt  }
0x6b: {  	_ =	shalt  }
0x6c: {  	_ =	shalt  }
0x6d: {  	_ =	shalt  }
0x6e: {  	_ =	shalt  }
0x6f: {  	_ =	shalt  }
0x70: {  	_ =	shalt  }
0x71: {  	_ =	shalt  }
0x72: {  	_ =	shalt  }
0x73: {  	_ =	shalt  }
0x74: {  	_ =	shalt  }
0x75: {  	_ =	shalt  }
0x76: {  	_ =	shalt  }
0x77: {  	_ =	shalt  }
0x78: {  	_ =	shalt  }
0x79: {  	_ =	shalt  }
0x7a: {  	_ =	shalt  }
0x7b: {  	_ =	shalt  }
0x7c: {  	_ =	shalt  }
0x7d: {  	_ =	shalt  }
0x7e: {  	_ =	shalt  }
0x7f: {  	_ =	shalt  }
0x80: {  	_ =	shalt  }
0x81: {  	_ =	shalt  }
0x82: {  	_ =	shalt  }
0x83: {  	_ =	shalt  }
0x84: {  	_ =	shalt  }
0x85: {  	_ =	shalt  }
0x86: {  	_ =	shalt  }
0x87: {  	_ =	shalt  }
.Lfunc_end0:
.L_simem_size_0:
called_computation.1_lowered:
.L_overlay_start_0:
0x88: {  	s2 =	sld [smem:$0x3FD9]  }
0x89: {  	s3 =	sld [smem:$0x3FFE];
	_ =	sdelay $0x1  }
0x8a: {  	s1 =	srdreg.scid  }
0x8b: {  	s0 =	sand.u32 $0x1, s1  }
0x8c: {  	s17 =	sshll.u32 s0, $0xA;
	s2 =	sadd.s32 s3, s2  }
0x8d: {  	s2 =	sadd.s32 s2, s17  }
0x8e: {  	[smem:$0x3FC6] =	sst s2  }
0x8f: {  	_ = 	snop  }
0x90: {  	s2 =	sld [smem:$0x3FD0];
	(tm) =	ssettm $0x1  }
0x91: {  	s18 =	sld [smem:$0x3FFB];
	_ =	sdelay $0x3  }
0x92: {  	_ =	strace s18  }
0x93: {  	s3 =	sld [smem:$0x3FFC];
	_ =	sdelay $0x3  }
0x94: {  	_ =	strace s3  }
0x95: {  	s3 =	sld [smem:$0x3FFD];
	_ =	sdelay $0x3  }
0x96: {  	_ =	strace s3  }
0x97: {  	_ =	strace $0x8FFFFFFF  }
0x98: {  	s19 =	sld [smem:$0x3FDB];
	_ =	sdelay $0x1  }
0x99: {  	s4 =	simm.s32 $_scs_section_size  }
0x9a: {  	s5 =	simm.s32 $_size__tile_overlayer_lowered;
	s6 =	simm.s32 $_tile_overlayer_lowered  }
0x9b: {  	s22 =	simm.s32 $0x1BFF;
	s21 =	sshll.u32 s6, $0x1;
	s3 =	sadd.s32 s4, s19  }
0x9c: {  	s7 =	simm.s32 $0x0;
	s20 =	sshll.u32 s5, $0x1;
	s5 =	sadd.s32 s21, s3  }
0x9d: {  	[timem:s7], [sflag:s22] =	dma.local [hbm:s5], s20  }
0x9e: {  	_ =	swait.ge [sflag:s22], s20  }
0x9f: {  	s4 =	ssub.s32 $0x0, s20;
	[sflag:s22] =	ssyncset.done $0x0  }
0xa0: {  	[sflag:s22] =	ssyncadd.s32 s4;
	_ =	sdelay $0x1  }
0xa1: {  	s23 =	simm.s32 $0x1B8B  }
0xa2: {  	_ =	swait.ge [sflag:s23], $0x1  }
0xa3: {  	[sflag:s23] =	ssyncset.done $0x0  }
0xa4: {  	s25 =	simm.s32 $0x1B8E;
	s24 =	sld [smem:$0x3FFE];
	[sflag:s23] =	ssyncadd.s32 $0xFFFFFFFF  }
0xa5: {  	s26 =	simm.s32 $execute0_lowered;
	[smem:$0x3FD2] =	sst s25  }
0xa6: {  	s5 =	sshll.u32 s26, $0x1;
	_ =	strace $0x80000046;
	[dreg:$0x1] =	wrdreg $0xFFFFFFFF  }
0xa7: {  	s28 =	simm.s32 $_size_execute0_lowered;
	s3 =	sadd.s32 s3, s5;
	[dreg:$0x0] =	wrdreg $0x0  }
0xa8: {  	s5 =	sshll.u32 s28, $0x1;
	[dreg:$0x2] =	wrdreg s3  }
0xa9: {  	[dreg:$0x3] =	wrdreg s5  }
0xaa: {  	[dreg:$0x4] =	wrdreg $0xC0  }
0xab: {  	_ =	task [dreg:s7], $0x5FFFF  }
0xac: {  	[dreg:$0x1] =	wrdreg $0xFFFFFFFF  }
0xad: {  	[dreg:$0x0] =	wrdreg $0x60  }
0xae: {  	[dreg:$0x2] =	wrdreg s24  }
0xaf: {  	[dreg:$0x3] =	wrdreg s2  }
0xb0: {  	[dreg:$0x4] =	wrdreg $0x9  }
0xb1: {  	_ =	task.clear_ibuf [dreg:s7], $0x5FFFF;
	_ =	strace $0x90000046  }
0xb2: {  	s29 =	simm.s32 $0x9;
	_ =	strace $0x80000048  }
0xb3: {  	_ =	swait.ge [sflag:s29], $0x1  }
0xb4: {  	[sflag:s29] =	ssyncadd.s32 $0xFFFFFFFF  }
0xb5: {  	_ =	strace $0x90000048  }
0xb6: {  	_ =	sfence  }
0xb7: {  	s30 =	sld [smem:$0x0];
	_ =	sdelay $0x2  }
0xb8: {  	s31 =	sshll.u32 s1, $0xD;
	s1 =	sshrl.u32 s1, $0x2  }
0xb9: {  	s3 =	sand.u32 $0x4000, s31;
	s1 =	sadd.s32 s1, s30  }
0xba: {  	s0 =	sor.u32 s3, s0;
	s1 =	sshll.u32 s1, $0x11  }
0xbb: {  	s0 =	sor.u32 s1, s0  }
0xbc: {  	s0 =	sadd.s32 $0x8F2B, s0  }
0xbd: {  	[sflag:s0] =	ssyncadd.remote.s32 $0x1  }
0xbe: {  	_ =	sfence.sel $0xFFFF  }
0xbf: {  	[dreg:$0x0] =	wrdreg $0xFFFFFFFF;
	(pc) =	sbr.abs _section_cstart, $3  }
0xc0: {  	[dreg:$0x1] =	wrdreg $0xFFFFFFFF  }
0xc1: {  	_ =	task.clear_ibuf [dreg:s7], $0x2FFFF;
	_ =	strace $0x9FFFFFFF  }
0xc2: {  	(tm) =	ssettm $0x7FFFFFFF  }
0xc3: {  	_ =	shalt  }
tec
execute0_lowered:
.L_overlay_start_1:
0x0: {  	(tag) =	ssettag $0x1  }
0x1: {  	s4 =	rddreg [dreg:$0x0]  }
0x2: {  	s2 =	srdreg.scid;
	s0 =	stileid.u32  }
0x3: {  	s31 =	rddreg [dreg:$0x1];
	s5 =	sand.u32 $0x1, s2;
	s3 =	sshll.u32 s0, $0x1  }
0x4: {  	s2 =	simm.s32 $0x0;
	[dreg:$0xe] =	wrdreg s5;
	s3 =	sor.u32 s5, s3  }
0x5: {  	[smem:$0x7FF] =	sst s2;
	s30 =	smul.u32 $0x6400, s3  }
0x6: {  	s29 =	sadd.s32 $0xA00, s4;
	_ =	strace $0x80000047;
	s3 =	smul.u32 $0x19000, s3  }
0x7: {  	s21 =	sshrl.u32 s30, $0x3;
	s6 =	sadd.s32 $0x640, s30;
	s23 =	sadd.s32 $0xC80, s30  }
0x8: {  	s3 =	sadd.s32 s31, s3;
	s1 =	sadd.s32 $0x12C0, s30;
	s10 =	sadd.s32 $0x1900, s30  }
0x9: {  	s5 =	sadd.s32 s29, s21;
	s7 =	sshrl.u32 s6, $0x3;
	[dreg:$0x5] =	wrdreg s3  }
0xa: {  	s24 =	sshrl.u32 s23, $0x3;
	[dreg:$0x3] =	wrdreg s5;
	s22 =	sadd.s32 s29, s7  }
0xb: {  	s26 =	sshll.u32 s6, $0x2;
	s25 =	sadd.s32 s29, s24;
	[dreg:$0x4] =	wrdreg s22  }
0xc: {  	s8 =	sshrl.u32 s1, $0x3;
	s0 =	sadd.s32 s31, s26;
	[dreg:$0x6] =	wrdreg s25  }
0xd: {  	s9 =	sshll.u32 s23, $0x2;
	s3 =	sadd.s32 s29, s8;
	[dreg:$0x7] =	wrdreg s0  }
0xe: {  	s12 =	sshrl.u32 s10, $0x3;
	s11 =	sadd.s32 s31, s9;
	[dreg:$0x8] =	wrdreg s3  }
0xf: {  	s13 =	sadd.s32 s29, s12;
	[dreg:$0x9] =	wrdreg s11  }
0x10: {  	s16 =	sshll.u32 s10, $0x2;
	s5 =	sshll.u32 s1, $0x2;
	[dreg:$0xa] =	wrdreg s13  }
0x11: {  	s18 =	sadd.s32 s31, s16;
	s11 =	sadd.s32 $0x1F40, s30;
	s17 =	rddreg [dreg:$0x3]  }
0x12: {  	s14 =	sadd.s32 s31, s5;
	[dreg:$0xd] =	wrdreg s18;
	s15 =	sshrl.u32 s11, $0x3  }
0x13: {  	[tilespmem:s2], [sflag:$0x3] =	stream.linear.gather [hbm4b:s17+s2], $0x640, $0x38;
	[tilespmem:$0x19C80] =	vst v63  }
0x14: {  	[dreg:$0xb] =	wrdreg s14;
	s3 =	sadd.s32 s29, s15  }
0x15: {  	[dreg:$0xc] =	wrdreg s3;
	s3 =	simm.s32 $0x3  }
0x16: {  	_ =	swait.ge [sflag:s3], $0x640  }
0x17: {  	s4 =	sadd.s32 $0xF42E00, s4;
	[sflag:s3] =	ssyncset.done $0x0  }
0x18: {  	s6 =	simm.s32 $0xC80;
	s5 =	simm.s32 $0x640;
	[sflag:s3] =	ssyncadd.s32 $0xFFFFF9C0  }
0x19: {  	[tilespmem:s6], [sflag:$0x1] =	stream.indirect.gather [hbm4b:s4+s5], $0x20, s2, s5, $0xb8;
	[tilespmem:$0x19C80] =	vst v63  }
0x1a: {  	s19 =	rddreg [dreg:$0x4]  }
0x1b: {  	[tilespmem:s5], [sflag:$0x3] =	stream.linear.gather [hbm4b:s19+s2], $0x640, $0x38;
	[tilespmem:$0x19C80] =	vst v63  }
0x1c: {  	_ =	swait.ge [sflag:s3], $0x640  }
0x1d: {  	[sflag:s3] =	ssyncset.done $0x0  }
0x1e: {  	s7 =	simm.s32 $0xD480;
	s8 =	simm.s32 $0x1;
	[sflag:s3] =	ssyncadd.s32 $0xFFFFF9C0  }
0x1f: {  	[tilespmem:s7], [sflag:$0x2] =	stream.indirect.gather [hbm4b:s4+s5], $0x20, s5, s5, $0xb8;
	[tilespmem:$0x19C80] =	vst v63  }
0x20: {  	_ =	swait.ge [sflag:s8], $0xC800  }
0x21: {  	[sflag:s8] =	ssyncset.done $0x0  }
0x22: {  	s9 =	rddreg [dreg:$0x5];
	[sflag:s8] =	ssyncadd.s32 $0xFFFF3800  }
0x23: {  	[hbm4b:s9+s2] =	stream.linear.scatter [tilespmem:s6], [sflag:$0x3], $0xC800, $0x38;
	[tilespmem:$0x19C80] =	vst v63  }
0x24: {  	_ =	swait.ge [sflag:s3], $0xC800  }
0x25: {  	[sflag:s3] =	ssyncset.done $0x0  }
0x26: {  	s20 =	rddreg [dreg:$0x6];
	[sflag:s3] =	ssyncadd.s32 $0xFFFF3800  }
0x27: {  	[tilespmem:s2], [sflag:$0x3] =	stream.linear.gather [hbm4b:s20+s2], $0x640, $0x38;
	[tilespmem:$0x19C80] =	vst v63  }
0x28: {  	_ =	swait.ge [sflag:s3], $0x640  }
0x29: {  	[sflag:s3] =	ssyncset.done $0x0  }
0x2a: {  	s9 =	simm.s32 $0x2;
	[sflag:s3] =	ssyncadd.s32 $0xFFFFF9C0  }
0x2b: {  	[tilespmem:s6], [sflag:$0x1] =	stream.indirect.gather [hbm4b:s4+s5], $0x20, s2, s5, $0xb8;
	[tilespmem:$0x19C80] =	vst v63  }
0x2c: {  	_ =	swait.ge [sflag:s9], $0xC800  }
0x2d: {  	[sflag:s9] =	ssyncset.done $0x0  }
0x2e: {  	s10 =	rddreg [dreg:$0x7];
	[sflag:s9] =	ssyncadd.s32 $0xFFFF3800  }
0x2f: {  	[hbm4b:s10+s2] =	stream.linear.scatter [tilespmem:s7], [sflag:$0x3], $0xC800, $0x38;
	[tilespmem:$0x19C80] =	vst v63  }
0x30: {  	_ =	swait.ge [sflag:s3], $0xC800  }
0x31: {  	[sflag:s3] =	ssyncset.done $0x0  }
0x32: {  	s21 =	rddreg [dreg:$0x8];
	[sflag:s3] =	ssyncadd.s32 $0xFFFF3800  }
0x33: {  	[tilespmem:s5], [sflag:$0x3] =	stream.linear.gather [hbm4b:s21+s2], $0x640, $0x38;
	[tilespmem:$0x19C80] =	vst v63  }
0x34: {  	_ =	swait.ge [sflag:s3], $0x640  }
0x35: {  	[sflag:s3] =	ssyncset.done $0x0  }
0x36: {  	[sflag:s3] =	ssyncadd.s32 $0xFFFFF9C0  }
0x37: {  	[tilespmem:s7], [sflag:$0x2] =	stream.indirect.gather [hbm4b:s4+s5], $0x20, s5, s5, $0xb8;
	[tilespmem:$0x19C80] =	vst v63  }
0x38: {  	_ =	swait.ge [sflag:s8], $0xC800  }
0x39: {  	[sflag:s8] =	ssyncset.done $0x0  }
0x3a: {  	s22 =	rddreg [dreg:$0x9];
	[sflag:s8] =	ssyncadd.s32 $0xFFFF3800  }
0x3b: {  	[hbm4b:s22+s2] =	stream.linear.scatter [tilespmem:s6], [sflag:$0x3], $0xC800, $0x38;
	[tilespmem:$0x19C80] =	vst v63  }
0x3c: {  	_ =	swait.ge [sflag:s3], $0xC800  }
0x3d: {  	[sflag:s3] =	ssyncset.done $0x0  }
0x3e: {  	s23 =	rddreg [dreg:$0xa];
	[sflag:s3] =	ssyncadd.s32 $0xFFFF3800  }
0x3f: {  	[tilespmem:s2], [sflag:$0x3] =	stream.linear.gather [hbm4b:s23+s2], $0x640, $0x38;
	[tilespmem:$0x19C80] =	vst v63  }
0x40: {  	_ =	swait.ge [sflag:s3], $0x640  }
0x41: {  	[sflag:s3] =	ssyncset.done $0x0  }
0x42: {  	[sflag:s3] =	ssyncadd.s32 $0xFFFFF9C0  }
0x43: {  	[tilespmem:s6], [sflag:$0x1] =	stream.indirect.gather [hbm4b:s4+s5], $0x20, s2, s5, $0xb8;
	[tilespmem:$0x19C80] =	vst v63  }
0x44: {  	_ =	swait.ge [sflag:s9], $0xC800  }
0x45: {  	[sflag:s9] =	ssyncset.done $0x0  }
0x46: {  	s24 =	rddreg [dreg:$0xb];
	[sflag:s9] =	ssyncadd.s32 $0xFFFF3800  }
0x47: {  	[hbm4b:s24+s2] =	stream.linear.scatter [tilespmem:s7], [sflag:$0x3], $0xC800, $0x38;
	[tilespmem:$0x19C80] =	vst v63  }
0x48: {  	_ =	swait.ge [sflag:s3], $0xC800  }
0x49: {  	[sflag:s3] =	ssyncset.done $0x0  }
0x4a: {  	s25 =	rddreg [dreg:$0xc];
	[sflag:s3] =	ssyncadd.s32 $0xFFFF3800  }
0x4b: {  	[tilespmem:s5], [sflag:$0x3] =	stream.linear.gather [hbm4b:s25+s2], $0x640, $0x38;
	[tilespmem:$0x19C80] =	vst v63  }
0x4c: {  	_ =	swait.ge [sflag:s3], $0x640  }
0x4d: {  	[sflag:s3] =	ssyncset.done $0x0  }
0x4e: {  	[sflag:s3] =	ssyncadd.s32 $0xFFFFF9C0  }
0x4f: {  	[tilespmem:s7], [sflag:$0x2] =	stream.indirect.gather [hbm4b:s4+s5], $0x20, s5, s5, $0xb8;
	[tilespmem:$0x19C80] =	vst v63  }
0x50: {  	_ =	swait.ge [sflag:s8], $0xC800  }
0x51: {  	[sflag:s8] =	ssyncset.done $0x0  }
0x52: {  	s26 =	rddreg [dreg:$0xd];
	[sflag:s8] =	ssyncadd.s32 $0xFFFF3800  }
0x53: {  	[hbm4b:s26+s2] =	stream.linear.scatter [tilespmem:s6], [sflag:$0x3], $0xC800, $0x38;
	[tilespmem:$0x19C80] =	vst v63  }
0x54: {  	s13 =	sadd.s32 $0x2580, s30;
	_ =	swait.ge [sflag:s3], $0xC800  }
0x55: {  	s0 =	sshrl.u32 s13, $0x3;
	[sflag:s3] =	ssyncset.done $0x0  }
0x56: {  	s10 =	sadd.s32 s29, s0;
	[sflag:s3] =	ssyncadd.s32 $0xFFFF3800  }
0x57: {  	[tilespmem:s2], [sflag:$0x3] =	stream.linear.gather [hbm4b:s10+s2], $0x640, $0x38;
	[tilespmem:$0x19C80] =	vst v63  }
0x58: {  	_ =	swait.ge [sflag:s3], $0x640  }
0x59: {  	[sflag:s3] =	ssyncset.done $0x0  }
0x5a: {  	[sflag:s3] =	ssyncadd.s32 $0xFFFFF9C0  }
0x5b: {  	[tilespmem:s6], [sflag:$0x1] =	stream.indirect.gather [hbm4b:s4+s5], $0x20, s2, s5, $0xb8;
	[tilespmem:$0x19C80] =	vst v63  }
0x5c: {  	_ =	swait.ge [sflag:s9], $0xC800  }
0x5d: {  	s11 =	sshll.u32 s11, $0x2;
	[sflag:s9] =	ssyncset.done $0x0  }
0x5e: {  	s11 =	sadd.s32 s31, s11;
	[sflag:s9] =	ssyncadd.s32 $0xFFFF3800  }
0x5f: {  	[hbm4b:s11+s2] =	stream.linear.scatter [tilespmem:s7], [sflag:$0x3], $0xC800, $0x38;
	[tilespmem:$0x19C80] =	vst v63  }
0x60: {  	s15 =	sadd.s32 $0x2BC0, s30;
	_ =	swait.ge [sflag:s3], $0xC800  }
0x61: {  	s12 =	sshrl.u32 s15, $0x3;
	[sflag:s3] =	ssyncset.done $0x0  }
0x62: {  	s12 =	sadd.s32 s29, s12;
	[sflag:s3] =	ssyncadd.s32 $0xFFFF3800  }
0x63: {  	[tilespmem:s5], [sflag:$0x3] =	stream.linear.gather [hbm4b:s12+s2], $0x640, $0x38;
	[tilespmem:$0x19C80] =	vst v63  }
0x64: {  	_ =	swait.ge [sflag:s3], $0x640  }
0x65: {  	[sflag:s3] =	ssyncset.done $0x0  }
0x66: {  	[sflag:s3] =	ssyncadd.s32 $0xFFFFF9C0  }
0x67: {  	[tilespmem:s7], [sflag:$0x2] =	stream.indirect.gather [hbm4b:s4+s5], $0x20, s5, s5, $0xb8;
	[tilespmem:$0x19C80] =	vst v63  }
0x68: {  	_ =	swait.ge [sflag:s8], $0xC800  }
0x69: {  	s13 =	sshll.u32 s13, $0x2;
	[sflag:s8] =	ssyncset.done $0x0  }
0x6a: {  	s13 =	sadd.s32 s31, s13;
	[sflag:s8] =	ssyncadd.s32 $0xFFFF3800  }
0x6b: {  	[hbm4b:s13+s2] =	stream.linear.scatter [tilespmem:s6], [sflag:$0x3], $0xC800, $0x38;
	[tilespmem:$0x19C80] =	vst v63  }
0x6c: {  	s17 =	sadd.s32 $0x3200, s30;
	_ =	swait.ge [sflag:s3], $0xC800  }
0x6d: {  	s14 =	sshrl.u32 s17, $0x3;
	[sflag:s3] =	ssyncset.done $0x0  }
0x6e: {  	s14 =	sadd.s32 s29, s14;
	[sflag:s3] =	ssyncadd.s32 $0xFFFF3800  }
0x6f: {  	[tilespmem:s2], [sflag:$0x3] =	stream.linear.gather [hbm4b:s14+s2], $0x640, $0x38;
	[tilespmem:$0x19C80] =	vst v63  }
0x70: {  	_ =	swait.ge [sflag:s3], $0x640  }
0x71: {  	[sflag:s3] =	ssyncset.done $0x0  }
0x72: {  	[sflag:s3] =	ssyncadd.s32 $0xFFFFF9C0  }
0x73: {  	[tilespmem:s6], [sflag:$0x1] =	stream.indirect.gather [hbm4b:s4+s5], $0x20, s2, s5, $0xb8;
	[tilespmem:$0x19C80] =	vst v63  }
0x74: {  	_ =	swait.ge [sflag:s9], $0xC800  }
0x75: {  	s15 =	sshll.u32 s15, $0x2;
	[sflag:s9] =	ssyncset.done $0x0  }
0x76: {  	s15 =	sadd.s32 s31, s15;
	[sflag:s9] =	ssyncadd.s32 $0xFFFF3800  }
0x77: {  	[hbm4b:s15+s2] =	stream.linear.scatter [tilespmem:s7], [sflag:$0x3], $0xC800, $0x38;
	[tilespmem:$0x19C80] =	vst v63  }
0x78: {  	s19 =	sadd.s32 $0x3840, s30;
	_ =	swait.ge [sflag:s3], $0xC800  }
0x79: {  	s16 =	sshrl.u32 s19, $0x3;
	[sflag:s3] =	ssyncset.done $0x0  }
0x7a: {  	s16 =	sadd.s32 s29, s16;
	[sflag:s3] =	ssyncadd.s32 $0xFFFF3800  }
0x7b: {  	[tilespmem:s5], [sflag:$0x3] =	stream.linear.gather [hbm4b:s16+s2], $0x640, $0x38;
	[tilespmem:$0x19C80] =	vst v63  }
0x7c: {  	_ =	swait.ge [sflag:s3], $0x640  }
0x7d: {  	[sflag:s3] =	ssyncset.done $0x0  }
0x7e: {  	[sflag:s3] =	ssyncadd.s32 $0xFFFFF9C0  }
0x7f: {  	[tilespmem:s7], [sflag:$0x2] =	stream.indirect.gather [hbm4b:s4+s5], $0x20, s5, s5, $0xb8;
	[tilespmem:$0x19C80] =	vst v63  }
0x80: {  	_ =	swait.ge [sflag:s8], $0xC800  }
0x81: {  	s17 =	sshll.u32 s17, $0x2;
	[sflag:s8] =	ssyncset.done $0x0  }
0x82: {  	s17 =	sadd.s32 s31, s17;
	[sflag:s8] =	ssyncadd.s32 $0xFFFF3800  }
0x83: {  	[hbm4b:s17+s2] =	stream.linear.scatter [tilespmem:s6], [sflag:$0x3], $0xC800, $0x38;
	[tilespmem:$0x19C80] =	vst v63  }
0x84: {  	s21 =	sadd.s32 $0x3E80, s30;
	_ =	swait.ge [sflag:s3], $0xC800  }
0x85: {  	s18 =	sshrl.u32 s21, $0x3;
	[sflag:s3] =	ssyncset.done $0x0  }
0x86: {  	s18 =	sadd.s32 s29, s18;
	[sflag:s3] =	ssyncadd.s32 $0xFFFF3800  }
0x87: {  	[tilespmem:s2], [sflag:$0x3] =	stream.linear.gather [hbm4b:s18+s2], $0x640, $0x38;
	[tilespmem:$0x19C80] =	vst v63  }
0x88: {  	_ =	swait.ge [sflag:s3], $0x640  }
0x89: {  	[sflag:s3] =	ssyncset.done $0x0  }
0x8a: {  	[sflag:s3] =	ssyncadd.s32 $0xFFFFF9C0  }
0x8b: {  	[tilespmem:s6], [sflag:$0x1] =	stream.indirect.gather [hbm4b:s4+s5], $0x20, s2, s5, $0xb8;
	[tilespmem:$0x19C80] =	vst v63  }
0x8c: {  	_ =	swait.ge [sflag:s9], $0xC800  }
0x8d: {  	s19 =	sshll.u32 s19, $0x2;
	[sflag:s9] =	ssyncset.done $0x0  }
0x8e: {  	s19 =	sadd.s32 s31, s19;
	[sflag:s9] =	ssyncadd.s32 $0xFFFF3800  }
0x8f: {  	[hbm4b:s19+s2] =	stream.linear.scatter [tilespmem:s7], [sflag:$0x3], $0xC800, $0x38;
	[tilespmem:$0x19C80] =	vst v63  }
0x90: {  	s23 =	sadd.s32 $0x44C0, s30;
	_ =	swait.ge [sflag:s3], $0xC800  }
0x91: {  	s20 =	sshrl.u32 s23, $0x3;
	[sflag:s3] =	ssyncset.done $0x0  }
0x92: {  	s20 =	sadd.s32 s29, s20;
	[sflag:s3] =	ssyncadd.s32 $0xFFFF3800  }
0x93: {  	[tilespmem:s5], [sflag:$0x3] =	stream.linear.gather [hbm4b:s20+s2], $0x640, $0x38;
	[tilespmem:$0x19C80] =	vst v63  }
0x94: {  	_ =	swait.ge [sflag:s3], $0x640  }
0x95: {  	[sflag:s3] =	ssyncset.done $0x0  }
0x96: {  	[sflag:s3] =	ssyncadd.s32 $0xFFFFF9C0  }
0x97: {  	[tilespmem:s7], [sflag:$0x2] =	stream.indirect.gather [hbm4b:s4+s5], $0x20, s5, s5, $0xb8;
	[tilespmem:$0x19C80] =	vst v63  }
0x98: {  	_ =	swait.ge [sflag:s8], $0xC800  }
0x99: {  	s21 =	sshll.u32 s21, $0x2;
	[sflag:s8] =	ssyncset.done $0x0  }
0x9a: {  	s21 =	sadd.s32 s31, s21;
	[sflag:s8] =	ssyncadd.s32 $0xFFFF3800  }
0x9b: {  	[hbm4b:s21+s2] =	stream.linear.scatter [tilespmem:s6], [sflag:$0x3], $0xC800, $0x38;
	[tilespmem:$0x19C80] =	vst v63  }
0x9c: {  	s25 =	sadd.s32 $0x4B00, s30;
	_ =	swait.ge [sflag:s3], $0xC800  }
0x9d: {  	s22 =	sshrl.u32 s25, $0x3;
	[sflag:s3] =	ssyncset.done $0x0  }
0x9e: {  	s22 =	sadd.s32 s29, s22;
	[sflag:s3] =	ssyncadd.s32 $0xFFFF3800  }
0x9f: {  	[tilespmem:s2], [sflag:$0x3] =	stream.linear.gather [hbm4b:s22+s2], $0x640, $0x38;
	[tilespmem:$0x19C80] =	vst v63  }
0xa0: {  	_ =	swait.ge [sflag:s3], $0x640  }
0xa1: {  	[sflag:s3] =	ssyncset.done $0x0  }
0xa2: {  	[sflag:s3] =	ssyncadd.s32 $0xFFFFF9C0  }
0xa3: {  	[tilespmem:s6], [sflag:$0x1] =	stream.indirect.gather [hbm4b:s4+s5], $0x20, s2, s5, $0xb8;
	[tilespmem:$0x19C80] =	vst v63  }
0xa4: {  	_ =	swait.ge [sflag:s9], $0xC800  }
0xa5: {  	s23 =	sshll.u32 s23, $0x2;
	[sflag:s9] =	ssyncset.done $0x0  }
0xa6: {  	s23 =	sadd.s32 s31, s23;
	[sflag:s9] =	ssyncadd.s32 $0xFFFF3800  }
0xa7: {  	[hbm4b:s23+s2] =	stream.linear.scatter [tilespmem:s7], [sflag:$0x3], $0xC800, $0x38;
	[tilespmem:$0x19C80] =	vst v63  }
0xa8: {  	s28 =	sadd.s32 $0x5140, s30;
	_ =	swait.ge [sflag:s3], $0xC800  }
0xa9: {  	s24 =	sshrl.u32 s28, $0x3;
	[sflag:s3] =	ssyncset.done $0x0  }
0xaa: {  	s24 =	sadd.s32 s29, s24;
	[sflag:s3] =	ssyncadd.s32 $0xFFFF3800  }
0xab: {  	[tilespmem:s5], [sflag:$0x3] =	stream.linear.gather [hbm4b:s24+s2], $0x640, $0x38;
	[tilespmem:$0x19C80] =	vst v63  }
0xac: {  	_ =	swait.ge [sflag:s3], $0x640  }
0xad: {  	[sflag:s3] =	ssyncset.done $0x0  }
0xae: {  	[sflag:s3] =	ssyncadd.s32 $0xFFFFF9C0  }
0xaf: {  	[tilespmem:s7], [sflag:$0x2] =	stream.indirect.gather [hbm4b:s4+s5], $0x20, s5, s5, $0xb8;
	[tilespmem:$0x19C80] =	vst v63  }
0xb0: {  	_ =	swait.ge [sflag:s8], $0xC800  }
0xb1: {  	s25 =	sshll.u32 s25, $0x2;
	[sflag:s8] =	ssyncset.done $0x0  }
0xb2: {  	s25 =	sadd.s32 s31, s25;
	[sflag:s8] =	ssyncadd.s32 $0xFFFF3800  }
0xb3: {  	[hbm4b:s25+s2] =	stream.linear.scatter [tilespmem:s6], [sflag:$0x3], $0xC800, $0x38;
	[tilespmem:$0x19C80] =	vst v63  }
0xb4: {  	s1 =	sadd.s32 $0x5780, s30;
	_ =	swait.ge [sflag:s3], $0xC800  }
0xb5: {  	s26 =	sshrl.u32 s1, $0x3;
	[sflag:s3] =	ssyncset.done $0x0  }
0xb6: {  	s26 =	sadd.s32 s29, s26;
	[sflag:s3] =	ssyncadd.s32 $0xFFFF3800  }
0xb7: {  	[tilespmem:s2], [sflag:$0x3] =	stream.linear.gather [hbm4b:s26+s2], $0x640, $0x38;
	[tilespmem:$0x19C80] =	vst v63  }
0xb8: {  	_ =	swait.ge [sflag:s3], $0x640  }
0xb9: {  	[sflag:s3] =	ssyncset.done $0x0  }
0xba: {  	[sflag:s3] =	ssyncadd.s32 $0xFFFFF9C0  }
0xbb: {  	[tilespmem:s6], [sflag:$0x1] =	stream.indirect.gather [hbm4b:s4+s5], $0x20, s2, s5, $0xb8;
	[tilespmem:$0x19C80] =	vst v63  }
0xbc: {  	_ =	swait.ge [sflag:s9], $0xC800  }
0xbd: {  	s28 =	sshll.u32 s28, $0x2;
	[sflag:s9] =	ssyncset.done $0x0  }
0xbe: {  	s28 =	sadd.s32 s31, s28;
	[sflag:s9] =	ssyncadd.s32 $0xFFFF3800  }
0xbf: {  	[hbm4b:s28+s2] =	stream.linear.scatter [tilespmem:s7], [sflag:$0x3], $0xC800, $0x38;
	[tilespmem:$0x19C80] =	vst v63  }
0xc0: {  	s0 =	sadd.s32 $0x5DC0, s30;
	_ =	swait.ge [sflag:s3], $0xC800  }
0xc1: {  	s30 =	sshrl.u32 s0, $0x3;
	[sflag:s3] =	ssyncset.done $0x0  }
0xc2: {  	s29 =	sadd.s32 s29, s30;
	[sflag:s3] =	ssyncadd.s32 $0xFFFF3800  }
0xc3: {  	[tilespmem:s5], [sflag:$0x3] =	stream.linear.gather [hbm4b:s29+s2], $0x640, $0x38;
	[tilespmem:$0x19C80] =	vst v63  }
0xc4: {  	_ =	swait.ge [sflag:s3], $0x640  }
0xc5: {  	[sflag:s3] =	ssyncset.done $0x0  }
0xc6: {  	[sflag:s3] =	ssyncadd.s32 $0xFFFFF9C0  }
0xc7: {  	[tilespmem:s7], [sflag:$0x2] =	stream.indirect.gather [hbm4b:s4+s5], $0x20, s5, s5, $0xb8;
	[tilespmem:$0x19C80] =	vst v63  }
0xc8: {  	_ =	swait.ge [sflag:s8], $0xC800  }
0xc9: {  	s1 =	sshll.u32 s1, $0x2;
	[sflag:s8] =	ssyncset.done $0x0  }
0xca: {  	s30 =	sadd.s32 s31, s1;
	[sflag:s8] =	ssyncadd.s32 $0xFFFF3800  }
0xcb: {  	[hbm4b:s30+s2] =	stream.linear.scatter [tilespmem:s6], [sflag:$0x3], $0xC800, $0x38;
	[tilespmem:$0x19C80] =	vst v63  }
0xcc: {  	_ =	swait.ge [sflag:s3], $0xC800  }
0xcd: {  	s1 =	rddreg [dreg:$0xe]  }
0xce: {  	s1 =	ssub.s32 $0x2, s1  }
0xcf: {  	s31 =	sshrl.u32 s1, $0x1  }
0xd0: {  	[sflag:s3] =	ssyncset.done $0x0;
	s1 =	ssub.s32 s1, s31  }
0xd1: {  	[sflag:s3] =	ssyncadd.s32 $0xFFFF3800;
	s1 =	smax.u32 s1, $0x1  }
0xd2: {  	_ =	swait.ge [sflag:s9], $0xC800;
	p0 =	sne.s32 s1, $0x1  }
.Ltmp0:
0xd3: {  	[sflag:s9] =	ssyncset.done $0x0;
	(pc) =	sbr.rel @!p0 .LBB2_2-.Ltmp0, $4  }
0xd4: {  	s0 =	sshll.u32 s0, $0x2;
	s31 =	rddreg [dreg:$0x1]  }
0xd5: {  	[sflag:s9] =	ssyncadd.s32 $0xFFFF3800;
	s31 =	sadd.s32 s31, s0  }
0xd6: {  	[hbm4b:s31+s2] =	stream.linear.scatter [tilespmem:s7], [sflag:$0x3], $0xC800, $0x38;
	[tilespmem:$0x19C80] =	vst v63  }
0xd7: {  	s1 =	sadd.s32 $0xFFFFFFFF, s1;
	_ =	swait.ge [sflag:s3], $0xC800  }
.LBB2_1:
0xd8: {  	[sflag:s3] =	ssyncset.done $0x0  }
0xd9: {  	s0 =	rddreg [dreg:$0x3];
	[sflag:s3] =	ssyncadd.s32 $0xFFFF3800  }
0xda: {  	[tilespmem:s2], [sflag:$0x3] =	stream.linear.gather [hbm4b:s0+s2], $0x640, $0x38;
	[tilespmem:$0x19C80] =	vst v63  }
0xdb: {  	_ =	swait.ge [sflag:s3], $0x640  }
0xdc: {  	[sflag:s3] =	ssyncset.done $0x0  }
0xdd: {  	[sflag:s3] =	ssyncadd.s32 $0xFFFFF9C0  }
0xde: {  	[tilespmem:s6], [sflag:$0x1] =	stream.indirect.gather [hbm4b:s4+s5], $0x20, s2, s5, $0xb8;
	[tilespmem:$0x19C80] =	vst v63  }
0xdf: {  	s0 =	rddreg [dreg:$0x4]  }
0xe0: {  	[tilespmem:s5], [sflag:$0x3] =	stream.linear.gather [hbm4b:s0+s2], $0x640, $0x38;
	[tilespmem:$0x19C80] =	vst v63  }
0xe1: {  	_ =	swait.ge [sflag:s3], $0x640  }
0xe2: {  	[sflag:s3] =	ssyncset.done $0x0  }
0xe3: {  	[sflag:s3] =	ssyncadd.s32 $0xFFFFF9C0  }
0xe4: {  	[tilespmem:s7], [sflag:$0x2] =	stream.indirect.gather [hbm4b:s4+s5], $0x20, s5, s5, $0xb8;
	[tilespmem:$0x19C80] =	vst v63  }
0xe5: {  	_ =	swait.ge [sflag:s8], $0xC800  }
0xe6: {  	[sflag:s8] =	ssyncset.done $0x0  }
0xe7: {  	s0 =	rddreg [dreg:$0x5];
	[sflag:s8] =	ssyncadd.s32 $0xFFFF3800  }
0xe8: {  	[hbm4b:s0+s2] =	stream.linear.scatter [tilespmem:s6], [sflag:$0x3], $0xC800, $0x38;
	[tilespmem:$0x19C80] =	vst v63  }
0xe9: {  	_ =	swait.ge [sflag:s3], $0xC800  }
0xea: {  	[sflag:s3] =	ssyncset.done $0x0  }
0xeb: {  	s0 =	rddreg [dreg:$0x6];
	[sflag:s3] =	ssyncadd.s32 $0xFFFF3800  }
0xec: {  	[tilespmem:s2], [sflag:$0x3] =	stream.linear.gather [hbm4b:s0+s2], $0x640, $0x38;
	[tilespmem:$0x19C80] =	vst v63  }
0xed: {  	_ =	swait.ge [sflag:s3], $0x640  }
0xee: {  	[sflag:s3] =	ssyncset.done $0x0  }
0xef: {  	[sflag:s3] =	ssyncadd.s32 $0xFFFFF9C0  }
0xf0: {  	[tilespmem:s6], [sflag:$0x1] =	stream.indirect.gather [hbm4b:s4+s5], $0x20, s2, s5, $0xb8;
	[tilespmem:$0x19C80] =	vst v63  }
0xf1: {  	_ =	swait.ge [sflag:s9], $0xC800  }
0xf2: {  	[sflag:s9] =	ssyncset.done $0x0  }
0xf3: {  	s0 =	rddreg [dreg:$0x7];
	[sflag:s9] =	ssyncadd.s32 $0xFFFF3800  }
0xf4: {  	[hbm4b:s0+s2] =	stream.linear.scatter [tilespmem:s7], [sflag:$0x3], $0xC800, $0x38;
	[tilespmem:$0x19C80] =	vst v63  }
0xf5: {  	_ =	swait.ge [sflag:s3], $0xC800  }
0xf6: {  	[sflag:s3] =	ssyncset.done $0x0  }
0xf7: {  	s0 =	rddreg [dreg:$0x8];
	[sflag:s3] =	ssyncadd.s32 $0xFFFF3800  }
0xf8: {  	[tilespmem:s5], [sflag:$0x3] =	stream.linear.gather [hbm4b:s0+s2], $0x640, $0x38;
	[tilespmem:$0x19C80] =	vst v63  }
0xf9: {  	_ =	swait.ge [sflag:s3], $0x640  }
0xfa: {  	[sflag:s3] =	ssyncset.done $0x0  }
0xfb: {  	[sflag:s3] =	ssyncadd.s32 $0xFFFFF9C0  }
0xfc: {  	[tilespmem:s7], [sflag:$0x2] =	stream.indirect.gather [hbm4b:s4+s5], $0x20, s5, s5, $0xb8;
	[tilespmem:$0x19C80] =	vst v63  }
0xfd: {  	_ =	swait.ge [sflag:s8], $0xC800  }
0xfe: {  	[sflag:s8] =	ssyncset.done $0x0  }
0xff: {  	s0 =	rddreg [dreg:$0x9];
	[sflag:s8] =	ssyncadd.s32 $0xFFFF3800  }
0x100: {  	[hbm4b:s0+s2] =	stream.linear.scatter [tilespmem:s6], [sflag:$0x3], $0xC800, $0x38;
	[tilespmem:$0x19C80] =	vst v63  }
0x101: {  	_ =	swait.ge [sflag:s3], $0xC800  }
0x102: {  	[sflag:s3] =	ssyncset.done $0x0  }
0x103: {  	s0 =	rddreg [dreg:$0xa];
	[sflag:s3] =	ssyncadd.s32 $0xFFFF3800  }
0x104: {  	[tilespmem:s2], [sflag:$0x3] =	stream.linear.gather [hbm4b:s0+s2], $0x640, $0x38;
	[tilespmem:$0x19C80] =	vst v63  }
0x105: {  	_ =	swait.ge [sflag:s3], $0x640  }
0x106: {  	[sflag:s3] =	ssyncset.done $0x0  }
0x107: {  	[sflag:s3] =	ssyncadd.s32 $0xFFFFF9C0  }
0x108: {  	[tilespmem:s6], [sflag:$0x1] =	stream.indirect.gather [hbm4b:s4+s5], $0x20, s2, s5, $0xb8;
	[tilespmem:$0x19C80] =	vst v63  }
0x109: {  	_ =	swait.ge [sflag:s9], $0xC800  }
0x10a: {  	[sflag:s9] =	ssyncset.done $0x0  }
0x10b: {  	s0 =	rddreg [dreg:$0xb];
	[sflag:s9] =	ssyncadd.s32 $0xFFFF3800  }
0x10c: {  	[hbm4b:s0+s2] =	stream.linear.scatter [tilespmem:s7], [sflag:$0x3], $0xC800, $0x38;
	[tilespmem:$0x19C80] =	vst v63  }
0x10d: {  	_ =	swait.ge [sflag:s3], $0xC800  }
0x10e: {  	[sflag:s3] =	ssyncset.done $0x0  }
0x10f: {  	s0 =	rddreg [dreg:$0xc];
	[sflag:s3] =	ssyncadd.s32 $0xFFFF3800  }
0x110: {  	[tilespmem:s5], [sflag:$0x3] =	stream.linear.gather [hbm4b:s0+s2], $0x640, $0x38;
	[tilespmem:$0x19C80] =	vst v63  }
0x111: {  	_ =	swait.ge [sflag:s3], $0x640  }
0x112: {  	[sflag:s3] =	ssyncset.done $0x0  }
0x113: {  	[sflag:s3] =	ssyncadd.s32 $0xFFFFF9C0  }
0x114: {  	[tilespmem:s7], [sflag:$0x2] =	stream.indirect.gather [hbm4b:s4+s5], $0x20, s5, s5, $0xb8;
	[tilespmem:$0x19C80] =	vst v63  }
0x115: {  	_ =	swait.ge [sflag:s8], $0xC800  }
0x116: {  	[sflag:s8] =	ssyncset.done $0x0  }
0x117: {  	s0 =	rddreg [dreg:$0xd];
	[sflag:s8] =	ssyncadd.s32 $0xFFFF3800  }
0x118: {  	[hbm4b:s0+s2] =	stream.linear.scatter [tilespmem:s6], [sflag:$0x3], $0xC800, $0x38;
	[tilespmem:$0x19C80] =	vst v63  }
0x119: {  	_ =	swait.ge [sflag:s3], $0xC800  }
0x11a: {  	[sflag:s3] =	ssyncset.done $0x0  }
0x11b: {  	[sflag:s3] =	ssyncadd.s32 $0xFFFF3800  }
0x11c: {  	[tilespmem:s2], [sflag:$0x3] =	stream.linear.gather [hbm4b:s10+s2], $0x640, $0x38;
	[tilespmem:$0x19C80] =	vst v63  }
0x11d: {  	_ =	swait.ge [sflag:s3], $0x640  }
0x11e: {  	[sflag:s3] =	ssyncset.done $0x0  }
0x11f: {  	[sflag:s3] =	ssyncadd.s32 $0xFFFFF9C0  }
0x120: {  	[tilespmem:s6], [sflag:$0x1] =	stream.indirect.gather [hbm4b:s4+s5], $0x20, s2, s5, $0xb8;
	[tilespmem:$0x19C80] =	vst v63  }
0x121: {  	_ =	swait.ge [sflag:s9], $0xC800  }
0x122: {  	[sflag:s9] =	ssyncset.done $0x0  }
0x123: {  	[sflag:s9] =	ssyncadd.s32 $0xFFFF3800  }
0x124: {  	[hbm4b:s11+s2] =	stream.linear.scatter [tilespmem:s7], [sflag:$0x3], $0xC800, $0x38;
	[tilespmem:$0x19C80] =	vst v63  }
0x125: {  	_ =	swait.ge [sflag:s3], $0xC800  }
0x126: {  	[sflag:s3] =	ssyncset.done $0x0  }
0x127: {  	[sflag:s3] =	ssyncadd.s32 $0xFFFF3800  }
0x128: {  	[tilespmem:s5], [sflag:$0x3] =	stream.linear.gather [hbm4b:s12+s2], $0x640, $0x38;
	[tilespmem:$0x19C80] =	vst v63  }
0x129: {  	_ =	swait.ge [sflag:s3], $0x640  }
0x12a: {  	[sflag:s3] =	ssyncset.done $0x0  }
0x12b: {  	[sflag:s3] =	ssyncadd.s32 $0xFFFFF9C0  }
0x12c: {  	[tilespmem:s7], [sflag:$0x2] =	stream.indirect.gather [hbm4b:s4+s5], $0x20, s5, s5, $0xb8;
	[tilespmem:$0x19C80] =	vst v63  }
0x12d: {  	_ =	swait.ge [sflag:s8], $0xC800  }
0x12e: {  	[sflag:s8] =	ssyncset.done $0x0  }
0x12f: {  	[sflag:s8] =	ssyncadd.s32 $0xFFFF3800  }
0x130: {  	[hbm4b:s13+s2] =	stream.linear.scatter [tilespmem:s6], [sflag:$0x3], $0xC800, $0x38;
	[tilespmem:$0x19C80] =	vst v63  }
0x131: {  	_ =	swait.ge [sflag:s3], $0xC800  }
0x132: {  	[sflag:s3] =	ssyncset.done $0x0  }
0x133: {  	[sflag:s3] =	ssyncadd.s32 $0xFFFF3800  }
0x134: {  	[tilespmem:s2], [sflag:$0x3] =	stream.linear.gather [hbm4b:s14+s2], $0x640, $0x38;
	[tilespmem:$0x19C80] =	vst v63  }
0x135: {  	_ =	swait.ge [sflag:s3], $0x640  }
0x136: {  	[sflag:s3] =	ssyncset.done $0x0  }
0x137: {  	[sflag:s3] =	ssyncadd.s32 $0xFFFFF9C0  }
0x138: {  	[tilespmem:s6], [sflag:$0x1] =	stream.indirect.gather [hbm4b:s4+s5], $0x20, s2, s5, $0xb8;
	[tilespmem:$0x19C80] =	vst v63  }
0x139: {  	_ =	swait.ge [sflag:s9], $0xC800  }
0x13a: {  	[sflag:s9] =	ssyncset.done $0x0  }
0x13b: {  	[sflag:s9] =	ssyncadd.s32 $0xFFFF3800  }
0x13c: {  	[hbm4b:s15+s2] =	stream.linear.scatter [tilespmem:s7], [sflag:$0x3], $0xC800, $0x38;
	[tilespmem:$0x19C80] =	vst v63  }
0x13d: {  	_ =	swait.ge [sflag:s3], $0xC800  }
0x13e: {  	[sflag:s3] =	ssyncset.done $0x0  }
0x13f: {  	[sflag:s3] =	ssyncadd.s32 $0xFFFF3800  }
0x140: {  	[tilespmem:s5], [sflag:$0x3] =	stream.linear.gather [hbm4b:s16+s2], $0x640, $0x38;
	[tilespmem:$0x19C80] =	vst v63  }
0x141: {  	_ =	swait.ge [sflag:s3], $0x640  }
0x142: {  	[sflag:s3] =	ssyncset.done $0x0  }
0x143: {  	[sflag:s3] =	ssyncadd.s32 $0xFFFFF9C0  }
0x144: {  	[tilespmem:s7], [sflag:$0x2] =	stream.indirect.gather [hbm4b:s4+s5], $0x20, s5, s5, $0xb8;
	[tilespmem:$0x19C80] =	vst v63  }
0x145: {  	_ =	swait.ge [sflag:s8], $0xC800  }
0x146: {  	[sflag:s8] =	ssyncset.done $0x0  }
0x147: {  	[sflag:s8] =	ssyncadd.s32 $0xFFFF3800  }
0x148: {  	[hbm4b:s17+s2] =	stream.linear.scatter [tilespmem:s6], [sflag:$0x3], $0xC800, $0x38;
	[tilespmem:$0x19C80] =	vst v63  }
0x149: {  	_ =	swait.ge [sflag:s3], $0xC800  }
0x14a: {  	[sflag:s3] =	ssyncset.done $0x0  }
0x14b: {  	[sflag:s3] =	ssyncadd.s32 $0xFFFF3800  }
0x14c: {  	[tilespmem:s2], [sflag:$0x3] =	stream.linear.gather [hbm4b:s18+s2], $0x640, $0x38;
	[tilespmem:$0x19C80] =	vst v63  }
0x14d: {  	_ =	swait.ge [sflag:s3], $0x640  }
0x14e: {  	[sflag:s3] =	ssyncset.done $0x0  }
0x14f: {  	[sflag:s3] =	ssyncadd.s32 $0xFFFFF9C0  }
0x150: {  	[tilespmem:s6], [sflag:$0x1] =	stream.indirect.gather [hbm4b:s4+s5], $0x20, s2, s5, $0xb8;
	[tilespmem:$0x19C80] =	vst v63  }
0x151: {  	_ =	swait.ge [sflag:s9], $0xC800  }
0x152: {  	[sflag:s9] =	ssyncset.done $0x0  }
0x153: {  	[sflag:s9] =	ssyncadd.s32 $0xFFFF3800  }
0x154: {  	[hbm4b:s19+s2] =	stream.linear.scatter [tilespmem:s7], [sflag:$0x3], $0xC800, $0x38;
	[tilespmem:$0x19C80] =	vst v63  }
0x155: {  	_ =	swait.ge [sflag:s3], $0xC800  }
0x156: {  	[sflag:s3] =	ssyncset.done $0x0  }
0x157: {  	[sflag:s3] =	ssyncadd.s32 $0xFFFF3800  }
0x158: {  	[tilespmem:s5], [sflag:$0x3] =	stream.linear.gather [hbm4b:s20+s2], $0x640, $0x38;
	[tilespmem:$0x19C80] =	vst v63  }
0x159: {  	_ =	swait.ge [sflag:s3], $0x640  }
0x15a: {  	[sflag:s3] =	ssyncset.done $0x0  }
0x15b: {  	[sflag:s3] =	ssyncadd.s32 $0xFFFFF9C0  }
0x15c: {  	[tilespmem:s7], [sflag:$0x2] =	stream.indirect.gather [hbm4b:s4+s5], $0x20, s5, s5, $0xb8;
	[tilespmem:$0x19C80] =	vst v63  }
0x15d: {  	_ =	swait.ge [sflag:s8], $0xC800  }
0x15e: {  	[sflag:s8] =	ssyncset.done $0x0  }
0x15f: {  	[sflag:s8] =	ssyncadd.s32 $0xFFFF3800  }
0x160: {  	[hbm4b:s21+s2] =	stream.linear.scatter [tilespmem:s6], [sflag:$0x3], $0xC800, $0x38;
	[tilespmem:$0x19C80] =	vst v63  }
0x161: {  	_ =	swait.ge [sflag:s3], $0xC800  }
0x162: {  	[sflag:s3] =	ssyncset.done $0x0  }
0x163: {  	[sflag:s3] =	ssyncadd.s32 $0xFFFF3800  }
0x164: {  	[tilespmem:s2], [sflag:$0x3] =	stream.linear.gather [hbm4b:s22+s2], $0x640, $0x38;
	[tilespmem:$0x19C80] =	vst v63  }
0x165: {  	_ =	swait.ge [sflag:s3], $0x640  }
0x166: {  	[sflag:s3] =	ssyncset.done $0x0  }
0x167: {  	[sflag:s3] =	ssyncadd.s32 $0xFFFFF9C0  }
0x168: {  	[tilespmem:s6], [sflag:$0x1] =	stream.indirect.gather [hbm4b:s4+s5], $0x20, s2, s5, $0xb8;
	[tilespmem:$0x19C80] =	vst v63  }
0x169: {  	_ =	swait.ge [sflag:s9], $0xC800  }
0x16a: {  	[sflag:s9] =	ssyncset.done $0x0  }
0x16b: {  	[sflag:s9] =	ssyncadd.s32 $0xFFFF3800  }
0x16c: {  	[hbm4b:s23+s2] =	stream.linear.scatter [tilespmem:s7], [sflag:$0x3], $0xC800, $0x38;
	[tilespmem:$0x19C80] =	vst v63  }
0x16d: {  	_ =	swait.ge [sflag:s3], $0xC800  }
0x16e: {  	[sflag:s3] =	ssyncset.done $0x0  }
0x16f: {  	[sflag:s3] =	ssyncadd.s32 $0xFFFF3800  }
0x170: {  	[tilespmem:s5], [sflag:$0x3] =	stream.linear.gather [hbm4b:s24+s2], $0x640, $0x38;
	[tilespmem:$0x19C80] =	vst v63  }
0x171: {  	_ =	swait.ge [sflag:s3], $0x640  }
0x172: {  	[sflag:s3] =	ssyncset.done $0x0  }
0x173: {  	[sflag:s3] =	ssyncadd.s32 $0xFFFFF9C0  }
0x174: {  	[tilespmem:s7], [sflag:$0x2] =	stream.indirect.gather [hbm4b:s4+s5], $0x20, s5, s5, $0xb8;
	[tilespmem:$0x19C80] =	vst v63  }
0x175: {  	_ =	swait.ge [sflag:s8], $0xC800  }
0x176: {  	[sflag:s8] =	ssyncset.done $0x0  }
0x177: {  	[sflag:s8] =	ssyncadd.s32 $0xFFFF3800  }
0x178: {  	[hbm4b:s25+s2] =	stream.linear.scatter [tilespmem:s6], [sflag:$0x3], $0xC800, $0x38;
	[tilespmem:$0x19C80] =	vst v63  }
0x179: {  	_ =	swait.ge [sflag:s3], $0xC800  }
0x17a: {  	[sflag:s3] =	ssyncset.done $0x0  }
0x17b: {  	[sflag:s3] =	ssyncadd.s32 $0xFFFF3800  }
0x17c: {  	[tilespmem:s2], [sflag:$0x3] =	stream.linear.gather [hbm4b:s26+s2], $0x640, $0x38;
	[tilespmem:$0x19C80] =	vst v63  }
0x17d: {  	_ =	swait.ge [sflag:s3], $0x640  }
0x17e: {  	[sflag:s3] =	ssyncset.done $0x0  }
0x17f: {  	[sflag:s3] =	ssyncadd.s32 $0xFFFFF9C0  }
0x180: {  	[tilespmem:s6], [sflag:$0x1] =	stream.indirect.gather [hbm4b:s4+s5], $0x20, s2, s5, $0xb8;
	[tilespmem:$0x19C80] =	vst v63  }
0x181: {  	_ =	swait.ge [sflag:s9], $0xC800  }
0x182: {  	[sflag:s9] =	ssyncset.done $0x0  }
0x183: {  	[sflag:s9] =	ssyncadd.s32 $0xFFFF3800  }
0x184: {  	[hbm4b:s28+s2] =	stream.linear.scatter [tilespmem:s7], [sflag:$0x3], $0xC800, $0x38;
	[tilespmem:$0x19C80] =	vst v63  }
0x185: {  	_ =	swait.ge [sflag:s3], $0xC800  }
0x186: {  	[sflag:s3] =	ssyncset.done $0x0  }
0x187: {  	[sflag:s3] =	ssyncadd.s32 $0xFFFF3800  }
0x188: {  	[tilespmem:s5], [sflag:$0x3] =	stream.linear.gather [hbm4b:s29+s2], $0x640, $0x38;
	[tilespmem:$0x19C80] =	vst v63  }
0x189: {  	_ =	swait.ge [sflag:s3], $0x640  }
0x18a: {  	[sflag:s3] =	ssyncset.done $0x0  }
0x18b: {  	[sflag:s3] =	ssyncadd.s32 $0xFFFFF9C0  }
0x18c: {  	[tilespmem:s7], [sflag:$0x2] =	stream.indirect.gather [hbm4b:s4+s5], $0x20, s5, s5, $0xb8;
	[tilespmem:$0x19C80] =	vst v63  }
0x18d: {  	_ =	swait.ge [sflag:s8], $0xC800  }
0x18e: {  	[sflag:s8] =	ssyncset.done $0x0  }
0x18f: {  	[sflag:s8] =	ssyncadd.s32 $0xFFFF3800  }
0x190: {  	[hbm4b:s30+s2] =	stream.linear.scatter [tilespmem:s6], [sflag:$0x3], $0xC800, $0x38;
	[tilespmem:$0x19C80] =	vst v63  }
0x191: {  	_ =	swait.ge [sflag:s3], $0xC800  }
0x192: {  	[sflag:s3] =	ssyncset.done $0x0  }
0x193: {  	p0 =	sne.s32 s1, $0x1;
	[sflag:s3] =	ssyncadd.s32 $0xFFFF3800  }
.Ltmp1:
0x194: {  	_ =	swait.ge [sflag:s9], $0xC800;
	(pc) =	sbr.rel @p0 .LBB2_1-.Ltmp1, $4  }
0x195: {  	[sflag:s9] =	ssyncset.done $0x0  }
0x196: {  	[sflag:s9] =	ssyncadd.s32 $0xFFFF3800  }
0x197: {  	[hbm4b:s31+s2] =	stream.linear.scatter [tilespmem:s7], [sflag:$0x3], $0xC800, $0x38;
	[tilespmem:$0x19C80] =	vst v63  }
0x198: {  	s1 =	sadd.s32 $0xFFFFFFFF, s1;
	_ =	swait.ge [sflag:s3], $0xC800  }
.LBB2_2:
0x199: {  	[sflag:s3] =	ssyncset.done $0x0  }
0x19a: {  	[sflag:s3] =	ssyncadd.s32 $0xFFFF3800  }
0x19b: {  	_ =	sfence.sel $0x180000  }
0x19c: {  	[bflag:$0x0] =	sbarrier.arrive $0xFFFF  }
0x19d: {  	_ =	strace $0x90000047  }
0x19e: {  	s0 =	stileid.u32;
	[bflag:$0x2] =	sbarrier.arrive $0xFFFF  }
0x19f: {  	p0 =	sne.s32 s0, $0x0;
	s0 =	rddreg [dreg:$0x2]  }
0x1a0: {  	s0 =	sadd.s32 @!p0 $0x100000, s0  }
0x1a1: {  	[sflag:s0] =	ssyncadd.tile.s32 @!p0 $0x1;
	_ =	shalt  }
.Lfunc_end2:
_tile_overlayer_lowered:
.L_overlay_start_2:
0x1a2: {  	(tag) =	ssettag $0x2  }
0x1a3: {  	s0 =	rddreg [dreg:$0x0];
	s2 =	stileid.u32  }
0x1a4: {  	s1 =	rddreg [dreg:$0x1];
	p0 =	sne.s32 s2, $0x0  }
0x1a5: {  	s3 =	rddreg [dreg:$0x2];
	[bflag:$0x3] =	sbarrier.arrive $0xFFFF;
	s2 =	simm.s32 @!p0 $0x1C03  }
0x1a6: {  	[timem:s3], [sflag:s2] =	dma.local @!p0 [hbm:s0], s1  }
0x1a7: {  	s0 =	simm.s32 @!p0 $0x3  }
0x1a8: {  	_ =	swait.ge @!p0 [sflag:s0], s1  }
0x1a9: {  	s1 =	ssub.s32 @!p0 $0x0, s1;
	[sflag:s0] =	ssyncset.done @!p0 $0x0  }
0x1aa: {  	[sflag:s0] =	ssyncadd.s32 @!p0 s1  }
0x1ab: {  	[bflag:$0x3] =	sbarrier.arrive $0xFFFF  }
0x1ac: {  	_ =	shalt  }

// kernel: sparse-core-data-format-call.cloned.1.call-start
scs
called_computation_lowered:
.L_overlay_start_0:
0x0: {  	s2 =	sld [smem:$0x3FD9]  }
0x1: {  	s3 =	sld [smem:$0x3FFE];
	_ =	sdelay $0x1  }
0x2: {  	s1 =	srdreg.scid  }
0x3: {  	s0 =	sand.u32 $0x1, s1  }
0x4: {  	s18 =	sshll.u32 s0, $0xA;
	s2 =	sadd.s32 s3, s2  }
0x5: {  	s2 =	sadd.s32 s2, s18  }
0x6: {  	[smem:$0x3FC6] =	sst s2  }
0x7: {  	_ = 	snop  }
0x8: {  	s2 =	sld [smem:$0x3FD0];
	(tm) =	ssettm $0x1  }
0x9: {  	s19 =	sld [smem:$0x3FFB];
	_ =	sdelay $0x3  }
0xa: {  	_ =	strace s19  }
0xb: {  	s3 =	sld [smem:$0x3FFC];
	_ =	sdelay $0x3  }
0xc: {  	_ =	strace s3  }
0xd: {  	s3 =	sld [smem:$0x3FFD];
	_ =	sdelay $0x3  }
0xe: {  	_ =	strace s3  }
0xf: {  	_ =	strace $0x8FFFFFFF  }
0x10: {  	s20 =	sld [smem:$0x3FDB];
	_ =	sdelay $0x1  }
0x11: {  	s4 =	simm.s32 $_scs_section_size  }
0x12: {  	s5 =	simm.s32 $_size__tile_overlayer_lowered;
	s6 =	simm.s32 $_tile_overlayer_lowered  }
0x13: {  	s23 =	simm.s32 $0x1BFF;
	s22 =	sshll.u32 s6, $0x1;
	s3 =	sadd.s32 s4, s20  }
0x14: {  	s7 =	simm.s32 $0x0;
	s21 =	sshll.u32 s5, $0x1;
	s5 =	sadd.s32 s22, s3  }
0x15: {  	[timem:s7], [sflag:s23] =	dma.local [hbm:s5], s21  }
0x16: {  	_ =	swait.ge [sflag:s23], s21  }
0x17: {  	s4 =	ssub.s32 $0x0, s21;
	[sflag:s23] =	ssyncset.done $0x0  }
0x18: {  	[sflag:s23] =	ssyncadd.s32 s4;
	_ =	sdelay $0x1  }
0x19: {  	s24 =	simm.s32 $0x1B8B  }
0x1a: {  	_ =	swait.ge [sflag:s24], $0x1  }
0x1b: {  	[sflag:s24] =	ssyncset.done $0x0  }
0x1c: {  	s26 =	simm.s32 $0x1B8E;
	s25 =	sld [smem:$0x3FFE];
	[sflag:s24] =	ssyncadd.s32 $0xFFFFFFFF  }
0x1d: {  	s27 =	simm.s32 $execute0_lowered;
	[smem:$0x3FD2] =	sst s26  }
0x1e: {  	s5 =	sshll.u32 s27, $0x1;
	_ =	strace $0x80000049;
	[dreg:$0x1] =	wrdreg $0xFFFFFFFF  }
0x1f: {  	s28 =	simm.s32 $_size_execute0_lowered;
	s3 =	sadd.s32 s3, s5;
	[dreg:$0x0] =	wrdreg $0x0  }
0x20: {  	s5 =	sshll.u32 s28, $0x1;
	[dreg:$0x2] =	wrdreg s3  }
0x21: {  	[dreg:$0x3] =	wrdreg s5  }
0x22: {  	[dreg:$0x4] =	wrdreg $0xC0  }
0x23: {  	_ =	task [dreg:s7], $0x5FFFF  }
0x24: {  	[dreg:$0x1] =	wrdreg $0xFFFFFFFF  }
0x25: {  	[dreg:$0x0] =	wrdreg $0x60  }
0x26: {  	[dreg:$0x2] =	wrdreg s25  }
0x27: {  	[dreg:$0x3] =	wrdreg s2  }
0x28: {  	[dreg:$0x4] =	wrdreg $0x9  }
0x29: {  	_ =	task.clear_ibuf [dreg:s7], $0x5FFFF;
	_ =	strace $0x90000049  }
0x2a: {  	s29 =	simm.s32 $0x9;
	_ =	strace $0x8000004B  }
0x2b: {  	_ =	swait.ge [sflag:s29], $0x1  }
0x2c: {  	[sflag:s29] =	ssyncadd.s32 $0xFFFFFFFF  }
0x2d: {  	_ =	strace $0x9000004B  }
0x2e: {  	_ =	sfence  }
0x2f: {  	s30 =	sld [smem:$0x0];
	_ =	sdelay $0x2  }
0x30: {  	s31 =	sshll.u32 s1, $0xD;
	s1 =	sshrl.u32 s1, $0x2  }
0x31: {  	s3 =	sand.u32 $0x4000, s31;
	s1 =	sadd.s32 s1, s30  }
0x32: {  	s0 =	sor.u32 s3, s0;
	s1 =	sshll.u32 s1, $0x11  }
0x33: {  	s0 =	sor.u32 s1, s0  }
0x34: {  	s0 =	sadd.s32 $0x8F2B, s0  }
0x35: {  	[sflag:s0] =	ssyncadd.remote.s32 $0x1  }
0x36: {  	_ =	sfence.sel $0xFFFF  }
0x37: {  	[dreg:$0x0] =	wrdreg $0xFFFFFFFF;
	(pc) =	sbr.abs _section_cstart, $3  }
0x38: {  	[dreg:$0x1] =	wrdreg $0xFFFFFFFF  }
0x39: {  	_ =	task.clear_ibuf [dreg:s7], $0x2FFFF;
	_ =	strace $0x9FFFFFFF  }
0x3a: {  	(tm) =	ssettm $0x7FFFFFFF  }
0x3b: {  	_ =	shalt  }
tec
execute0_lowered:
.L_overlay_start_1:
0x0: {  	(tag) =	ssettag $0x1  }
0x1: {  	s0 =	srdreg.scid  }
0x2: {  	s1 =	sshll.u32 s0, $0x4  }
0x3: {  	s0 =	stileid.u32;
	s1 =	sand.u32 $0x10, s1  }
0x4: {  	s1 =	sor.u32 s0, s1  }
0x5: {  	s6 =	rddreg [dreg:$0x0];
	s4 =	simm.s32 $0x1;
	s2 =	sshll.u32 s1, $0x7  }
0x6: {  	s7 =	simm.s32 $0x2;
	s12 =	simm.s32 $0x0;
	s1 =	ssub.s32 $0x4000, s2  }
0x7: {  	s8 =	simm.s32 $0x20000;
	s13 =	simm.s32 $0x0;
	s3 =	sand.u32 $0xF80, s1  }
0x8: {  	s9 =	simm.s32 $0x0;
	s5 =	sshrl.u32 s1, $0xC;
	p0 =	sne.s32 s3, $0x0  }
.Ltmp0:
0x9: {  	s1 =	rddreg [dreg:$0x2];
	s4 =	simm.s32 @!p0 $0x0;
	(pc) =	sbr.rel .LBB1_1-.Ltmp0, $4  }
0xa: {  	s11 =	simm.s32 $0x0;
	s3 =	rddreg [dreg:$0x1];
	s5 =	sadd.s32 s4, s5  }
0xb: {  	_ =	strace $0x8000004A;
	s4 =	simm.s32 $0x1;
	s5 =	smul.u32 $0x32, s5  }
0xc: {  	s6 =	sadd.s32 $0xA00, s6;
	s10 =	smov.u32 s2;
	[sflag:s4] =	ssyncpa.u1 $0x0  }
0xd: {  	p0 =	por $0x0, $0x0;
	[sflag:s7] =	ssyncpa.u1 $0x0;
	s7 =	sor.u32 $0x1, s5  }
.LBB1_4:
0xe: {  	s16 =	sshll.u32 s13, $0x3;
	s17 =	sand.u32 $0x78, s13  }
0xf: {  	s30 =	sand.u32 $0xF800, s13;
	s12 =	sshll.u32 s12, $0x10;
	s16 =	sand.u32 $0x3C00, s16  }
0x10: {  	s31 =	sand.u32 $0x7, s13;
	s16 =	sor.u32 s17, s16;
	s17 =	sadd.s32 s3, s30  }
0x11: {  	s13 =	sshll.u32 s31, $0x12;
	s16 =	sshrl.u32 s16, $0x3;
	s12 =	sadd.s32 s12, s17  }
0x12: {  	[tilespmem:s15+$0x0 ss:$0x81] =	vst.msk $0xffff, v0;
	s13 =	sor.u32 $0x400, s13;
	s12 =	sadd.s32 s16, s12  }
0x13: {  	[hbm4b:s12+s13] =	stream.strided.scatter [tilespmem:s14], [sflag:$0x2], $0x1000, s8, s13, $0x20;
	[tilespmem:$0x4040] =	vst v63  }
.LBB1_5:
0x14: {  	s14 =	sadd.s32 $0x1, s9  }
0x15: {  	s12 =	sadd.s32 $0x1000, s10;
	s16 =	smov.u32 s10;
	p2 =	sgt.s32 s14, $0x31  }
0x16: {  	s16 =	smov.u32 @p2 s12  }
0x17: {  	s14 =	simm.s32 @p2 $0x0;
	p2 =	sgt.s32 s16, $0x3FFF  }
0x18: {  	s16 =	smov.u32 @p2 s2;
	p2 =	sne.s32 s11, s7  }
.Ltmp1:
0x19: {  	p1 =	slt.u32 s11, $0x2;
	(pc) =	sbr.rel @!p2 .LBB1_6-.Ltmp1, $4  }
0x1a: {  	s15 =	simm.s32 @!p1 $0x2  }
0x1b: {  	s13 =	smov.u32 s10;
	p0 =	por !p0, !p0;
	_ =	swait.ge @!p1 [sflag:s15], $0x1000  }
0x1c: {  	s12 =	smov.u32 s9;
	[sflag:s15] =	ssyncset.done @!p1 $0x0;
	s9 =	smov.u32 s14  }
0x1d: {  	s11 =	sadd.s32 $0x1, s11;
	[sflag:s15] =	ssyncadd.s32 @!p1 $0xFFFFF000;
	s10 =	smov.u32 s16  }
.LBB1_1:
0x1e: {  	p1 =	sge.u32 s11, s5  }
0x1f: {  	s14 =	sand.u32 @!p1 $0x1FFFFFF, s9  }
0x20: {  	s15 =	smulhi.u32 @!p1 $0x4924925, s14;
	_ =	sdelay $0x1  }
0x21: {  	s15 =	smul.u32 @!p1 $0x38, s15  }
0x22: {  	s16 =	sxor.u32 @!p1 $0xFFFFFFFF, s11;
	s17 =	smul.u32 @!p1 $0x380, s10  }
0x23: {  	s31 =	sadd.s32 $0xFFFFFFFF, s11;
	s16 =	sshll.u32 @!p1 s16, $0xC;
	s14 =	ssub.s32 @!p1 s14, s15  }
0x24: {  	s15 =	sand.u32 @!p1 $0x1000, s16;
	s16 =	sadd.s32 @!p1 s6, s17;
	s14 =	sshll.u32 @!p1 s14, $0x4  }
0x25: {  	s17 =	simm.s32 @!p1 $0x1C00;
	s14 =	sadd.s32 @!p1 s14, s16;
	s16 =	simm.s32 @!p1 $0x20  }
0x26: {  	[tilespmem:s15], [sflag:$0x1] =	stream.strided.gather @!p1 [hbm4b:s14+s16], $0x1000, s17, s16, $0x38;
	[tilespmem:$0x4040] =	vst v63  }
0x27: {  	p1 =	sge.u32 s31, s5  }
.Ltmp2:
0x28: {  	_ = 	snop;
	(pc) =	sbr.rel @p1 .LBB1_5-.Ltmp2, $1  }
0x29: {  	_ =	sdelay $0x3  }
0x2a: {  	s14 =	simm.s32 $0x1  }
0x2b: {  	_ =	swait.ge [sflag:s4], $0x1000;
	s14 =	simm.s32 @!p0 $0x0  }
0x2c: {  	[sflag:s4] =	ssyncset.done $0x0;
	s15 =	sshll.u32 s14, $0xC  }
0x2d: {  	[sflag:s4] =	ssyncadd.s32 $0xFFFFF000;
	s18 =	sor.u32 $0x10, s15  }
0x2e: {  	s14 =	smul.u32 $0x4080, s14;
	v1 =	vld [tilespmem:s18+$0x0]  }
0x2f: {  	s30 =	sand.u32 $0x1, s11;
	v0 =	vld [tilespmem:s18+$0xFFFFFFF0]  }
0x30: {  	s15 =	smul.u32 $0x4080, s30;
	s14 =	sshrl.u32 s14, $0x2  }
0x31: {  	s16 =	sor.u32 $0x2000, s14  }
0x32: {  	s31 =	sshrl.u32 s15, $0x2;
	s15 =	sadd.s32 $0x0, s16  }
0x33: {  	s17 =	simm.s32 $0x4;
	s18 =	sadd.s32 $0x20, s18;
	s14 =	sor.u32 $0x2000, s31;
	[tilespmem:s15+$0x810 ss:$0x81] =	vst.msk $0xffff, v1  }
.LBB1_3:
0x34: {  	v1 =	vld [tilespmem:s18+$0x0];
	p1 =	sne.s32 s17, $0x1FC;
	[tilespmem:s15+$0x0 ss:$0x81] =	vst.msk $0xffff, v0;
	s15 =	smov.u32 s17;
	s17 =	sadd.s32 $0x4, s17  }
.Ltmp3:
0x35: {  	v0 =	vld [tilespmem:s18+$0xFFFFFFF0];
	(pc) =	sbr.rel @p1 .LBB1_3-.Ltmp3, $4  }
0x36: {  	_ = 	snop  }
0x37: {  	s15 =	sshra.s32 s15, $0x2  }
0x38: {  	s15 =	sadd.s32 s15, s16  }
0x39: {  	s18 =	sadd.s32 $0x20, s18;
	[tilespmem:s15+$0x810 ss:$0x81] =	vst.msk $0xffff, v1  }
.Ltmp4:
0x3a: {  	_ = 	snop;
	(pc) =	sbr.rel .LBB1_4-.Ltmp4, $1  }
0x3b: {  	_ =	sdelay $0x3  }
.LBB1_6:
0x3c: {  	_ =	sfence.sel $0x180000  }
0x3d: {  	s2 =	simm.s32 $0x1;
	[bflag:$0x0] =	sbarrier.arrive $0xFFFF  }
0x3e: {  	s31 =	simm.s32 $0x2;
	[sflag:s2] =	ssyncpa.u1 $0x1  }
0x3f: {  	[sflag:s31] =	ssyncpa.u1 $0x1  }
0x40: {  	p0 =	sne.s32 s0, $0x0;
	_ =	strace $0x9000004A  }
0x41: {  	s0 =	sadd.s32 @!p0 $0x100000, s1;
	[bflag:$0x2] =	sbarrier.arrive $0xFFFF  }
0x42: {  	[sflag:s0] =	ssyncadd.tile.s32 @!p0 $0x1;
	_ =	shalt  }
.Lfunc_end1:
_tile_overlayer_lowered:
.L_overlay_start_2:
0x43: {  	(tag) =	ssettag $0x2  }
0x44: {  	s0 =	rddreg [dreg:$0x0];
	s2 =	stileid.u32  }
0x45: {  	s1 =	rddreg [dreg:$0x1];
	p0 =	sne.s32 s2, $0x0  }
0x46: {  	s3 =	rddreg [dreg:$0x2];
	[bflag:$0x3] =	sbarrier.arrive $0xFFFF;
	s2 =	simm.s32 @!p0 $0x1C01  }
0x47: {  	[timem:s3], [sflag:s2] =	dma.local @!p0 [hbm:s0], s1  }
0x48: {  	s0 =	simm.s32 @!p0 $0x1  }
0x49: {  	_ =	swait.ge @!p0 [sflag:s0], s1  }
0x4a: {  	s1 =	ssub.s32 @!p0 $0x0, s1;
	[sflag:s0] =	ssyncset.done @!p0 $0x0  }
0x4b: {  	[sflag:s0] =	ssyncadd.s32 @!p0 s1  }
0x4c: {  	[bflag:$0x3] =	sbarrier.arrive $0xFFFF  }
0x4d: {  	_ =	shalt  }

</sc_bundles>
